<compile_context>
chip_gen: v7x
topology: tpu7x:2x2x1
jax: 0.10.2.dev20260603
libtpu: 0.0.44.dev20260713+nightly
codegen_flags: <defaults>
</compile_context>

<pallas_src>
import functools

import jax
import jax.numpy as jnp
from jax import lax
from jax.experimental import pallas as pl
from jax.experimental.pallas import tpu as pltpu
from jax.experimental.pallas import tpu_sc as plsc

B, N_NUM, N_TREES, EMB_DIM, VOCAB, HIDDEN, N_CLASSES = (
    16384, 13, 100, 256 // 16, 256, 64, 2)

NC, NS, L = 2, 16, 16
NW = NC * NS
SPT = B // NW
G = SPT // 128


def _project_body(tables_ref, w1e_ref, p_ref):
    def body(t, _):
        p_ref[t] = lax.dot_general(
            tables_ref[t], w1e_ref[t],
            (((1,), (1,)), ((), ())),
            preferred_element_type=jnp.float32)
        return 0
    lax.fori_loop(0, N_TREES, body, 0)


def _project(tables, w1e):
    return pl.pallas_call(
        _project_body,
        out_shape=jax.ShapeDtypeStruct((N_TREES, VOCAB, HIDDEN), jnp.float32),
    )(tables, w1e)


def _embbag_body(p_hbm, leaft_hbm, out_hbm, idx_v, fidx_v, rows_v, acc_v,
                 idx_sem0, idx_sem1, gat_sem0, gat_sem1, out_sem):
    wid = lax.axis_index("s") * NC + lax.axis_index("c")
    base = wid * SPT

    idx_sems = (idx_sem0, idx_sem1)
    gat_sems = (gat_sem0, gat_sem1)

    zero = jnp.zeros((L,), jnp.float32)

    def zbody(i, _):
        for j in range(HIDDEN // L):
            acc_v[i, pl.ds(j * L, L)] = zero
        return 0
    lax.fori_loop(0, SPT, zbody, 0, unroll=4)

    def start_idx(t, buf):
        pltpu.async_copy(leaft_hbm.at[t, pl.ds(base, SPT)], idx_v.at[buf],
                         idx_sems[buf])

    def wait_idx(buf):
        pltpu.make_async_copy(leaft_hbm.at[0, pl.ds(base, SPT)],
                              idx_v.at[buf], idx_sems[buf]).wait()

    def fire_gathers(t, buf):
        off = jnp.full((L,), t * VOCAB, dtype=jnp.int32)
        for i in range(SPT // L):
            fidx_v[buf, pl.ds(i * L, L)] = idx_v[buf, pl.ds(i * L, L)] + off
        for g in range(G):
            pltpu.async_copy(
                p_hbm.at[fidx_v.at[buf, pl.ds(g * 128, 128)]],
                rows_v.at[buf, pl.ds(g * 128, 128)],
                gat_sems[buf])

    def wait_gathers(buf):
        for g in range(G):
            pltpu.make_async_copy(
                p_hbm.at[fidx_v.at[buf, pl.ds(g * 128, 128)]],
                rows_v.at[buf, pl.ds(g * 128, 128)],
                gat_sems[buf]).wait()

    def accumulate(buf):
        def abody(s, _):
            for j in range(HIDDEN // L):
                x = rows_v[buf, s, pl.ds(j * L, L)]
                plsc.addupdate(acc_v.at[s, pl.ds(j * L, L)], x)
            return 0
        lax.fori_loop(0, SPT, abody, 0, unroll=8)

    start_idx(0, 0)
    wait_idx(0)
    fire_gathers(0, 0)
    start_idx(1, 1)

    def pair_body(g, _):
        t0 = 2 * g
        wait_idx(1)
        fire_gathers(t0 + 1, 1)

        @pl.when(t0 + 2 < N_TREES)
        def _():
            start_idx(t0 + 2, 0)
        wait_gathers(0)
        accumulate(0)

        @pl.when(t0 + 2 < N_TREES)
        def _():
            wait_idx(0)
            fire_gathers(t0 + 2, 0)

        @pl.when(t0 + 3 < N_TREES)
        def _():
            start_idx(t0 + 3, 1)
        wait_gathers(1)
        accumulate(1)
        return 0

    lax.fori_loop(0, N_TREES // 2, pair_body, 0)

    pltpu.async_copy(acc_v, out_hbm.at[pl.ds(base, SPT)], out_sem).wait()


def _embbag(p_flat, leaft):
    mesh = plsc.VectorSubcoreMesh(core_axis_name="c", subcore_axis_name="s")
    return pl.kernel(
        _embbag_body,
        out_type=jax.ShapeDtypeStruct((B, HIDDEN), jnp.float32),
        mesh=mesh,
        compiler_params=pltpu.CompilerParams(use_tc_tiling_on_sc=False),
        scratch_types=[
            pltpu.VMEM((2, SPT), jnp.int32),
            pltpu.VMEM((2, SPT), jnp.int32),
            pltpu.VMEM((2, SPT, HIDDEN), jnp.float32),
            pltpu.VMEM((SPT, HIDDEN), jnp.float32),
            pltpu.SemaphoreType.DMA,
            pltpu.SemaphoreType.DMA,
            pltpu.SemaphoreType.DMA,
            pltpu.SemaphoreType.DMA,
            pltpu.SemaphoreType.DMA,
        ],
    )(p_flat, leaft)


def _mlp_body(x_ref, h_ref, w1n_ref, b1_ref, w2_ref, b2_ref, o_ref):
    h = lax.dot_general(x_ref[...], w1n_ref[...], (((1,), (0,)), ((), ())),
                        preferred_element_type=jnp.float32)
    h = jnp.maximum(h + h_ref[...] + b1_ref[...], 0.0)
    o_ref[...] = lax.dot_general(h, w2_ref[...], (((1,), (0,)), ((), ())),
                                 preferred_element_type=jnp.float32) + b2_ref[...]


def _mlp(x_num, h_emb, w1n_t, b1, w2_t, b2):
    blk = 2048
    grid = (B // blk,)
    return pl.pallas_call(
        _mlp_body,
        grid=grid,
        in_specs=[
            pl.BlockSpec((blk, N_NUM), lambda i: (i, 0)),
            pl.BlockSpec((blk, HIDDEN), lambda i: (i, 0)),
            pl.BlockSpec((N_NUM, HIDDEN), lambda i: (0, 0)),
            pl.BlockSpec((1, HIDDEN), lambda i: (0, 0)),
            pl.BlockSpec((HIDDEN, N_CLASSES), lambda i: (0, 0)),
            pl.BlockSpec((1, N_CLASSES), lambda i: (0, 0)),
        ],
        out_specs=pl.BlockSpec((blk, N_CLASSES), lambda i: (i, 0)),
        out_shape=jax.ShapeDtypeStruct((B, N_CLASSES), jnp.float32),
    )(x_num, h_emb, w1n_t, b1, w2_t, b2)


def kernel(x_num, leaf_idx, tables, W1, b1, W2, b2):
    w1e = W1[:, N_NUM:].reshape(HIDDEN, N_TREES, EMB_DIM).transpose(1, 0, 2)
    p = _project(tables, w1e)
    p_flat = p.reshape(N_TREES * VOCAB, HIDDEN)

    leaft = jnp.clip(leaf_idx, 0, VOCAB - 1).astype(jnp.int32).T
    h_emb = _embbag(p_flat, leaft)

    w1n_t = W1[:, :N_NUM].T
    return _mlp(x_num, h_emb, w1n_t, b1.reshape(1, HIDDEN),
                W2.T, b2.reshape(1, N_CLASSES))

# --- scband reference (transcript-rebuilt; emitter-appended) ---
"""Pipeline reference for scband-deep-gbmnet-57758720196630 (READ-ONLY COPY).

The authoritative reference and input builder live on the scoring server;
editing this copy changes nothing except your own understanding.
"""

import jax, jax.numpy as jnp
import numpy as np

B, N_NUM, N_TREES, EMB_DIM, VOCAB, HIDDEN, N_CLASSES = 16384, 13, 100, 16, 256, 64, 2

def setup_inputs(seed: int = 0) -> dict:
    key = jax.random.key(seed)
    ks = jax.random.split(key, 6)
    x_num = jax.random.normal(ks[0], (B, N_NUM), dtype=jnp.float32)
    leaf_idx = jax.random.randint(ks[1], (B, N_TREES), 0, VOCAB)
    # Stacked embedding tables: one (VOCAB, EMB_DIM) table per tree (nn.Embedding default init ~ N(0,1))
    tables = jax.random.normal(ks[2], (N_TREES, VOCAB, EMB_DIM), dtype=jnp.float32)
    input_dim = N_NUM + N_TREES * EMB_DIM
    W1 = jax.random.normal(ks[3], (HIDDEN, input_dim), dtype=jnp.float32) * 0.02
    b1 = jnp.zeros((HIDDEN,), dtype=jnp.float32)
    W2 = jax.random.normal(ks[4], (N_CLASSES, HIDDEN), dtype=jnp.float32) * 0.02
    b2 = jnp.zeros((N_CLASSES,), dtype=jnp.float32)
    return {"x_num": x_num, "leaf_idx": leaf_idx, "tables": tables, "W1": W1, "b1": b1, "W2": W2, "b2": b2}

def reference(x_num, leaf_idx, tables, W1, b1, W2, b2):
    n_trees = tables.shape[0]
    idx = jnp.clip(leaf_idx, 0, tables.shape[1] - 1)
    # per-tree embedding lookup: leaf[b, t, :] = tables[t, idx[b, t], :]
    leaf = tables[jnp.arange(n_trees)[None, :], idx]
    leaf_concat = leaf.reshape(leaf.shape[0], -1)
    out = jnp.concatenate([x_num, leaf_concat], axis=1)
    h = jax.nn.relu(out @ W1.T + b1)
    # dropout p=0.0 -> identity
    return h @ W2.T + b2

if __name__ == "__main__":
    import jax
    _d = setup_inputs()
    print(jax.jit(kernel)(*tuple(_d.values())))

</pallas_src>

<mosaic_0001>
#map = affine_map<(d0, d1) -> (0, 0)>
module attributes {stable_mosaic.version = 14 : i64} {
  func.func @_embbag_body(%arg0: i32, %arg1: i32, %arg2: memref<25600x64xf32, #tpu.memory_space<hbm>>, %arg3: memref<100x16384xi32, #tpu.memory_space<hbm>>, %arg4: memref<16384x64xf32, #tpu.memory_space<hbm>>, %arg5: memref<2x512xi32, #tpu.memory_space<vmem>>, %arg6: memref<2x512xi32, #tpu.memory_space<vmem>>, %arg7: memref<2x512x64xf32, #tpu.memory_space<vmem>>, %arg8: memref<512x64xf32, #tpu.memory_space<vmem>>, %arg9: memref<!tpu.dma_semaphore, #tpu.memory_space<semaphore_mem>>, %arg10: memref<!tpu.dma_semaphore, #tpu.memory_space<semaphore_mem>>, %arg11: memref<!tpu.dma_semaphore, #tpu.memory_space<semaphore_mem>>, %arg12: memref<!tpu.dma_semaphore, #tpu.memory_space<semaphore_mem>>, %arg13: memref<!tpu.dma_semaphore, #tpu.memory_space<semaphore_mem>>) attributes {dimension_semantics = [#tpu.dimension_semantics<core_parallel>, #tpu.dimension_semantics<subcore_parallel>], iteration_bounds = array<i64: 2, 16>, scalar_prefetch = 0 : i64, scratch_operands = 9 : i64, tpu.core_type = #tpu.core_type<sc_vector_subcore>, window_params = [{transform_indices = #map}, {transform_indices = #map}, {transform_indices = #map}]} {
    %mul3A = arith.constant 2 : i32
    %mul3A_0 = arith.muli %arg1, %mul3A : i32
    %add3A = arith.addi %mul3A_0, %arg0 : i32
    %mul3A_1 = arith.constant 512 : i32
    %mul3A_2 = arith.muli %add3A, %mul3A_1 : i32
    %broadcast_in_dim3A = arith.constant 0.000000e+00 : f32
    %broadcast_in_dim3A_3 = vector.broadcast %broadcast_in_dim3A : f32 to vector<16xf32>
    %scan3A = arith.constant 0 : i32
    %scan3A_4 = arith.constant 0 : i32
    %scan3A_5 = arith.constant 512 : i32
    %scan3A_6 = arith.addi %scan3A_4, %scan3A_5 : i32
    %scan3A_7 = arith.constant 4 : i32
    %scan3A_8 = scf.for %scan3A_491 = %scan3A_4 to %scan3A_6 step %scan3A_7 iter_args(%scan3A_492 = %scan3A) -> (i32)  : i32 {
      %swap3A_493 = arith.index_cast %scan3A_491 : i32 to index
      %swap3A_494 = arith.constant 0 : index
      %swap3A_495 = tpu.vector_load %arg8[%swap3A_493, %swap3A_494] {strides = array<i32>} : memref<512x64xf32, #tpu.memory_space<vmem>>, vector<1x16xf32>,
      %swap3A_496 = vector.shape_cast %swap3A_495 : vector<1x16xf32> to vector<16xf32>
      %swap3A_497 = vector.shape_cast %broadcast_in_dim3A_3 : vector<16xf32> to vector<1x16xf32>
      tpu.vector_store %arg8[%swap3A_493, %swap3A_494], %swap3A_497 {strides = array<i32>} : memref<512x64xf32, #tpu.memory_space<vmem>>, vector<1x16xf32>,
      %swap3A_498 = arith.index_cast %scan3A_491 : i32 to index
      %swap3A_499 = arith.constant 16 : index
      %swap3A_500 = tpu.vector_load %arg8[%swap3A_498, %swap3A_499] {strides = array<i32>} : memref<512x64xf32, #tpu.memory_space<vmem>>, vector<1x16xf32>,
      %swap3A_501 = vector.shape_cast %swap3A_500 : vector<1x16xf32> to vector<16xf32>
      %swap3A_502 = vector.shape_cast %broadcast_in_dim3A_3 : vector<16xf32> to vector<1x16xf32>
      tpu.vector_store %arg8[%swap3A_498, %swap3A_499], %swap3A_502 {strides = array<i32>} : memref<512x64xf32, #tpu.memory_space<vmem>>, vector<1x16xf32>,
      %swap3A_503 = arith.index_cast %scan3A_491 : i32 to index
      %swap3A_504 = arith.constant 32 : index
      %swap3A_505 = tpu.vector_load %arg8[%swap3A_503, %swap3A_504] {strides = array<i32>} : memref<512x64xf32, #tpu.memory_space<vmem>>, vector<1x16xf32>,
      %swap3A_506 = vector.shape_cast %swap3A_505 : vector<1x16xf32> to vector<16xf32>
      %swap3A_507 = vector.shape_cast %broadcast_in_dim3A_3 : vector<16xf32> to vector<1x16xf32>
      tpu.vector_store %arg8[%swap3A_503, %swap3A_504], %swap3A_507 {strides = array<i32>} : memref<512x64xf32, #tpu.memory_space<vmem>>, vector<1x16xf32>,
      %swap3A_508 = arith.index_cast %scan3A_491 : i32 to index
      %swap3A_509 = arith.constant 48 : index
      %swap3A_510 = tpu.vector_load %arg8[%swap3A_508, %swap3A_509] {strides = array<i32>} : memref<512x64xf32, #tpu.memory_space<vmem>>, vector<1x16xf32>,
      %swap3A_511 = vector.shape_cast %swap3A_510 : vector<1x16xf32> to vector<16xf32>
      %swap3A_512 = vector.shape_cast %broadcast_in_dim3A_3 : vector<16xf32> to vector<1x16xf32>
      tpu.vector_store %arg8[%swap3A_508, %swap3A_509], %swap3A_512 {strides = array<i32>} : memref<512x64xf32, #tpu.memory_space<vmem>>, vector<1x16xf32>,
      %scan3A_513 = arith.constant 0 : i32
      %scan3A_514 = arith.constant 1 : i32
      %scan3A_515 = arith.addi %scan3A_491, %scan3A_514 : i32
      %swap3A_516 = arith.index_cast %scan3A_515 : i32 to index
      %swap3A_517 = arith.constant 0 : index
      %swap3A_518 = tpu.vector_load %arg8[%swap3A_516, %swap3A_517] {strides = array<i32>} : memref<512x64xf32, #tpu.memory_space<vmem>>, vector<1x16xf32>,
      %swap3A_519 = vector.shape_cast %swap3A_518 : vector<1x16xf32> to vector<16xf32>
      %swap3A_520 = vector.shape_cast %broadcast_in_dim3A_3 : vector<16xf32> to vector<1x16xf32>
      tpu.vector_store %arg8[%swap3A_516, %swap3A_517], %swap3A_520 {strides = array<i32>} : memref<512x64xf32, #tpu.memory_space<vmem>>, vector<1x16xf32>,
      %swap3A_521 = arith.index_cast %scan3A_515 : i32 to index
      %swap3A_522 = arith.constant 16 : index
      %swap3A_523 = tpu.vector_load %arg8[%swap3A_521, %swap3A_522] {strides = array<i32>} : memref<512x64xf32, #tpu.memory_space<vmem>>, vector<1x16xf32>,
      %swap3A_524 = vector.shape_cast %swap3A_523 : vector<1x16xf32> to vector<16xf32>
      %swap3A_525 = vector.shape_cast %broadcast_in_dim3A_3 : vector<16xf32> to vector<1x16xf32>
      tpu.vector_store %arg8[%swap3A_521, %swap3A_522], %swap3A_525 {strides = array<i32>} : memref<512x64xf32, #tpu.memory_space<vmem>>, vector<1x16xf32>,
      %swap3A_526 = arith.index_cast %scan3A_515 : i32 to index
      %swap3A_527 = arith.constant 32 : index
      %swap3A_528 = tpu.vector_load %arg8[%swap3A_526, %swap3A_527] {strides = array<i32>} : memref<512x64xf32, #tpu.memory_space<vmem>>, vector<1x16xf32>,
      %swap3A_529 = vector.shape_cast %swap3A_528 : vector<1x16xf32> to vector<16xf32>
      %swap3A_530 = vector.shape_cast %broadcast_in_dim3A_3 : vector<16xf32> to vector<1x16xf32>
      tpu.vector_store %arg8[%swap3A_526, %swap3A_527], %swap3A_530 {strides = array<i32>} : memref<512x64xf32, #tpu.memory_space<vmem>>, vector<1x16xf32>,
      %swap3A_531 = arith.index_cast %scan3A_515 : i32 to index
      %swap3A_532 = arith.constant 48 : index
      %swap3A_533 = tpu.vector_load %arg8[%swap3A_531, %swap3A_532] {strides = array<i32>} : memref<512x64xf32, #tpu.memory_space<vmem>>, vector<1x16xf32>,
      %swap3A_534 = vector.shape_cast %swap3A_533 : vector<1x16xf32> to vector<16xf32>
      %swap3A_535 = vector.shape_cast %broadcast_in_dim3A_3 : vector<16xf32> to vector<1x16xf32>
      tpu.vector_store %arg8[%swap3A_531, %swap3A_532], %swap3A_535 {strides = array<i32>} : memref<512x64xf32, #tpu.memory_space<vmem>>, vector<1x16xf32>,
      %scan3A_536 = arith.constant 0 : i32
      %scan3A_537 = arith.constant 2 : i32
      %scan3A_538 = arith.addi %scan3A_491, %scan3A_537 : i32
      %swap3A_539 = arith.index_cast %scan3A_538 : i32 to index
      %swap3A_540 = arith.constant 0 : index
      %swap3A_541 = tpu.vector_load %arg8[%swap3A_539, %swap3A_540] {strides = array<i32>} : memref<512x64xf32, #tpu.memory_space<vmem>>, vector<1x16xf32>,
      %swap3A_542 = vector.shape_cast %swap3A_541 : vector<1x16xf32> to vector<16xf32>
      %swap3A_543 = vector.shape_cast %broadcast_in_dim3A_3 : vector<16xf32> to vector<1x16xf32>
      tpu.vector_store %arg8[%swap3A_539, %swap3A_540], %swap3A_543 {strides = array<i32>} : memref<512x64xf32, #tpu.memory_space<vmem>>, vector<1x16xf32>,
      %swap3A_544 = arith.index_cast %scan3A_538 : i32 to index
      %swap3A_545 = arith.constant 16 : index
      %swap3A_546 = tpu.vector_load %arg8[%swap3A_544, %swap3A_545] {strides = array<i32>} : memref<512x64xf32, #tpu.memory_space<vmem>>, vector<1x16xf32>,
      %swap3A_547 = vector.shape_cast %swap3A_546 : vector<1x16xf32> to vector<16xf32>
      %swap3A_548 = vector.shape_cast %broadcast_in_dim3A_3 : vector<16xf32> to vector<1x16xf32>
      tpu.vector_store %arg8[%swap3A_544, %swap3A_545], %swap3A_548 {strides = array<i32>} : memref<512x64xf32, #tpu.memory_space<vmem>>, vector<1x16xf32>,
      %swap3A_549 = arith.index_cast %scan3A_538 : i32 to index
      %swap3A_550 = arith.constant 32 : index
      %swap3A_551 = tpu.vector_load %arg8[%swap3A_549, %swap3A_550] {strides = array<i32>} : memref<512x64xf32, #tpu.memory_space<vmem>>, vector<1x16xf32>,
      %swap3A_552 = vector.shape_cast %swap3A_551 : vector<1x16xf32> to vector<16xf32>
      %swap3A_553 = vector.shape_cast %broadcast_in_dim3A_3 : vector<16xf32> to vector<1x16xf32>
      tpu.vector_store %arg8[%swap3A_549, %swap3A_550], %swap3A_553 {strides = array<i32>} : memref<512x64xf32, #tpu.memory_space<vmem>>, vector<1x16xf32>,
      %swap3A_554 = arith.index_cast %scan3A_538 : i32 to index
      %swap3A_555 = arith.constant 48 : index
      %swap3A_556 = tpu.vector_load %arg8[%swap3A_554, %swap3A_555] {strides = array<i32>} : memref<512x64xf32, #tpu.memory_space<vmem>>, vector<1x16xf32>,
      %swap3A_557 = vector.shape_cast %swap3A_556 : vector<1x16xf32> to vector<16xf32>
      %swap3A_558 = vector.shape_cast %broadcast_in_dim3A_3 : vector<16xf32> to vector<1x16xf32>
      tpu.vector_store %arg8[%swap3A_554, %swap3A_555], %swap3A_558 {strides = array<i32>} : memref<512x64xf32, #tpu.memory_space<vmem>>, vector<1x16xf32>,
      %scan3A_559 = arith.constant 0 : i32
      %scan3A_560 = arith.constant 3 : i32
      %scan3A_561 = arith.addi %scan3A_491, %scan3A_560 : i32
      %swap3A_562 = arith.index_cast %scan3A_561 : i32 to index
      %swap3A_563 = arith.constant 0 : index
      %swap3A_564 = tpu.vector_load %arg8[%swap3A_562, %swap3A_563] {strides = array<i32>} : memref<512x64xf32, #tpu.memory_space<vmem>>, vector<1x16xf32>,
      %swap3A_565 = vector.shape_cast %swap3A_564 : vector<1x16xf32> to vector<16xf32>
      %swap3A_566 = vector.shape_cast %broadcast_in_dim3A_3 : vector<16xf32> to vector<1x16xf32>
      tpu.vector_store %arg8[%swap3A_562, %swap3A_563], %swap3A_566 {strides = array<i32>} : memref<512x64xf32, #tpu.memory_space<vmem>>, vector<1x16xf32>,
      %swap3A_567 = arith.index_cast %scan3A_561 : i32 to index
      %swap3A_568 = arith.constant 16 : index
      %swap3A_569 = tpu.vector_load %arg8[%swap3A_567, %swap3A_568] {strides = array<i32>} : memref<512x64xf32, #tpu.memory_space<vmem>>, vector<1x16xf32>,
      %swap3A_570 = vector.shape_cast %swap3A_569 : vector<1x16xf32> to vector<16xf32>
      %swap3A_571 = vector.shape_cast %broadcast_in_dim3A_3 : vector<16xf32> to vector<1x16xf32>
      tpu.vector_store %arg8[%swap3A_567, %swap3A_568], %swap3A_571 {strides = array<i32>} : memref<512x64xf32, #tpu.memory_space<vmem>>, vector<1x16xf32>,
      %swap3A_572 = arith.index_cast %scan3A_561 : i32 to index
      %swap3A_573 = arith.constant 32 : index
      %swap3A_574 = tpu.vector_load %arg8[%swap3A_572, %swap3A_573] {strides = array<i32>} : memref<512x64xf32, #tpu.memory_space<vmem>>, vector<1x16xf32>,
      %swap3A_575 = vector.shape_cast %swap3A_574 : vector<1x16xf32> to vector<16xf32>
      %swap3A_576 = vector.shape_cast %broadcast_in_dim3A_3 : vector<16xf32> to vector<1x16xf32>
      tpu.vector_store %arg8[%swap3A_572, %swap3A_573], %swap3A_576 {strides = array<i32>} : memref<512x64xf32, #tpu.memory_space<vmem>>, vector<1x16xf32>,
      %swap3A_577 = arith.index_cast %scan3A_561 : i32 to index
      %swap3A_578 = arith.constant 48 : index
      %swap3A_579 = tpu.vector_load %arg8[%swap3A_577, %swap3A_578] {strides = array<i32>} : memref<512x64xf32, #tpu.memory_space<vmem>>, vector<1x16xf32>,
      %swap3A_580 = vector.shape_cast %swap3A_579 : vector<1x16xf32> to vector<16xf32>
      %swap3A_581 = vector.shape_cast %broadcast_in_dim3A_3 : vector<16xf32> to vector<1x16xf32>
      tpu.vector_store %arg8[%swap3A_577, %swap3A_578], %swap3A_581 {strides = array<i32>} : memref<512x64xf32, #tpu.memory_space<vmem>>, vector<1x16xf32>,
      %scan3A_582 = arith.constant 0 : i32
      scf.yield %scan3A_582 : i32
    }
    %scan3A_9 = arith.constant 512 : i32
    %dma_start3A = arith.constant 0 : i32
    %dma_start3A_10 = arith.constant 0 : i32
    %dma_start3A_11 = arith.constant 0 : i32
    %dma_start3A_12 = tpu.memref_slice %arg5[%dma_start3A_10, %dma_start3A_11] : memref<2x512xi32, #tpu.memory_space<vmem>> -> memref<1x512xi32, #tpu.memory_space<vmem>>
    %dma_start3A_13 = tpu.memref_squeeze %dma_start3A_12 : memref<1x512xi32, #tpu.memory_space<vmem>> -> memref<512xi32, #tpu.memory_space<vmem>>
    %dma_start3A_14 = tpu.memref_slice %arg3[%dma_start3A, %mul3A_2] : memref<100x16384xi32, #tpu.memory_space<hbm>> -> memref<1x512xi32, #tpu.memory_space<hbm>>
    %dma_start3A_15 = tpu.memref_squeeze %dma_start3A_14 : memref<1x512xi32, #tpu.memory_space<hbm>> -> memref<512xi32, #tpu.memory_space<hbm>>
    %dma_start3A_16 = arith.constant 0 : i32
    %dma_start3A_17 = tpu.memref_slice %arg5[%dma_start3A_10, %dma_start3A_16] : memref<2x512xi32, #tpu.memory_space<vmem>> -> memref<1x512xi32, #tpu.memory_space<vmem>>
    %dma_start3A_18 = tpu.memref_squeeze %dma_start3A_17 : memref<1x512xi32, #tpu.memory_space<vmem>> -> memref<512xi32, #tpu.memory_space<vmem>>
    %dma_start3A_19 = tpu.memref_slice %arg3[%dma_start3A, %mul3A_2] : memref<100x16384xi32, #tpu.memory_space<hbm>> -> memref<1x512xi32, #tpu.memory_space<hbm>>
    %dma_start3A_20 = tpu.memref_squeeze %dma_start3A_19 : memref<1x512xi32, #tpu.memory_space<hbm>> -> memref<512xi32, #tpu.memory_space<hbm>>
    tpu.enqueue_dma source(%dma_start3A_20 : memref<512xi32, #tpu.memory_space<hbm>>) target(%dma_start3A_18 : memref<512xi32, #tpu.memory_space<vmem>>) target_semaphore(%arg9 : memref<!tpu.dma_semaphore, #tpu.memory_space<semaphore_mem>>)
    %dma_wait3A = arith.constant 0 : i32
    %dma_wait3A_21 = arith.constant 0 : i32
    %dma_wait3A_22 = arith.constant 0 : i32
    %dma_wait3A_23 = tpu.memref_slice %arg5[%dma_wait3A_21, %dma_wait3A_22] : memref<2x512xi32, #tpu.memory_space<vmem>> -> memref<1x512xi32, #tpu.memory_space<vmem>>
    %dma_wait3A_24 = tpu.memref_squeeze %dma_wait3A_23 : memref<1x512xi32, #tpu.memory_space<vmem>> -> memref<512xi32, #tpu.memory_space<vmem>>
    %dma_wait3A_25 = tpu.memref_slice %arg3[%dma_wait3A, %mul3A_2] : memref<100x16384xi32, #tpu.memory_space<hbm>> -> memref<1x512xi32, #tpu.memory_space<hbm>>
    %dma_wait3A_26 = tpu.memref_squeeze %dma_wait3A_25 : memref<1x512xi32, #tpu.memory_space<hbm>> -> memref<512xi32, #tpu.memory_space<hbm>>
    %dma_wait3A_27 = arith.constant 0 : i32
    %dma_wait3A_28 = tpu.memref_slice %arg5[%dma_wait3A_21, %dma_wait3A_27] : memref<2x512xi32, #tpu.memory_space<vmem>> -> memref<1x512xi32, #tpu.memory_space<vmem>>
    %dma_wait3A_29 = tpu.memref_squeeze %dma_wait3A_28 : memref<1x512xi32, #tpu.memory_space<vmem>> -> memref<512xi32, #tpu.memory_space<vmem>>
    %dma_wait3A_30 = tpu.memref_slice %arg3[%dma_wait3A, %mul3A_2] : memref<100x16384xi32, #tpu.memory_space<hbm>> -> memref<1x512xi32, #tpu.memory_space<hbm>>
    %dma_wait3A_31 = tpu.memref_squeeze %dma_wait3A_30 : memref<1x512xi32, #tpu.memory_space<hbm>> -> memref<512xi32, #tpu.memory_space<hbm>>
    tpu.wait_dma2 semaphore(%arg9 : memref<!tpu.dma_semaphore, #tpu.memory_space<semaphore_mem>>) src(%dma_wait3A_31 : memref<512xi32, #tpu.memory_space<hbm>>) dst(%dma_wait3A_29 : memref<512xi32, #tpu.memory_space<vmem>>)
    %broadcast_in_dim3A_32 = arith.constant 0 : i32
    %broadcast_in_dim3A_33 = vector.broadcast %broadcast_in_dim3A_32 : i32 to vector<16xi32>
    %get3A = arith.constant 0 : i32
    %get3A_34 = arith.index_cast %get3A : i32 to index
    %get3A_35 = arith.constant 0 : index
    %get3A_36 = tpu.vector_load %arg5[%get3A_34, %get3A_35] {strides = array<i32>} : memref<2x512xi32, #tpu.memory_space<vmem>>, vector<1x16xi32>,
    %get3A_37 = vector.shape_cast %get3A_36 : vector<1x16xi32> to vector<16xi32>
    %add3A_38 = arith.addi %get3A_37, %broadcast_in_dim3A_33 : vector<16xi32>
    %swap3A = arith.constant 0 : i32
    %swap3A_39 = arith.index_cast %swap3A : i32 to index
    %swap3A_40 = arith.constant 0 : index
    %swap3A_41 = tpu.vector_load %arg6[%swap3A_39, %swap3A_40] {strides = array<i32>} : memref<2x512xi32, #tpu.memory_space<vmem>>, vector<1x16xi32>,
    %swap3A_42 = vector.shape_cast %swap3A_41 : vector<1x16xi32> to vector<16xi32>
    %swap3A_43 = vector.shape_cast %add3A_38 : vector<16xi32> to vector<1x16xi32>
    tpu.vector_store %arg6[%swap3A_39, %swap3A_40], %swap3A_43 {strides = array<i32>} : memref<2x512xi32, #tpu.memory_space<vmem>>, vector<1x16xi32>,
    %get3A_44 = arith.constant 0 : i32
    %get3A_45 = arith.index_cast %get3A_44 : i32 to index
    %get3A_46 = arith.constant 16 : index
    %get3A_47 = tpu.vector_load %arg5[%get3A_45, %get3A_46] {strides = array<i32>} : memref<2x512xi32, #tpu.memory_space<vmem>>, vector<1x16xi32>,
    %get3A_48 = vector.shape_cast %get3A_47 : vector<1x16xi32> to vector<16xi32>
    %add3A_49 = arith.addi %get3A_48, %broadcast_in_dim3A_33 : vector<16xi32>
    %swap3A_50 = arith.constant 0 : i32
    %swap3A_51 = arith.index_cast %swap3A_50 : i32 to index
    %swap3A_52 = arith.constant 16 : index
    %swap3A_53 = tpu.vector_load %arg6[%swap3A_51, %swap3A_52] {strides = array<i32>} : memref<2x512xi32, #tpu.memory_space<vmem>>, vector<1x16xi32>,
    %swap3A_54 = vector.shape_cast %swap3A_53 : vector<1x16xi32> to vector<16xi32>
    %swap3A_55 = vector.shape_cast %add3A_49 : vector<16xi32> to vector<1x16xi32>
    tpu.vector_store %arg6[%swap3A_51, %swap3A_52], %swap3A_55 {strides = array<i32>} : memref<2x512xi32, #tpu.memory_space<vmem>>, vector<1x16xi32>,
    %get3A_56 = arith.constant 0 : i32
    %get3A_57 = arith.index_cast %get3A_56 : i32 to index
    %get3A_58 = arith.constant 32 : index
    %get3A_59 = tpu.vector_load %arg5[%get3A_57, %get3A_58] {strides = array<i32>} : memref<2x512xi32, #tpu.memory_space<vmem>>, vector<1x16xi32>,
    %get3A_60 = vector.shape_cast %get3A_59 : vector<1x16xi32> to vector<16xi32>
    %add3A_61 = arith.addi %get3A_60, %broadcast_in_dim3A_33 : vector<16xi32>
    %swap3A_62 = arith.constant 0 : i32
    %swap3A_63 = arith.index_cast %swap3A_62 : i32 to index
    %swap3A_64 = arith.constant 32 : index
    %swap3A_65 = tpu.vector_load %arg6[%swap3A_63, %swap3A_64] {strides = array<i32>} : memref<2x512xi32, #tpu.memory_space<vmem>>, vector<1x16xi32>,
    %swap3A_66 = vector.shape_cast %swap3A_65 : vector<1x16xi32> to vector<16xi32>
    %swap3A_67 = vector.shape_cast %add3A_61 : vector<16xi32> to vector<1x16xi32>
    tpu.vector_store %arg6[%swap3A_63, %swap3A_64], %swap3A_67 {strides = array<i32>} : memref<2x512xi32, #tpu.memory_space<vmem>>, vector<1x16xi32>,
    %get3A_68 = arith.constant 0 : i32
    %get3A_69 = arith.index_cast %get3A_68 : i32 to index
    %get3A_70 = arith.constant 48 : index
    %get3A_71 = tpu.vector_load %arg5[%get3A_69, %get3A_70] {strides = array<i32>} : memref<2x512xi32, #tpu.memory_space<vmem>>, vector<1x16xi32>,
    %get3A_72 = vector.shape_cast %get3A_71 : vector<1x16xi32> to vector<16xi32>
    %add3A_73 = arith.addi %get3A_72, %broadcast_in_dim3A_33 : vector<16xi32>
    %swap3A_74 = arith.constant 0 : i32
    %swap3A_75 = arith.index_cast %swap3A_74 : i32 to index
    %swap3A_76 = arith.constant 48 : index
    %swap3A_77 = tpu.vector_load %arg6[%swap3A_75, %swap3A_76] {strides = array<i32>} : memref<2x512xi32, #tpu.memory_space<vmem>>, vector<1x16xi32>,
    %swap3A_78 = vector.shape_cast %swap3A_77 : vector<1x16xi32> to vector<16xi32>
    %swap3A_79 = vector.shape_cast %add3A_73 : vector<16xi32> to vector<1x16xi32>
    tpu.vector_store %arg6[%swap3A_75, %swap3A_76], %swap3A_79 {strides = array<i32>} : memref<2x512xi32, #tpu.memory_space<vmem>>, vector<1x16xi32>,
    %get3A_80 = arith.constant 0 : i32
    %get3A_81 = arith.index_cast %get3A_80 : i32 to index
    %get3A_82 = arith.constant 64 : index
    %get3A_83 = tpu.vector_load %arg5[%get3A_81, %get3A_82] {strides = array<i32>} : memref<2x512xi32, #tpu.memory_space<vmem>>, vector<1x16xi32>,
    %get3A_84 = vector.shape_cast %get3A_83 : vector<1x16xi32> to vector<16xi32>
    %add3A_85 = arith.addi %get3A_84, %broadcast_in_dim3A_33 : vector<16xi32>
    %swap3A_86 = arith.constant 0 : i32
    %swap3A_87 = arith.index_cast %swap3A_86 : i32 to index
    %swap3A_88 = arith.constant 64 : index
    %swap3A_89 = tpu.vector_load %arg6[%swap3A_87, %swap3A_88] {strides = array<i32>} : memref<2x512xi32, #tpu.memory_space<vmem>>, vector<1x16xi32>,
    %swap3A_90 = vector.shape_cast %swap3A_89 : vector<1x16xi32> to vector<16xi32>
    %swap3A_91 = vector.shape_cast %add3A_85 : vector<16xi32> to vector<1x16xi32>
    tpu.vector_store %arg6[%swap3A_87, %swap3A_88], %swap3A_91 {strides = array<i32>} : memref<2x512xi32, #tpu.memory_space<vmem>>, vector<1x16xi32>,
    %get3A_92 = arith.constant 0 : i32
    %get3A_93 = arith.index_cast %get3A_92 : i32 to index
    %get3A_94 = arith.constant 80 : index
    %get3A_95 = tpu.vector_load %arg5[%get3A_93, %get3A_94] {strides = array<i32>} : memref<2x512xi32, #tpu.memory_space<vmem>>, vector<1x16xi32>,
    %get3A_96 = vector.shape_cast %get3A_95 : vector<1x16xi32> to vector<16xi32>
    %add3A_97 = arith.addi %get3A_96, %broadcast_in_dim3A_33 : vector<16xi32>
    %swap3A_98 = arith.constant 0 : i32
    %swap3A_99 = arith.index_cast %swap3A_98 : i32 to index
    %swap3A_100 = arith.constant 80 : index
    %swap3A_101 = tpu.vector_load %arg6[%swap3A_99, %swap3A_100] {strides = array<i32>} : memref<2x512xi32, #tpu.memory_space<vmem>>, vector<1x16xi32>,
    %swap3A_102 = vector.shape_cast %swap3A_101 : vector<1x16xi32> to vector<16xi32>
    %swap3A_103 = vector.shape_cast %add3A_97 : vector<16xi32> to vector<1x16xi32>
    tpu.vector_store %arg6[%swap3A_99, %swap3A_100], %swap3A_103 {strides = array<i32>} : memref<2x512xi32, #tpu.memory_space<vmem>>, vector<1x16xi32>,
    %get3A_104 = arith.constant 0 : i32
    %get3A_105 = arith.index_cast %get3A_104 : i32 to index
    %get3A_106 = arith.constant 96 : index
    %get3A_107 = tpu.vector_load %arg5[%get3A_105, %get3A_106] {strides = array<i32>} : memref<2x512xi32, #tpu.memory_space<vmem>>, vector<1x16xi32>,
    %get3A_108 = vector.shape_cast %get3A_107 : vector<1x16xi32> to vector<16xi32>
    %add3A_109 = arith.addi %get3A_108, %broadcast_in_dim3A_33 : vector<16xi32>
    %swap3A_110 = arith.constant 0 : i32
    %swap3A_111 = arith.index_cast %swap3A_110 : i32 to index
    %swap3A_112 = arith.constant 96 : index
    %swap3A_113 = tpu.vector_load %arg6[%swap3A_111, %swap3A_112] {strides = array<i32>} : memref<2x512xi32, #tpu.memory_space<vmem>>, vector<1x16xi32>,
    %swap3A_114 = vector.shape_cast %swap3A_113 : vector<1x16xi32> to vector<16xi32>
    %swap3A_115 = vector.shape_cast %add3A_109 : vector<16xi32> to vector<1x16xi32>
    tpu.vector_store %arg6[%swap3A_111, %swap3A_112], %swap3A_115 {strides = array<i32>} : memref<2x512xi32, #tpu.memory_space<vmem>>, vector<1x16xi32>,
    %get3A_116 = arith.constant 0 : i32
    %get3A_117 = arith.index_cast %get3A_116 : i32 to index
    %get3A_118 = arith.constant 112 : index
    %get3A_119 = tpu.vector_load %arg5[%get3A_117, %get3A_118] {strides = array<i32>} : memref<2x512xi32, #tpu.memory_space<vmem>>, vector<1x16xi32>,
    %get3A_120 = vector.shape_cast %get3A_119 : vector<1x16xi32> to vector<16xi32>
    %add3A_121 = arith.addi %get3A_120, %broadcast_in_dim3A_33 : vector<16xi32>
    %swap3A_122 = arith.constant 0 : i32
    %swap3A_123 = arith.index_cast %swap3A_122 : i32 to index
    %swap3A_124 = arith.constant 112 : index
    %swap3A_125 = tpu.vector_load %arg6[%swap3A_123, %swap3A_124] {strides = array<i32>} : memref<2x512xi32, #tpu.memory_space<vmem>>, vector<1x16xi32>,
    %swap3A_126 = vector.shape_cast %swap3A_125 : vector<1x16xi32> to vector<16xi32>
    %swap3A_127 = vector.shape_cast %add3A_121 : vector<16xi32> to vector<1x16xi32>
    tpu.vector_store %arg6[%swap3A_123, %swap3A_124], %swap3A_127 {strides = array<i32>} : memref<2x512xi32, #tpu.memory_space<vmem>>, vector<1x16xi32>,
    %get3A_128 = arith.constant 0 : i32
    %get3A_129 = arith.index_cast %get3A_128 : i32 to index
    %get3A_130 = arith.constant 128 : index
    %get3A_131 = tpu.vector_load %arg5[%get3A_129, %get3A_130] {strides = array<i32>} : memref<2x512xi32, #tpu.memory_space<vmem>>, vector<1x16xi32>,
    %get3A_132 = vector.shape_cast %get3A_131 : vector<1x16xi32> to vector<16xi32>
    %add3A_133 = arith.addi %get3A_132, %broadcast_in_dim3A_33 : vector<16xi32>
    %swap3A_134 = arith.constant 0 : i32
    %swap3A_135 = arith.index_cast %swap3A_134 : i32 to index
    %swap3A_136 = arith.constant 128 : index
    %swap3A_137 = tpu.vector_load %arg6[%swap3A_135, %swap3A_136] {strides = array<i32>} : memref<2x512xi32, #tpu.memory_space<vmem>>, vector<1x16xi32>,
    %swap3A_138 = vector.shape_cast %swap3A_137 : vector<1x16xi32> to vector<16xi32>
    %swap3A_139 = vector.shape_cast %add3A_133 : vector<16xi32> to vector<1x16xi32>
    tpu.vector_store %arg6[%swap3A_135, %swap3A_136], %swap3A_139 {strides = array<i32>} : memref<2x512xi32, #tpu.memory_space<vmem>>, vector<1x16xi32>,
    %get3A_140 = arith.constant 0 : i32
    %get3A_141 = arith.index_cast %get3A_140 : i32 to index
    %get3A_142 = arith.constant 144 : index
    %get3A_143 = tpu.vector_load %arg5[%get3A_141, %get3A_142] {strides = array<i32>} : memref<2x512xi32, #tpu.memory_space<vmem>>, vector<1x16xi32>,
    %get3A_144 = vector.shape_cast %get3A_143 : vector<1x16xi32> to vector<16xi32>
    %add3A_145 = arith.addi %get3A_144, %broadcast_in_dim3A_33 : vector<16xi32>
    %swap3A_146 = arith.constant 0 : i32
    %swap3A_147 = arith.index_cast %swap3A_146 : i32 to index
    %swap3A_148 = arith.constant 144 : index
    %swap3A_149 = tpu.vector_load %arg6[%swap3A_147, %swap3A_148] {strides = array<i32>} : memref<2x512xi32, #tpu.memory_space<vmem>>, vector<1x16xi32>,
    %swap3A_150 = vector.shape_cast %swap3A_149 : vector<1x16xi32> to vector<16xi32>
    %swap3A_151 = vector.shape_cast %add3A_145 : vector<16xi32> to vector<1x16xi32>
    tpu.vector_store %arg6[%swap3A_147, %swap3A_148], %swap3A_151 {strides = array<i32>} : memref<2x512xi32, #tpu.memory_space<vmem>>, vector<1x16xi32>,
    %get3A_152 = arith.constant 0 : i32
    %get3A_153 = arith.index_cast %get3A_152 : i32 to index
    %get3A_154 = arith.constant 160 : index
    %get3A_155 = tpu.vector_load %arg5[%get3A_153, %get3A_154] {strides = array<i32>} : memref<2x512xi32, #tpu.memory_space<vmem>>, vector<1x16xi32>,
    %get3A_156 = vector.shape_cast %get3A_155 : vector<1x16xi32> to vector<16xi32>
    %add3A_157 = arith.addi %get3A_156, %broadcast_in_dim3A_33 : vector<16xi32>
    %swap3A_158 = arith.constant 0 : i32
    %swap3A_159 = arith.index_cast %swap3A_158 : i32 to index
    %swap3A_160 = arith.constant 160 : index
    %swap3A_161 = tpu.vector_load %arg6[%swap3A_159, %swap3A_160] {strides = array<i32>} : memref<2x512xi32, #tpu.memory_space<vmem>>, vector<1x16xi32>,
    %swap3A_162 = vector.shape_cast %swap3A_161 : vector<1x16xi32> to vector<16xi32>
    %swap3A_163 = vector.shape_cast %add3A_157 : vector<16xi32> to vector<1x16xi32>
    tpu.vector_store %arg6[%swap3A_159, %swap3A_160], %swap3A_163 {strides = array<i32>} : memref<2x512xi32, #tpu.memory_space<vmem>>, vector<1x16xi32>,
    %get3A_164 = arith.constant 0 : i32
    %get3A_165 = arith.index_cast %get3A_164 : i32 to index
    %get3A_166 = arith.constant 176 : index
    %get3A_167 = tpu.vector_load %arg5[%get3A_165, %get3A_166] {strides = array<i32>} : memref<2x512xi32, #tpu.memory_space<vmem>>, vector<1x16xi32>,
    %get3A_168 = vector.shape_cast %get3A_167 : vector<1x16xi32> to vector<16xi32>
    %add3A_169 = arith.addi %get3A_168, %broadcast_in_dim3A_33 : vector<16xi32>
    %swap3A_170 = arith.constant 0 : i32
    %swap3A_171 = arith.index_cast %swap3A_170 : i32 to index
    %swap3A_172 = arith.constant 176 : index
    %swap3A_173 = tpu.vector_load %arg6[%swap3A_171, %swap3A_172] {strides = array<i32>} : memref<2x512xi32, #tpu.memory_space<vmem>>, vector<1x16xi32>,
    %swap3A_174 = vector.shape_cast %swap3A_173 : vector<1x16xi32> to vector<16xi32>
    %swap3A_175 = vector.shape_cast %add3A_169 : vector<16xi32> to vector<1x16xi32>
    tpu.vector_store %arg6[%swap3A_171, %swap3A_172], %swap3A_175 {strides = array<i32>} : memref<2x512xi32, #tpu.memory_space<vmem>>, vector<1x16xi32>,
    %get3A_176 = arith.constant 0 : i32
    %get3A_177 = arith.index_cast %get3A_176 : i32 to index
    %get3A_178 = arith.constant 192 : index
    %get3A_179 = tpu.vector_load %arg5[%get3A_177, %get3A_178] {strides = array<i32>} : memref<2x512xi32, #tpu.memory_space<vmem>>, vector<1x16xi32>,
    %get3A_180 = vector.shape_cast %get3A_179 : vector<1x16xi32> to vector<16xi32>
    %add3A_181 = arith.addi %get3A_180, %broadcast_in_dim3A_33 : vector<16xi32>
    %swap3A_182 = arith.constant 0 : i32
    %swap3A_183 = arith.index_cast %swap3A_182 : i32 to index
    %swap3A_184 = arith.constant 192 : index
    %swap3A_185 = tpu.vector_load %arg6[%swap3A_183, %swap3A_184] {strides = array<i32>} : memref<2x512xi32, #tpu.memory_space<vmem>>, vector<1x16xi32>,
    %swap3A_186 = vector.shape_cast %swap3A_185 : vector<1x16xi32> to vector<16xi32>
    %swap3A_187 = vector.shape_cast %add3A_181 : vector<16xi32> to vector<1x16xi32>
    tpu.vector_store %arg6[%swap3A_183, %swap3A_184], %swap3A_187 {strides = array<i32>} : memref<2x512xi32, #tpu.memory_space<vmem>>, vector<1x16xi32>,
    %get3A_188 = arith.constant 0 : i32
    %get3A_189 = arith.index_cast %get3A_188 : i32 to index
    %get3A_190 = arith.constant 208 : index
    %get3A_191 = tpu.vector_load %arg5[%get3A_189, %get3A_190] {strides = array<i32>} : memref<2x512xi32, #tpu.memory_space<vmem>>, vector<1x16xi32>,
    %get3A_192 = vector.shape_cast %get3A_191 : vector<1x16xi32> to vector<16xi32>
    %add3A_193 = arith.addi %get3A_192, %broadcast_in_dim3A_33 : vector<16xi32>
    %swap3A_194 = arith.constant 0 : i32
    %swap3A_195 = arith.index_cast %swap3A_194 : i32 to index
    %swap3A_196 = arith.constant 208 : index
    %swap3A_197 = tpu.vector_load %arg6[%swap3A_195, %swap3A_196] {strides = array<i32>} : memref<2x512xi32, #tpu.memory_space<vmem>>, vector<1x16xi32>,
    %swap3A_198 = vector.shape_cast %swap3A_197 : vector<1x16xi32> to vector<16xi32>
    %swap3A_199 = vector.shape_cast %add3A_193 : vector<16xi32> to vector<1x16xi32>
    tpu.vector_store %arg6[%swap3A_195, %swap3A_196], %swap3A_199 {strides = array<i32>} : memref<2x512xi32, #tpu.memory_space<vmem>>, vector<1x16xi32>,
    %get3A_200 = arith.constant 0 : i32
    %get3A_201 = arith.index_cast %get3A_200 : i32 to index
    %get3A_202 = arith.constant 224 : index
    %get3A_203 = tpu.vector_load %arg5[%get3A_201, %get3A_202] {strides = array<i32>} : memref<2x512xi32, #tpu.memory_space<vmem>>, vector<1x16xi32>,
    %get3A_204 = vector.shape_cast %get3A_203 : vector<1x16xi32> to vector<16xi32>
    %add3A_205 = arith.addi %get3A_204, %broadcast_in_dim3A_33 : vector<16xi32>
    %swap3A_206 = arith.constant 0 : i32
    %swap3A_207 = arith.index_cast %swap3A_206 : i32 to index
    %swap3A_208 = arith.constant 224 : index
    %swap3A_209 = tpu.vector_load %arg6[%swap3A_207, %swap3A_208] {strides = array<i32>} : memref<2x512xi32, #tpu.memory_space<vmem>>, vector<1x16xi32>,
    %swap3A_210 = vector.shape_cast %swap3A_209 : vector<1x16xi32> to vector<16xi32>
    %swap3A_211 = vector.shape_cast %add3A_205 : vector<16xi32> to vector<1x16xi32>
    tpu.vector_store %arg6[%swap3A_207, %swap3A_208], %swap3A_211 {strides = array<i32>} : memref<2x512xi32, #tpu.memory_space<vmem>>, vector<1x16xi32>,
    %get3A_212 = arith.constant 0 : i32
    %get3A_213 = arith.index_cast %get3A_212 : i32 to index
    %get3A_214 = arith.constant 240 : index
    %get3A_215 = tpu.vector_load %arg5[%get3A_213, %get3A_214] {strides = array<i32>} : memref<2x512xi32, #tpu.memory_space<vmem>>, vector<1x16xi32>,
    %get3A_216 = vector.shape_cast %get3A_215 : vector<1x16xi32> to vector<16xi32>
    %add3A_217 = arith.addi %get3A_216, %broadcast_in_dim3A_33 : vector<16xi32>
    %swap3A_218 = arith.constant 0 : i32
    %swap3A_219 = arith.index_cast %swap3A_218 : i32 to index
    %swap3A_220 = arith.constant 240 : index
    %swap3A_221 = tpu.vector_load %arg6[%swap3A_219, %swap3A_220] {strides = array<i32>} : memref<2x512xi32, #tpu.memory_space<vmem>>, vector<1x16xi32>,
    %swap3A_222 = vector.shape_cast %swap3A_221 : vector<1x16xi32> to vector<16xi32>
    %swap3A_223 = vector.shape_cast %add3A_217 : vector<16xi32> to vector<1x16xi32>
    tpu.vector_store %arg6[%swap3A_219, %swap3A_220], %swap3A_223 {strides = array<i32>} : memref<2x512xi32, #tpu.memory_space<vmem>>, vector<1x16xi32>,
    %get3A_224 = arith.constant 0 : i32
    %get3A_225 = arith.index_cast %get3A_224 : i32 to index
    %get3A_226 = arith.constant 256 : index
    %get3A_227 = tpu.vector_load %arg5[%get3A_225, %get3A_226] {strides = array<i32>} : memref<2x512xi32, #tpu.memory_space<vmem>>, vector<1x16xi32>,
    %get3A_228 = vector.shape_cast %get3A_227 : vector<1x16xi32> to vector<16xi32>
    %add3A_229 = arith.addi %get3A_228, %broadcast_in_dim3A_33 : vector<16xi32>
    %swap3A_230 = arith.constant 0 : i32
    %swap3A_231 = arith.index_cast %swap3A_230 : i32 to index
    %swap3A_232 = arith.constant 256 : index
    %swap3A_233 = tpu.vector_load %arg6[%swap3A_231, %swap3A_232] {strides = array<i32>} : memref<2x512xi32, #tpu.memory_space<vmem>>, vector<1x16xi32>,
    %swap3A_234 = vector.shape_cast %swap3A_233 : vector<1x16xi32> to vector<16xi32>
    %swap3A_235 = vector.shape_cast %add3A_229 : vector<16xi32> to vector<1x16xi32>
    tpu.vector_store %arg6[%swap3A_231, %swap3A_232], %swap3A_235 {strides = array<i32>} : memref<2x512xi32, #tpu.memory_space<vmem>>, vector<1x16xi32>,
    %get3A_236 = arith.constant 0 : i32
    %get3A_237 = arith.index_cast %get3A_236 : i32 to index
    %get3A_238 = arith.constant 272 : index
    %get3A_239 = tpu.vector_load %arg5[%get3A_237, %get3A_238] {strides = array<i32>} : memref<2x512xi32, #tpu.memory_space<vmem>>, vector<1x16xi32>,
    %get3A_240 = vector.shape_cast %get3A_239 : vector<1x16xi32> to vector<16xi32>
    %add3A_241 = arith.addi %get3A_240, %broadcast_in_dim3A_33 : vector<16xi32>
    %swap3A_242 = arith.constant 0 : i32
    %swap3A_243 = arith.index_cast %swap3A_242 : i32 to index
    %swap3A_244 = arith.constant 272 : index
    %swap3A_245 = tpu.vector_load %arg6[%swap3A_243, %swap3A_244] {strides = array<i32>} : memref<2x512xi32, #tpu.memory_space<vmem>>, vector<1x16xi32>,
    %swap3A_246 = vector.shape_cast %swap3A_245 : vector<1x16xi32> to vector<16xi32>
    %swap3A_247 = vector.shape_cast %add3A_241 : vector<16xi32> to vector<1x16xi32>
    tpu.vector_store %arg6[%swap3A_243, %swap3A_244], %swap3A_247 {strides = array<i32>} : memref<2x512xi32, #tpu.memory_space<vmem>>, vector<1x16xi32>,
    %get3A_248 = arith.constant 0 : i32
    %get3A_249 = arith.index_cast %get3A_248 : i32 to index
    %get3A_250 = arith.constant 288 : index
    %get3A_251 = tpu.vector_load %arg5[%get3A_249, %get3A_250] {strides = array<i32>} : memref<2x512xi32, #tpu.memory_space<vmem>>, vector<1x16xi32>,
    %get3A_252 = vector.shape_cast %get3A_251 : vector<1x16xi32> to vector<16xi32>
    %add3A_253 = arith.addi %get3A_252, %broadcast_in_dim3A_33 : vector<16xi32>
    %swap3A_254 = arith.constant 0 : i32
    %swap3A_255 = arith.index_cast %swap3A_254 : i32 to index
    %swap3A_256 = arith.constant 288 : index
    %swap3A_257 = tpu.vector_load %arg6[%swap3A_255, %swap3A_256] {strides = array<i32>} : memref<2x512xi32, #tpu.memory_space<vmem>>, vector<1x16xi32>,
    %swap3A_258 = vector.shape_cast %swap3A_257 : vector<1x16xi32> to vector<16xi32>
    %swap3A_259 = vector.shape_cast %add3A_253 : vector<16xi32> to vector<1x16xi32>
    tpu.vector_store %arg6[%swap3A_255, %swap3A_256], %swap3A_259 {strides = array<i32>} : memref<2x512xi32, #tpu.memory_space<vmem>>, vector<1x16xi32>,
    %get3A_260 = arith.constant 0 : i32
    %get3A_261 = arith.index_cast %get3A_260 : i32 to index
    %get3A_262 = arith.constant 304 : index
    %get3A_263 = tpu.vector_load %arg5[%get3A_261, %get3A_262] {strides = array<i32>} : memref<2x512xi32, #tpu.memory_space<vmem>>, vector<1x16xi32>,
    %get3A_264 = vector.shape_cast %get3A_263 : vector<1x16xi32> to vector<16xi32>
    %add3A_265 = arith.addi %get3A_264, %broadcast_in_dim3A_33 : vector<16xi32>
    %swap3A_266 = arith.constant 0 : i32
    %swap3A_267 = arith.index_cast %swap3A_266 : i32 to index
    %swap3A_268 = arith.constant 304 : index
    %swap3A_269 = tpu.vector_load %arg6[%swap3A_267, %swap3A_268] {strides = array<i32>} : memref<2x512xi32, #tpu.memory_space<vmem>>, vector<1x16xi32>,
    %swap3A_270 = vector.shape_cast %swap3A_269 : vector<1x16xi32> to vector<16xi32>
    %swap3A_271 = vector.shape_cast %add3A_265 : vector<16xi32> to vector<1x16xi32>
    tpu.vector_store %arg6[%swap3A_267, %swap3A_268], %swap3A_271 {strides = array<i32>} : memref<2x512xi32, #tpu.memory_space<vmem>>, vector<1x16xi32>,
    %get3A_272 = arith.constant 0 : i32
    %get3A_273 = arith.index_cast %get3A_272 : i32 to index
    %get3A_274 = arith.constant 320 : index
    %get3A_275 = tpu.vector_load %arg5[%get3A_273, %get3A_274] {strides = array<i32>} : memref<2x512xi32, #tpu.memory_space<vmem>>, vector<1x16xi32>,
    %get3A_276 = vector.shape_cast %get3A_275 : vector<1x16xi32> to vector<16xi32>
    %add3A_277 = arith.addi %get3A_276, %broadcast_in_dim3A_33 : vector<16xi32>
    %swap3A_278 = arith.constant 0 : i32
    %swap3A_279 = arith.index_cast %swap3A_278 : i32 to index
    %swap3A_280 = arith.constant 320 : index
    %swap3A_281 = tpu.vector_load %arg6[%swap3A_279, %swap3A_280] {strides = array<i32>} : memref<2x512xi32, #tpu.memory_space<vmem>>, vector<1x16xi32>,
    %swap3A_282 = vector.shape_cast %swap3A_281 : vector<1x16xi32> to vector<16xi32>
    %swap3A_283 = vector.shape_cast %add3A_277 : vector<16xi32> to vector<1x16xi32>
    tpu.vector_store %arg6[%swap3A_279, %swap3A_280], %swap3A_283 {strides = array<i32>} : memref<2x512xi32, #tpu.memory_space<vmem>>, vector<1x16xi32>,
    %get3A_284 = arith.constant 0 : i32
    %get3A_285 = arith.index_cast %get3A_284 : i32 to index
    %get3A_286 = arith.constant 336 : index
    %get3A_287 = tpu.vector_load %arg5[%get3A_285, %get3A_286] {strides = array<i32>} : memref<2x512xi32, #tpu.memory_space<vmem>>, vector<1x16xi32>,
    %get3A_288 = vector.shape_cast %get3A_287 : vector<1x16xi32> to vector<16xi32>
    %add3A_289 = arith.addi %get3A_288, %broadcast_in_dim3A_33 : vector<16xi32>
    %swap3A_290 = arith.constant 0 : i32
    %swap3A_291 = arith.index_cast %swap3A_290 : i32 to index
    %swap3A_292 = arith.constant 336 : index
    %swap3A_293 = tpu.vector_load %arg6[%swap3A_291, %swap3A_292] {strides = array<i32>} : memref<2x512xi32, #tpu.memory_space<vmem>>, vector<1x16xi32>,
    %swap3A_294 = vector.shape_cast %swap3A_293 : vector<1x16xi32> to vector<16xi32>
    %swap3A_295 = vector.shape_cast %add3A_289 : vector<16xi32> to vector<1x16xi32>
    tpu.vector_store %arg6[%swap3A_291, %swap3A_292], %swap3A_295 {strides = array<i32>} : memref<2x512xi32, #tpu.memory_space<vmem>>, vector<1x16xi32>,
    %get3A_296 = arith.constant 0 : i32
    %get3A_297 = arith.index_cast %get3A_296 : i32 to index
    %get3A_298 = arith.constant 352 : index
    %get3A_299 = tpu.vector_load %arg5[%get3A_297, %get3A_298] {strides = array<i32>} : memref<2x512xi32, #tpu.memory_space<vmem>>, vector<1x16xi32>,
    %get3A_300 = vector.shape_cast %get3A_299 : vector<1x16xi32> to vector<16xi32>
    %add3A_301 = arith.addi %get3A_300, %broadcast_in_dim3A_33 : vector<16xi32>
    %swap3A_302 = arith.constant 0 : i32
    %swap3A_303 = arith.index_cast %swap3A_302 : i32 to index
    %swap3A_304 = arith.constant 352 : index
    %swap3A_305 = tpu.vector_load %arg6[%swap3A_303, %swap3A_304] {strides = array<i32>} : memref<2x512xi32, #tpu.memory_space<vmem>>, vector<1x16xi32>,
    %swap3A_306 = vector.shape_cast %swap3A_305 : vector<1x16xi32> to vector<16xi32>
    %swap3A_307 = vector.shape_cast %add3A_301 : vector<16xi32> to vector<1x16xi32>
    tpu.vector_store %arg6[%swap3A_303, %swap3A_304], %swap3A_307 {strides = array<i32>} : memref<2x512xi32, #tpu.memory_space<vmem>>, vector<1x16xi32>,
    %get3A_308 = arith.constant 0 : i32
    %get3A_309 = arith.index_cast %get3A_308 : i32 to index
    %get3A_310 = arith.constant 368 : index
    %get3A_311 = tpu.vector_load %arg5[%get3A_309, %get3A_310] {strides = array<i32>} : memref<2x512xi32, #tpu.memory_space<vmem>>, vector<1x16xi32>,
    %get3A_312 = vector.shape_cast %get3A_311 : vector<1x16xi32> to vector<16xi32>
    %add3A_313 = arith.addi %get3A_312, %broadcast_in_dim3A_33 : vector<16xi32>
    %swap3A_314 = arith.constant 0 : i32
    %swap3A_315 = arith.index_cast %swap3A_314 : i32 to index
    %swap3A_316 = arith.constant 368 : index
    %swap3A_317 = tpu.vector_load %arg6[%swap3A_315, %swap3A_316] {strides = array<i32>} : memref<2x512xi32, #tpu.memory_space<vmem>>, vector<1x16xi32>,
    %swap3A_318 = vector.shape_cast %swap3A_317 : vector<1x16xi32> to vector<16xi32>
    %swap3A_319 = vector.shape_cast %add3A_313 : vector<16xi32> to vector<1x16xi32>
    tpu.vector_store %arg6[%swap3A_315, %swap3A_316], %swap3A_319 {strides = array<i32>} : memref<2x512xi32, #tpu.memory_space<vmem>>, vector<1x16xi32>,
    %get3A_320 = arith.constant 0 : i32
    %get3A_321 = arith.index_cast %get3A_320 : i32 to index
    %get3A_322 = arith.constant 384 : index
    %get3A_323 = tpu.vector_load %arg5[%get3A_321, %get3A_322] {strides = array<i32>} : memref<2x512xi32, #tpu.memory_space<vmem>>, vector<1x16xi32>,
    %get3A_324 = vector.shape_cast %get3A_323 : vector<1x16xi32> to vector<16xi32>
    %add3A_325 = arith.addi %get3A_324, %broadcast_in_dim3A_33 : vector<16xi32>
    %swap3A_326 = arith.constant 0 : i32
    %swap3A_327 = arith.index_cast %swap3A_326 : i32 to index
    %swap3A_328 = arith.constant 384 : index
    %swap3A_329 = tpu.vector_load %arg6[%swap3A_327, %swap3A_328] {strides = array<i32>} : memref<2x512xi32, #tpu.memory_space<vmem>>, vector<1x16xi32>,
    %swap3A_330 = vector.shape_cast %swap3A_329 : vector<1x16xi32> to vector<16xi32>
    %swap3A_331 = vector.shape_cast %add3A_325 : vector<16xi32> to vector<1x16xi32>
    tpu.vector_store %arg6[%swap3A_327, %swap3A_328], %swap3A_331 {strides = array<i32>} : memref<2x512xi32, #tpu.memory_space<vmem>>, vector<1x16xi32>,
    %get3A_332 = arith.constant 0 : i32
    %get3A_333 = arith.index_cast %get3A_332 : i32 to index
    %get3A_334 = arith.constant 400 : index
    %get3A_335 = tpu.vector_load %arg5[%get3A_333, %get3A_334] {strides = array<i32>} : memref<2x512xi32, #tpu.memory_space<vmem>>, vector<1x16xi32>,
    %get3A_336 = vector.shape_cast %get3A_335 : vector<1x16xi32> to vector<16xi32>
    %add3A_337 = arith.addi %get3A_336, %broadcast_in_dim3A_33 : vector<16xi32>
    %swap3A_338 = arith.constant 0 : i32
    %swap3A_339 = arith.index_cast %swap3A_338 : i32 to index
    %swap3A_340 = arith.constant 400 : index
    %swap3A_341 = tpu.vector_load %arg6[%swap3A_339, %swap3A_340] {strides = array<i32>} : memref<2x512xi32, #tpu.memory_space<vmem>>, vector<1x16xi32>,
    %swap3A_342 = vector.shape_cast %swap3A_341 : vector<1x16xi32> to vector<16xi32>
    %swap3A_343 = vector.shape_cast %add3A_337 : vector<16xi32> to vector<1x16xi32>
    tpu.vector_store %arg6[%swap3A_339, %swap3A_340], %swap3A_343 {strides = array<i32>} : memref<2x512xi32, #tpu.memory_space<vmem>>, vector<1x16xi32>,
    %get3A_344 = arith.constant 0 : i32
    %get3A_345 = arith.index_cast %get3A_344 : i32 to index
    %get3A_346 = arith.constant 416 : index
    %get3A_347 = tpu.vector_load %arg5[%get3A_345, %get3A_346] {strides = array<i32>} : memref<2x512xi32, #tpu.memory_space<vmem>>, vector<1x16xi32>,
    %get3A_348 = vector.shape_cast %get3A_347 : vector<1x16xi32> to vector<16xi32>
    %add3A_349 = arith.addi %get3A_348, %broadcast_in_dim3A_33 : vector<16xi32>
    %swap3A_350 = arith.constant 0 : i32
    %swap3A_351 = arith.index_cast %swap3A_350 : i32 to index
    %swap3A_352 = arith.constant 416 : index
    %swap3A_353 = tpu.vector_load %arg6[%swap3A_351, %swap3A_352] {strides = array<i32>} : memref<2x512xi32, #tpu.memory_space<vmem>>, vector<1x16xi32>,
    %swap3A_354 = vector.shape_cast %swap3A_353 : vector<1x16xi32> to vector<16xi32>
    %swap3A_355 = vector.shape_cast %add3A_349 : vector<16xi32> to vector<1x16xi32>
    tpu.vector_store %arg6[%swap3A_351, %swap3A_352], %swap3A_355 {strides = array<i32>} : memref<2x512xi32, #tpu.memory_space<vmem>>, vector<1x16xi32>,
    %get3A_356 = arith.constant 0 : i32
    %get3A_357 = arith.index_cast %get3A_356 : i32 to index
    %get3A_358 = arith.constant 432 : index
    %get3A_359 = tpu.vector_load %arg5[%get3A_357, %get3A_358] {strides = array<i32>} : memref<2x512xi32, #tpu.memory_space<vmem>>, vector<1x16xi32>,
    %get3A_360 = vector.shape_cast %get3A_359 : vector<1x16xi32> to vector<16xi32>
    %add3A_361 = arith.addi %get3A_360, %broadcast_in_dim3A_33 : vector<16xi32>
    %swap3A_362 = arith.constant 0 : i32
    %swap3A_363 = arith.index_cast %swap3A_362 : i32 to index
    %swap3A_364 = arith.constant 432 : index
    %swap3A_365 = tpu.vector_load %arg6[%swap3A_363, %swap3A_364] {strides = array<i32>} : memref<2x512xi32, #tpu.memory_space<vmem>>, vector<1x16xi32>,
    %swap3A_366 = vector.shape_cast %swap3A_365 : vector<1x16xi32> to vector<16xi32>
    %swap3A_367 = vector.shape_cast %add3A_361 : vector<16xi32> to vector<1x16xi32>
    tpu.vector_store %arg6[%swap3A_363, %swap3A_364], %swap3A_367 {strides = array<i32>} : memref<2x512xi32, #tpu.memory_space<vmem>>, vector<1x16xi32>,
    %get3A_368 = arith.constant 0 : i32
    %get3A_369 = arith.index_cast %get3A_368 : i32 to index
    %get3A_370 = arith.constant 448 : index
    %get3A_371 = tpu.vector_load %arg5[%get3A_369, %get3A_370] {strides = array<i32>} : memref<2x512xi32, #tpu.memory_space<vmem>>, vector<1x16xi32>,
    %get3A_372 = vector.shape_cast %get3A_371 : vector<1x16xi32> to vector<16xi32>
    %add3A_373 = arith.addi %get3A_372, %broadcast_in_dim3A_33 : vector<16xi32>
    %swap3A_374 = arith.constant 0 : i32
    %swap3A_375 = arith.index_cast %swap3A_374 : i32 to index
    %swap3A_376 = arith.constant 448 : index
    %swap3A_377 = tpu.vector_load %arg6[%swap3A_375, %swap3A_376] {strides = array<i32>} : memref<2x512xi32, #tpu.memory_space<vmem>>, vector<1x16xi32>,
    %swap3A_378 = vector.shape_cast %swap3A_377 : vector<1x16xi32> to vector<16xi32>
    %swap3A_379 = vector.shape_cast %add3A_373 : vector<16xi32> to vector<1x16xi32>
    tpu.vector_store %arg6[%swap3A_375, %swap3A_376], %swap3A_379 {strides = array<i32>} : memref<2x512xi32, #tpu.memory_space<vmem>>, vector<1x16xi32>,
    %get3A_380 = arith.constant 0 : i32
    %get3A_381 = arith.index_cast %get3A_380 : i32 to index
    %get3A_382 = arith.constant 464 : index
    %get3A_383 = tpu.vector_load %arg5[%get3A_381, %get3A_382] {strides = array<i32>} : memref<2x512xi32, #tpu.memory_space<vmem>>, vector<1x16xi32>,
    %get3A_384 = vector.shape_cast %get3A_383 : vector<1x16xi32> to vector<16xi32>
    %add3A_385 = arith.addi %get3A_384, %broadcast_in_dim3A_33 : vector<16xi32>
    %swap3A_386 = arith.constant 0 : i32
    %swap3A_387 = arith.index_cast %swap3A_386 : i32 to index
    %swap3A_388 = arith.constant 464 : index
    %swap3A_389 = tpu.vector_load %arg6[%swap3A_387, %swap3A_388] {strides = array<i32>} : memref<2x512xi32, #tpu.memory_space<vmem>>, vector<1x16xi32>,
    %swap3A_390 = vector.shape_cast %swap3A_389 : vector<1x16xi32> to vector<16xi32>
    %swap3A_391 = vector.shape_cast %add3A_385 : vector<16xi32> to vector<1x16xi32>
    tpu.vector_store %arg6[%swap3A_387, %swap3A_388], %swap3A_391 {strides = array<i32>} : memref<2x512xi32, #tpu.memory_space<vmem>>, vector<1x16xi32>,
    %get3A_392 = arith.constant 0 : i32
    %get3A_393 = arith.index_cast %get3A_392 : i32 to index
    %get3A_394 = arith.constant 480 : index
    %get3A_395 = tpu.vector_load %arg5[%get3A_393, %get3A_394] {strides = array<i32>} : memref<2x512xi32, #tpu.memory_space<vmem>>, vector<1x16xi32>,
    %get3A_396 = vector.shape_cast %get3A_395 : vector<1x16xi32> to vector<16xi32>
    %add3A_397 = arith.addi %get3A_396, %broadcast_in_dim3A_33 : vector<16xi32>
    %swap3A_398 = arith.constant 0 : i32
    %swap3A_399 = arith.index_cast %swap3A_398 : i32 to index
    %swap3A_400 = arith.constant 480 : index
    %swap3A_401 = tpu.vector_load %arg6[%swap3A_399, %swap3A_400] {strides = array<i32>} : memref<2x512xi32, #tpu.memory_space<vmem>>, vector<1x16xi32>,
    %swap3A_402 = vector.shape_cast %swap3A_401 : vector<1x16xi32> to vector<16xi32>
    %swap3A_403 = vector.shape_cast %add3A_397 : vector<16xi32> to vector<1x16xi32>
    tpu.vector_store %arg6[%swap3A_399, %swap3A_400], %swap3A_403 {strides = array<i32>} : memref<2x512xi32, #tpu.memory_space<vmem>>, vector<1x16xi32>,
    %get3A_404 = arith.constant 0 : i32
    %get3A_405 = arith.index_cast %get3A_404 : i32 to index
    %get3A_406 = arith.constant 496 : index
    %get3A_407 = tpu.vector_load %arg5[%get3A_405, %get3A_406] {strides = array<i32>} : memref<2x512xi32, #tpu.memory_space<vmem>>, vector<1x16xi32>,
    %get3A_408 = vector.shape_cast %get3A_407 : vector<1x16xi32> to vector<16xi32>
    %add3A_409 = arith.addi %get3A_408, %broadcast_in_dim3A_33 : vector<16xi32>
    %swap3A_410 = arith.constant 0 : i32
    %swap3A_411 = arith.index_cast %swap3A_410 : i32 to index
    %swap3A_412 = arith.constant 496 : index
    %swap3A_413 = tpu.vector_load %arg6[%swap3A_411, %swap3A_412] {strides = array<i32>} : memref<2x512xi32, #tpu.memory_space<vmem>>, vector<1x16xi32>,
    %swap3A_414 = vector.shape_cast %swap3A_413 : vector<1x16xi32> to vector<16xi32>
    %swap3A_415 = vector.shape_cast %add3A_409 : vector<16xi32> to vector<1x16xi32>
    tpu.vector_store %arg6[%swap3A_411, %swap3A_412], %swap3A_415 {strides = array<i32>} : memref<2x512xi32, #tpu.memory_space<vmem>>, vector<1x16xi32>,
    %dma_start3A_416 = arith.constant 0 : i32
    %dma_start3A_417 = arith.constant 0 : i32
    %dma_start3A_418 = arith.constant 0 : i32
    %dma_start3A_419 = arith.constant 0 : i32
    %dma_start3A_420 = tpu.memref_slice %arg7[%dma_start3A_417, %dma_start3A_418, %dma_start3A_419] : memref<2x512x64xf32, #tpu.memory_space<vmem>> -> memref<1x128x64xf32, #tpu.memory_space<vmem>>
    %dma_start3A_421 = tpu.memref_squeeze %dma_start3A_420 : memref<1x128x64xf32, #tpu.memory_space<vmem>> -> memref<128x64xf32, #tpu.memory_space<vmem>>
    %dma_start3A_422 = arith.constant 0 : i32
    %dma_start3A_423 = tpu.memref_slice %arg6[%dma_start3A_416, %dma_start3A_422] : memref<2x512xi32, #tpu.memory_space<vmem>> -> memref<1x128xi32, #tpu.memory_space<vmem>>
    %dma_start3A_424 = tpu.memref_squeeze %dma_start3A_423 : memref<1x128xi32, #tpu.memory_space<vmem>> -> memref<128xi32, #tpu.memory_space<vmem>>
    %dma_start3A_425 = arith.constant 0 : i32
    %dma_start3A_426 = arith.constant 0 : i32
    %dma_start3A_427 = tpu.memref_slice %arg2[%dma_start3A_425, %dma_start3A_426] : memref<25600x64xf32, #tpu.memory_space<hbm>> -> memref<25600x64xf32, #tpu.memory_space<hbm>>
    tpu.enqueue_indirect_dma source(%dma_start3A_427 : memref<25600x64xf32, #tpu.memory_space<hbm>>) target(%dma_start3A_421 : memref<128x64xf32, #tpu.memory_space<vmem>>) offsets(%dma_start3A_424 : memref<128xi32, #tpu.memory_space<vmem>>) semaphore(%arg11 : memref<!tpu.dma_semaphore, #tpu.memory_space<semaphore_mem>>)
    %dma_start3A_428 = arith.constant 0 : i32
    %dma_start3A_429 = arith.constant 0 : i32
    %dma_start3A_430 = arith.constant 128 : i32
    %dma_start3A_431 = arith.constant 0 : i32
    %dma_start3A_432 = tpu.memref_slice %arg7[%dma_start3A_429, %dma_start3A_430, %dma_start3A_431] : memref<2x512x64xf32, #tpu.memory_space<vmem>> -> memref<1x128x64xf32, #tpu.memory_space<vmem>>
    %dma_start3A_433 = tpu.memref_squeeze %dma_start3A_432 : memref<1x128x64xf32, #tpu.memory_space<vmem>> -> memref<128x64xf32, #tpu.memory_space<vmem>>
    %dma_start3A_434 = arith.constant 128 : i32
    %dma_start3A_435 = tpu.memref_slice %arg6[%dma_start3A_428, %dma_start3A_434] : memref<2x512xi32, #tpu.memory_space<vmem>> -> memref<1x128xi32, #tpu.memory_space<vmem>>
    %dma_start3A_436 = tpu.memref_squeeze %dma_start3A_435 : memref<1x128xi32, #tpu.memory_space<vmem>> -> memref<128xi32, #tpu.memory_space<vmem>>
    %dma_start3A_437 = arith.constant 0 : i32
    %dma_start3A_438 = arith.constant 0 : i32
    %dma_start3A_439 = tpu.memref_slice %arg2[%dma_start3A_437, %dma_start3A_438] : memref<25600x64xf32, #tpu.memory_space<hbm>> -> memref<25600x64xf32, #tpu.memory_space<hbm>>
    tpu.enqueue_indirect_dma source(%dma_start3A_439 : memref<25600x64xf32, #tpu.memory_space<hbm>>) target(%dma_start3A_433 : memref<128x64xf32, #tpu.memory_space<vmem>>) offsets(%dma_start3A_436 : memref<128xi32, #tpu.memory_space<vmem>>) semaphore(%arg11 : memref<!tpu.dma_semaphore, #tpu.memory_space<semaphore_mem>>)
    %dma_start3A_440 = arith.constant 0 : i32
    %dma_start3A_441 = arith.constant 0 : i32
    %dma_start3A_442 = arith.constant 256 : i32
    %dma_start3A_443 = arith.constant 0 : i32
    %dma_start3A_444 = tpu.memref_slice %arg7[%dma_start3A_441, %dma_start3A_442, %dma_start3A_443] : memref<2x512x64xf32, #tpu.memory_space<vmem>> -> memref<1x128x64xf32, #tpu.memory_space<vmem>>
    %dma_start3A_445 = tpu.memref_squeeze %dma_start3A_444 : memref<1x128x64xf32, #tpu.memory_space<vmem>> -> memref<128x64xf32, #tpu.memory_space<vmem>>
    %dma_start3A_446 = arith.constant 256 : i32
    %dma_start3A_447 = tpu.memref_slice %arg6[%dma_start3A_440, %dma_start3A_446] : memref<2x512xi32, #tpu.memory_space<vmem>> -> memref<1x128xi32, #tpu.memory_space<vmem>>
    %dma_start3A_448 = tpu.memref_squeeze %dma_start3A_447 : memref<1x128xi32, #tpu.memory_space<vmem>> -> memref<128xi32, #tpu.memory_space<vmem>>
    %dma_start3A_449 = arith.constant 0 : i32
    %dma_start3A_450 = arith.constant 0 : i32
    %dma_start3A_451 = tpu.memref_slice %arg2[%dma_start3A_449, %dma_start3A_450] : memref<25600x64xf32, #tpu.memory_space<hbm>> -> memref<25600x64xf32, #tpu.memory_space<hbm>>
    tpu.enqueue_indirect_dma source(%dma_start3A_451 : memref<25600x64xf32, #tpu.memory_space<hbm>>) target(%dma_start3A_445 : memref<128x64xf32, #tpu.memory_space<vmem>>) offsets(%dma_start3A_448 : memref<128xi32, #tpu.memory_space<vmem>>) semaphore(%arg11 : memref<!tpu.dma_semaphore, #tpu.memory_space<semaphore_mem>>)
    %dma_start3A_452 = arith.constant 0 : i32
    %dma_start3A_453 = arith.constant 0 : i32
    %dma_start3A_454 = arith.constant 384 : i32
    %dma_start3A_455 = arith.constant 0 : i32
    %dma_start3A_456 = tpu.memref_slice %arg7[%dma_start3A_453, %dma_start3A_454, %dma_start3A_455] : memref<2x512x64xf32, #tpu.memory_space<vmem>> -> memref<1x128x64xf32, #tpu.memory_space<vmem>>
    %dma_start3A_457 = tpu.memref_squeeze %dma_start3A_456 : memref<1x128x64xf32, #tpu.memory_space<vmem>> -> memref<128x64xf32, #tpu.memory_space<vmem>>
    %dma_start3A_458 = arith.constant 384 : i32
    %dma_start3A_459 = tpu.memref_slice %arg6[%dma_start3A_452, %dma_start3A_458] : memref<2x512xi32, #tpu.memory_space<vmem>> -> memref<1x128xi32, #tpu.memory_space<vmem>>
    %dma_start3A_460 = tpu.memref_squeeze %dma_start3A_459 : memref<1x128xi32, #tpu.memory_space<vmem>> -> memref<128xi32, #tpu.memory_space<vmem>>
    %dma_start3A_461 = arith.constant 0 : i32
    %dma_start3A_462 = arith.constant 0 : i32
    %dma_start3A_463 = tpu.memref_slice %arg2[%dma_start3A_461, %dma_start3A_462] : memref<25600x64xf32, #tpu.memory_space<hbm>> -> memref<25600x64xf32, #tpu.memory_space<hbm>>
    tpu.enqueue_indirect_dma source(%dma_start3A_463 : memref<25600x64xf32, #tpu.memory_space<hbm>>) target(%dma_start3A_457 : memref<128x64xf32, #tpu.memory_space<vmem>>) offsets(%dma_start3A_460 : memref<128xi32, #tpu.memory_space<vmem>>) semaphore(%arg11 : memref<!tpu.dma_semaphore, #tpu.memory_space<semaphore_mem>>)
    %dma_start3A_464 = arith.constant 1 : i32
    %dma_start3A_465 = arith.constant 1 : i32
    %dma_start3A_466 = arith.constant 0 : i32
    %dma_start3A_467 = tpu.memref_slice %arg5[%dma_start3A_465, %dma_start3A_466] : memref<2x512xi32, #tpu.memory_space<vmem>> -> memref<1x512xi32, #tpu.memory_space<vmem>>
    %dma_start3A_468 = tpu.memref_squeeze %dma_start3A_467 : memref<1x512xi32, #tpu.memory_space<vmem>> -> memref<512xi32, #tpu.memory_space<vmem>>
    %dma_start3A_469 = tpu.memref_slice %arg3[%dma_start3A_464, %mul3A_2] : memref<100x16384xi32, #tpu.memory_space<hbm>> -> memref<1x512xi32, #tpu.memory_space<hbm>>
    %dma_start3A_470 = tpu.memref_squeeze %dma_start3A_469 : memref<1x512xi32, #tpu.memory_space<hbm>> -> memref<512xi32, #tpu.memory_space<hbm>>
    %dma_start3A_471 = arith.constant 0 : i32
    %dma_start3A_472 = tpu.memref_slice %arg5[%dma_start3A_465, %dma_start3A_471] : memref<2x512xi32, #tpu.memory_space<vmem>> -> memref<1x512xi32, #tpu.memory_space<vmem>>
    %dma_start3A_473 = tpu.memref_squeeze %dma_start3A_472 : memref<1x512xi32, #tpu.memory_space<vmem>> -> memref<512xi32, #tpu.memory_space<vmem>>
    %dma_start3A_474 = tpu.memref_slice %arg3[%dma_start3A_464, %mul3A_2] : memref<100x16384xi32, #tpu.memory_space<hbm>> -> memref<1x512xi32, #tpu.memory_space<hbm>>
    %dma_start3A_475 = tpu.memref_squeeze %dma_start3A_474 : memref<1x512xi32, #tpu.memory_space<hbm>> -> memref<512xi32, #tpu.memory_space<hbm>>
    tpu.enqueue_dma source(%dma_start3A_475 : memref<512xi32, #tpu.memory_space<hbm>>) target(%dma_start3A_473 : memref<512xi32, #tpu.memory_space<vmem>>) target_semaphore(%arg10 : memref<!tpu.dma_semaphore, #tpu.memory_space<semaphore_mem>>)
    %scan3A_476 = arith.constant 0 : i32
    %scan3A_477 = arith.constant 0 : i32
    %scan3A_478 = arith.constant 50 : i32
    %scan3A_479 = arith.addi %scan3A_477, %scan3A_478 : i32
    %scan3A_480 = arith.constant 1 : i32
    %scan3A_481 = scf.for %scan3A_491 = %scan3A_477 to %scan3A_479 step %scan3A_480 iter_args(%scan3A_492 = %scan3A_476) -> (i32)  : i32 {
      %mul3A_493 = arith.constant 2 : i32
      %mul3A_494 = arith.muli %mul3A_493, %scan3A_491 : i32
      %dma_wait3A_495 = arith.constant 0 : i32
      %dma_wait3A_496 = arith.constant 1 : i32
      %dma_wait3A_497 = arith.constant 0 : i32
      %dma_wait3A_498 = tpu.memref_slice %arg5[%dma_wait3A_496, %dma_wait3A_497] : memref<2x512xi32, #tpu.memory_space<vmem>> -> memref<1x512xi32, #tpu.memory_space<vmem>>
      %dma_wait3A_499 = tpu.memref_squeeze %dma_wait3A_498 : memref<1x512xi32, #tpu.memory_space<vmem>> -> memref<512xi32, #tpu.memory_space<vmem>>
      %dma_wait3A_500 = tpu.memref_slice %arg3[%dma_wait3A_495, %mul3A_2] : memref<100x16384xi32, #tpu.memory_space<hbm>> -> memref<1x512xi32, #tpu.memory_space<hbm>>
      %dma_wait3A_501 = tpu.memref_squeeze %dma_wait3A_500 : memref<1x512xi32, #tpu.memory_space<hbm>> -> memref<512xi32, #tpu.memory_space<hbm>>
      %dma_wait3A_502 = arith.constant 0 : i32
      %dma_wait3A_503 = tpu.memref_slice %arg5[%dma_wait3A_496, %dma_wait3A_502] : memref<2x512xi32, #tpu.memory_space<vmem>> -> memref<1x512xi32, #tpu.memory_space<vmem>>
      %dma_wait3A_504 = tpu.memref_squeeze %dma_wait3A_503 : memref<1x512xi32, #tpu.memory_space<vmem>> -> memref<512xi32, #tpu.memory_space<vmem>>
      %dma_wait3A_505 = tpu.memref_slice %arg3[%dma_wait3A_495, %mul3A_2] : memref<100x16384xi32, #tpu.memory_space<hbm>> -> memref<1x512xi32, #tpu.memory_space<hbm>>
      %dma_wait3A_506 = tpu.memref_squeeze %dma_wait3A_505 : memref<1x512xi32, #tpu.memory_space<hbm>> -> memref<512xi32, #tpu.memory_space<hbm>>
      tpu.wait_dma2 semaphore(%arg10 : memref<!tpu.dma_semaphore, #tpu.memory_space<semaphore_mem>>) src(%dma_wait3A_506 : memref<512xi32, #tpu.memory_space<hbm>>) dst(%dma_wait3A_504 : memref<512xi32, #tpu.memory_space<vmem>>)
      %add3A_507 = arith.constant 1 : i32
      %add3A_508 = arith.addi %mul3A_494, %add3A_507 : i32
      %mul3A_509 = arith.constant 256 : i32
      %mul3A_510 = arith.muli %add3A_508, %mul3A_509 : i32
      %broadcast_in_dim3A_511 = vector.broadcast %mul3A_510 : i32 to vector<16xi32>
      %get3A_512 = arith.constant 1 : i32
      %get3A_513 = arith.index_cast %get3A_512 : i32 to index
      %get3A_514 = arith.constant 0 : index
      %get3A_515 = tpu.vector_load %arg5[%get3A_513, %get3A_514] {strides = array<i32>} : memref<2x512xi32, #tpu.memory_space<vmem>>, vector<1x16xi32>,
      %get3A_516 = vector.shape_cast %get3A_515 : vector<1x16xi32> to vector<16xi32>
      %add3A_517 = arith.addi %get3A_516, %broadcast_in_dim3A_511 : vector<16xi32>
      %swap3A_518 = arith.constant 1 : i32
      %swap3A_519 = arith.index_cast %swap3A_518 : i32 to index
      %swap3A_520 = arith.constant 0 : index
      %swap3A_521 = tpu.vector_load %arg6[%swap3A_519, %swap3A_520] {strides = array<i32>} : memref<2x512xi32, #tpu.memory_space<vmem>>, vector<1x16xi32>,
      %swap3A_522 = vector.shape_cast %swap3A_521 : vector<1x16xi32> to vector<16xi32>
      %swap3A_523 = vector.shape_cast %add3A_517 : vector<16xi32> to vector<1x16xi32>
      tpu.vector_store %arg6[%swap3A_519, %swap3A_520], %swap3A_523 {strides = array<i32>} : memref<2x512xi32, #tpu.memory_space<vmem>>, vector<1x16xi32>,
      %get3A_524 = arith.constant 1 : i32
      %get3A_525 = arith.index_cast %get3A_524 : i32 to index
      %get3A_526 = arith.constant 16 : index
      %get3A_527 = tpu.vector_load %arg5[%get3A_525, %get3A_526] {strides = array<i32>} : memref<2x512xi32, #tpu.memory_space<vmem>>, vector<1x16xi32>,
      %get3A_528 = vector.shape_cast %get3A_527 : vector<1x16xi32> to vector<16xi32>
      %add3A_529 = arith.addi %get3A_528, %broadcast_in_dim3A_511 : vector<16xi32>
      %swap3A_530 = arith.constant 1 : i32
      %swap3A_531 = arith.index_cast %swap3A_530 : i32 to index
      %swap3A_532 = arith.constant 16 : index
      %swap3A_533 = tpu.vector_load %arg6[%swap3A_531, %swap3A_532] {strides = array<i32>} : memref<2x512xi32, #tpu.memory_space<vmem>>, vector<1x16xi32>,
      %swap3A_534 = vector.shape_cast %swap3A_533 : vector<1x16xi32> to vector<16xi32>
      %swap3A_535 = vector.shape_cast %add3A_529 : vector<16xi32> to vector<1x16xi32>
      tpu.vector_store %arg6[%swap3A_531, %swap3A_532], %swap3A_535 {strides = array<i32>} : memref<2x512xi32, #tpu.memory_space<vmem>>, vector<1x16xi32>,
      %get3A_536 = arith.constant 1 : i32
      %get3A_537 = arith.index_cast %get3A_536 : i32 to index
      %get3A_538 = arith.constant 32 : index
      %get3A_539 = tpu.vector_load %arg5[%get3A_537, %get3A_538] {strides = array<i32>} : memref<2x512xi32, #tpu.memory_space<vmem>>, vector<1x16xi32>,
      %get3A_540 = vector.shape_cast %get3A_539 : vector<1x16xi32> to vector<16xi32>
      %add3A_541 = arith.addi %get3A_540, %broadcast_in_dim3A_511 : vector<16xi32>
      %swap3A_542 = arith.constant 1 : i32
      %swap3A_543 = arith.index_cast %swap3A_542 : i32 to index
      %swap3A_544 = arith.constant 32 : index
      %swap3A_545 = tpu.vector_load %arg6[%swap3A_543, %swap3A_544] {strides = array<i32>} : memref<2x512xi32, #tpu.memory_space<vmem>>, vector<1x16xi32>,
      %swap3A_546 = vector.shape_cast %swap3A_545 : vector<1x16xi32> to vector<16xi32>
      %swap3A_547 = vector.shape_cast %add3A_541 : vector<16xi32> to vector<1x16xi32>
      tpu.vector_store %arg6[%swap3A_543, %swap3A_544], %swap3A_547 {strides = array<i32>} : memref<2x512xi32, #tpu.memory_space<vmem>>, vector<1x16xi32>,
      %get3A_548 = arith.constant 1 : i32
      %get3A_549 = arith.index_cast %get3A_548 : i32 to index
      %get3A_550 = arith.constant 48 : index
      %get3A_551 = tpu.vector_load %arg5[%get3A_549, %get3A_550] {strides = array<i32>} : memref<2x512xi32, #tpu.memory_space<vmem>>, vector<1x16xi32>,
      %get3A_552 = vector.shape_cast %get3A_551 : vector<1x16xi32> to vector<16xi32>
      %add3A_553 = arith.addi %get3A_552, %broadcast_in_dim3A_511 : vector<16xi32>
      %swap3A_554 = arith.constant 1 : i32
      %swap3A_555 = arith.index_cast %swap3A_554 : i32 to index
      %swap3A_556 = arith.constant 48 : index
      %swap3A_557 = tpu.vector_load %arg6[%swap3A_555, %swap3A_556] {strides = array<i32>} : memref<2x512xi32, #tpu.memory_space<vmem>>, vector<1x16xi32>,
      %swap3A_558 = vector.shape_cast %swap3A_557 : vector<1x16xi32> to vector<16xi32>
      %swap3A_559 = vector.shape_cast %add3A_553 : vector<16xi32> to vector<1x16xi32>
      tpu.vector_store %arg6[%swap3A_555, %swap3A_556], %swap3A_559 {strides = array<i32>} : memref<2x512xi32, #tpu.memory_space<vmem>>, vector<1x16xi32>,
      %get3A_560 = arith.constant 1 : i32
      %get3A_561 = arith.index_cast %get3A_560 : i32 to index
      %get3A_562 = arith.constant 64 : index
      %get3A_563 = tpu.vector_load %arg5[%get3A_561, %get3A_562] {strides = array<i32>} : memref<2x512xi32, #tpu.memory_space<vmem>>, vector<1x16xi32>,
      %get3A_564 = vector.shape_cast %get3A_563 : vector<1x16xi32> to vector<16xi32>
      %add3A_565 = arith.addi %get3A_564, %broadcast_in_dim3A_511 : vector<16xi32>
      %swap3A_566 = arith.constant 1 : i32
      %swap3A_567 = arith.index_cast %swap3A_566 : i32 to index
      %swap3A_568 = arith.constant 64 : index
      %swap3A_569 = tpu.vector_load %arg6[%swap3A_567, %swap3A_568] {strides = array<i32>} : memref<2x512xi32, #tpu.memory_space<vmem>>, vector<1x16xi32>,
      %swap3A_570 = vector.shape_cast %swap3A_569 : vector<1x16xi32> to vector<16xi32>
      %swap3A_571 = vector.shape_cast %add3A_565 : vector<16xi32> to vector<1x16xi32>
      tpu.vector_store %arg6[%swap3A_567, %swap3A_568], %swap3A_571 {strides = array<i32>} : memref<2x512xi32, #tpu.memory_space<vmem>>, vector<1x16xi32>,
      %get3A_572 = arith.constant 1 : i32
      %get3A_573 = arith.index_cast %get3A_572 : i32 to index
      %get3A_574 = arith.constant 80 : index
      %get3A_575 = tpu.vector_load %arg5[%get3A_573, %get3A_574] {strides = array<i32>} : memref<2x512xi32, #tpu.memory_space<vmem>>, vector<1x16xi32>,
      %get3A_576 = vector.shape_cast %get3A_575 : vector<1x16xi32> to vector<16xi32>
      %add3A_577 = arith.addi %get3A_576, %broadcast_in_dim3A_511 : vector<16xi32>
      %swap3A_578 = arith.constant 1 : i32
      %swap3A_579 = arith.index_cast %swap3A_578 : i32 to index
      %swap3A_580 = arith.constant 80 : index
      %swap3A_581 = tpu.vector_load %arg6[%swap3A_579, %swap3A_580] {strides = array<i32>} : memref<2x512xi32, #tpu.memory_space<vmem>>, vector<1x16xi32>,
      %swap3A_582 = vector.shape_cast %swap3A_581 : vector<1x16xi32> to vector<16xi32>
      %swap3A_583 = vector.shape_cast %add3A_577 : vector<16xi32> to vector<1x16xi32>
      tpu.vector_store %arg6[%swap3A_579, %swap3A_580], %swap3A_583 {strides = array<i32>} : memref<2x512xi32, #tpu.memory_space<vmem>>, vector<1x16xi32>,
      %get3A_584 = arith.constant 1 : i32
      %get3A_585 = arith.index_cast %get3A_584 : i32 to index
      %get3A_586 = arith.constant 96 : index
      %get3A_587 = tpu.vector_load %arg5[%get3A_585, %get3A_586] {strides = array<i32>} : memref<2x512xi32, #tpu.memory_space<vmem>>, vector<1x16xi32>,
      %get3A_588 = vector.shape_cast %get3A_587 : vector<1x16xi32> to vector<16xi32>
      %add3A_589 = arith.addi %get3A_588, %broadcast_in_dim3A_511 : vector<16xi32>
      %swap3A_590 = arith.constant 1 : i32
      %swap3A_591 = arith.index_cast %swap3A_590 : i32 to index
      %swap3A_592 = arith.constant 96 : index
      %swap3A_593 = tpu.vector_load %arg6[%swap3A_591, %swap3A_592] {strides = array<i32>} : memref<2x512xi32, #tpu.memory_space<vmem>>, vector<1x16xi32>,
      %swap3A_594 = vector.shape_cast %swap3A_593 : vector<1x16xi32> to vector<16xi32>
      %swap3A_595 = vector.shape_cast %add3A_589 : vector<16xi32> to vector<1x16xi32>
      tpu.vector_store %arg6[%swap3A_591, %swap3A_592], %swap3A_595 {strides = array<i32>} : memref<2x512xi32, #tpu.memory_space<vmem>>, vector<1x16xi32>,
      %get3A_596 = arith.constant 1 : i32
      %get3A_597 = arith.index_cast %get3A_596 : i32 to index
      %get3A_598 = arith.constant 112 : index
      %get3A_599 = tpu.vector_load %arg5[%get3A_597, %get3A_598] {strides = array<i32>} : memref<2x512xi32, #tpu.memory_space<vmem>>, vector<1x16xi32>,
      %get3A_600 = vector.shape_cast %get3A_599 : vector<1x16xi32> to vector<16xi32>
      %add3A_601 = arith.addi %get3A_600, %broadcast_in_dim3A_511 : vector<16xi32>
      %swap3A_602 = arith.constant 1 : i32
      %swap3A_603 = arith.index_cast %swap3A_602 : i32 to index
      %swap3A_604 = arith.constant 112 : index
      %swap3A_605 = tpu.vector_load %arg6[%swap3A_603, %swap3A_604] {strides = array<i32>} : memref<2x512xi32, #tpu.memory_space<vmem>>, vector<1x16xi32>,
      %swap3A_606 = vector.shape_cast %swap3A_605 : vector<1x16xi32> to vector<16xi32>
      %swap3A_607 = vector.shape_cast %add3A_601 : vector<16xi32> to vector<1x16xi32>
      tpu.vector_store %arg6[%swap3A_603, %swap3A_604], %swap3A_607 {strides = array<i32>} : memref<2x512xi32, #tpu.memory_space<vmem>>, vector<1x16xi32>,
      %get3A_608 = arith.constant 1 : i32
      %get3A_609 = arith.index_cast %get3A_608 : i32 to index
      %get3A_610 = arith.constant 128 : index
      %get3A_611 = tpu.vector_load %arg5[%get3A_609, %get3A_610] {strides = array<i32>} : memref<2x512xi32, #tpu.memory_space<vmem>>, vector<1x16xi32>,
      %get3A_612 = vector.shape_cast %get3A_611 : vector<1x16xi32> to vector<16xi32>
      %add3A_613 = arith.addi %get3A_612, %broadcast_in_dim3A_511 : vector<16xi32>
      %swap3A_614 = arith.constant 1 : i32
      %swap3A_615 = arith.index_cast %swap3A_614 : i32 to index
      %swap3A_616 = arith.constant 128 : index
      %swap3A_617 = tpu.vector_load %arg6[%swap3A_615, %swap3A_616] {strides = array<i32>} : memref<2x512xi32, #tpu.memory_space<vmem>>, vector<1x16xi32>,
      %swap3A_618 = vector.shape_cast %swap3A_617 : vector<1x16xi32> to vector<16xi32>
      %swap3A_619 = vector.shape_cast %add3A_613 : vector<16xi32> to vector<1x16xi32>
      tpu.vector_store %arg6[%swap3A_615, %swap3A_616], %swap3A_619 {strides = array<i32>} : memref<2x512xi32, #tpu.memory_space<vmem>>, vector<1x16xi32>,
      %get3A_620 = arith.constant 1 : i32
      %get3A_621 = arith.index_cast %get3A_620 : i32 to index
      %get3A_622 = arith.constant 144 : index
      %get3A_623 = tpu.vector_load %arg5[%get3A_621, %get3A_622] {strides = array<i32>} : memref<2x512xi32, #tpu.memory_space<vmem>>, vector<1x16xi32>,
      %get3A_624 = vector.shape_cast %get3A_623 : vector<1x16xi32> to vector<16xi32>
      %add3A_625 = arith.addi %get3A_624, %broadcast_in_dim3A_511 : vector<16xi32>
      %swap3A_626 = arith.constant 1 : i32
      %swap3A_627 = arith.index_cast %swap3A_626 : i32 to index
      %swap3A_628 = arith.constant 144 : index
      %swap3A_629 = tpu.vector_load %arg6[%swap3A_627, %swap3A_628] {strides = array<i32>} : memref<2x512xi32, #tpu.memory_space<vmem>>, vector<1x16xi32>,
      %swap3A_630 = vector.shape_cast %swap3A_629 : vector<1x16xi32> to vector<16xi32>
      %swap3A_631 = vector.shape_cast %add3A_625 : vector<16xi32> to vector<1x16xi32>
      tpu.vector_store %arg6[%swap3A_627, %swap3A_628], %swap3A_631 {strides = array<i32>} : memref<2x512xi32, #tpu.memory_space<vmem>>, vector<1x16xi32>,
      %get3A_632 = arith.constant 1 : i32
      %get3A_633 = arith.index_cast %get3A_632 : i32 to index
      %get3A_634 = arith.constant 160 : index
      %get3A_635 = tpu.vector_load %arg5[%get3A_633, %get3A_634] {strides = array<i32>} : memref<2x512xi32, #tpu.memory_space<vmem>>, vector<1x16xi32>,
      %get3A_636 = vector.shape_cast %get3A_635 : vector<1x16xi32> to vector<16xi32>
      %add3A_637 = arith.addi %get3A_636, %broadcast_in_dim3A_511 : vector<16xi32>
      %swap3A_638 = arith.constant 1 : i32
      %swap3A_639 = arith.index_cast %swap3A_638 : i32 to index
      %swap3A_640 = arith.constant 160 : index
      %swap3A_641 = tpu.vector_load %arg6[%swap3A_639, %swap3A_640] {strides = array<i32>} : memref<2x512xi32, #tpu.memory_space<vmem>>, vector<1x16xi32>,
      %swap3A_642 = vector.shape_cast %swap3A_641 : vector<1x16xi32> to vector<16xi32>
      %swap3A_643 = vector.shape_cast %add3A_637 : vector<16xi32> to vector<1x16xi32>
      tpu.vector_store %arg6[%swap3A_639, %swap3A_640], %swap3A_643 {strides = array<i32>} : memref<2x512xi32, #tpu.memory_space<vmem>>, vector<1x16xi32>,
      %get3A_644 = arith.constant 1 : i32
      %get3A_645 = arith.index_cast %get3A_644 : i32 to index
      %get3A_646 = arith.constant 176 : index
      %get3A_647 = tpu.vector_load %arg5[%get3A_645, %get3A_646] {strides = array<i32>} : memref<2x512xi32, #tpu.memory_space<vmem>>, vector<1x16xi32>,
      %get3A_648 = vector.shape_cast %get3A_647 : vector<1x16xi32> to vector<16xi32>
      %add3A_649 = arith.addi %get3A_648, %broadcast_in_dim3A_511 : vector<16xi32>
      %swap3A_650 = arith.constant 1 : i32
      %swap3A_651 = arith.index_cast %swap3A_650 : i32 to index
      %swap3A_652 = arith.constant 176 : index
      %swap3A_653 = tpu.vector_load %arg6[%swap3A_651, %swap3A_652] {strides = array<i32>} : memref<2x512xi32, #tpu.memory_space<vmem>>, vector<1x16xi32>,
      %swap3A_654 = vector.shape_cast %swap3A_653 : vector<1x16xi32> to vector<16xi32>
      %swap3A_655 = vector.shape_cast %add3A_649 : vector<16xi32> to vector<1x16xi32>
      tpu.vector_store %arg6[%swap3A_651, %swap3A_652], %swap3A_655 {strides = array<i32>} : memref<2x512xi32, #tpu.memory_space<vmem>>, vector<1x16xi32>,
      %get3A_656 = arith.constant 1 : i32
      %get3A_657 = arith.index_cast %get3A_656 : i32 to index
      %get3A_658 = arith.constant 192 : index
      %get3A_659 = tpu.vector_load %arg5[%get3A_657, %get3A_658] {strides = array<i32>} : memref<2x512xi32, #tpu.memory_space<vmem>>, vector<1x16xi32>,
      %get3A_660 = vector.shape_cast %get3A_659 : vector<1x16xi32> to vector<16xi32>
      %add3A_661 = arith.addi %get3A_660, %broadcast_in_dim3A_511 : vector<16xi32>
      %swap3A_662 = arith.constant 1 : i32
      %swap3A_663 = arith.index_cast %swap3A_662 : i32 to index
      %swap3A_664 = arith.constant 192 : index
      %swap3A_665 = tpu.vector_load %arg6[%swap3A_663, %swap3A_664] {strides = array<i32>} : memref<2x512xi32, #tpu.memory_space<vmem>>, vector<1x16xi32>,
      %swap3A_666 = vector.shape_cast %swap3A_665 : vector<1x16xi32> to vector<16xi32>
      %swap3A_667 = vector.shape_cast %add3A_661 : vector<16xi32> to vector<1x16xi32>
      tpu.vector_store %arg6[%swap3A_663, %swap3A_664], %swap3A_667 {strides = array<i32>} : memref<2x512xi32, #tpu.memory_space<vmem>>, vector<1x16xi32>,
      %get3A_668 = arith.constant 1 : i32
      %get3A_669 = arith.index_cast %get3A_668 : i32 to index
      %get3A_670 = arith.constant 208 : index
      %get3A_671 = tpu.vector_load %arg5[%get3A_669, %get3A_670] {strides = array<i32>} : memref<2x512xi32, #tpu.memory_space<vmem>>, vector<1x16xi32>,
      %get3A_672 = vector.shape_cast %get3A_671 : vector<1x16xi32> to vector<16xi32>
      %add3A_673 = arith.addi %get3A_672, %broadcast_in_dim3A_511 : vector<16xi32>
      %swap3A_674 = arith.constant 1 : i32
      %swap3A_675 = arith.index_cast %swap3A_674 : i32 to index
      %swap3A_676 = arith.constant 208 : index
      %swap3A_677 = tpu.vector_load %arg6[%swap3A_675, %swap3A_676] {strides = array<i32>} : memref<2x512xi32, #tpu.memory_space<vmem>>, vector<1x16xi32>,
      %swap3A_678 = vector.shape_cast %swap3A_677 : vector<1x16xi32> to vector<16xi32>
      %swap3A_679 = vector.shape_cast %add3A_673 : vector<16xi32> to vector<1x16xi32>
      tpu.vector_store %arg6[%swap3A_675, %swap3A_676], %swap3A_679 {strides = array<i32>} : memref<2x512xi32, #tpu.memory_space<vmem>>, vector<1x16xi32>,
      %get3A_680 = arith.constant 1 : i32
      %get3A_681 = arith.index_cast %get3A_680 : i32 to index
      %get3A_682 = arith.constant 224 : index
      %get3A_683 = tpu.vector_load %arg5[%get3A_681, %get3A_682] {strides = array<i32>} : memref<2x512xi32, #tpu.memory_space<vmem>>, vector<1x16xi32>,
      %get3A_684 = vector.shape_cast %get3A_683 : vector<1x16xi32> to vector<16xi32>
      %add3A_685 = arith.addi %get3A_684, %broadcast_in_dim3A_511 : vector<16xi32>
      %swap3A_686 = arith.constant 1 : i32
      %swap3A_687 = arith.index_cast %swap3A_686 : i32 to index
      %swap3A_688 = arith.constant 224 : index
      %swap3A_689 = tpu.vector_load %arg6[%swap3A_687, %swap3A_688] {strides = array<i32>} : memref<2x512xi32, #tpu.memory_space<vmem>>, vector<1x16xi32>,
      %swap3A_690 = vector.shape_cast %swap3A_689 : vector<1x16xi32> to vector<16xi32>
      %swap3A_691 = vector.shape_cast %add3A_685 : vector<16xi32> to vector<1x16xi32>
      tpu.vector_store %arg6[%swap3A_687, %swap3A_688], %swap3A_691 {strides = array<i32>} : memref<2x512xi32, #tpu.memory_space<vmem>>, vector<1x16xi32>,
      %get3A_692 = arith.constant 1 : i32
      %get3A_693 = arith.index_cast %get3A_692 : i32 to index
      %get3A_694 = arith.constant 240 : index
      %get3A_695 = tpu.vector_load %arg5[%get3A_693, %get3A_694] {strides = array<i32>} : memref<2x512xi32, #tpu.memory_space<vmem>>, vector<1x16xi32>,
      %get3A_696 = vector.shape_cast %get3A_695 : vector<1x16xi32> to vector<16xi32>
      %add3A_697 = arith.addi %get3A_696, %broadcast_in_dim3A_511 : vector<16xi32>
      %swap3A_698 = arith.constant 1 : i32
      %swap3A_699 = arith.index_cast %swap3A_698 : i32 to index
      %swap3A_700 = arith.constant 240 : index
      %swap3A_701 = tpu.vector_load %arg6[%swap3A_699, %swap3A_700] {strides = array<i32>} : memref<2x512xi32, #tpu.memory_space<vmem>>, vector<1x16xi32>,
      %swap3A_702 = vector.shape_cast %swap3A_701 : vector<1x16xi32> to vector<16xi32>
      %swap3A_703 = vector.shape_cast %add3A_697 : vector<16xi32> to vector<1x16xi32>
      tpu.vector_store %arg6[%swap3A_699, %swap3A_700], %swap3A_703 {strides = array<i32>} : memref<2x512xi32, #tpu.memory_space<vmem>>, vector<1x16xi32>,
      %get3A_704 = arith.constant 1 : i32
      %get3A_705 = arith.index_cast %get3A_704 : i32 to index
      %get3A_706 = arith.constant 256 : index
      %get3A_707 = tpu.vector_load %arg5[%get3A_705, %get3A_706] {strides = array<i32>} : memref<2x512xi32, #tpu.memory_space<vmem>>, vector<1x16xi32>,
      %get3A_708 = vector.shape_cast %get3A_707 : vector<1x16xi32> to vector<16xi32>
      %add3A_709 = arith.addi %get3A_708, %broadcast_in_dim3A_511 : vector<16xi32>
      %swap3A_710 = arith.constant 1 : i32
      %swap3A_711 = arith.index_cast %swap3A_710 : i32 to index
      %swap3A_712 = arith.constant 256 : index
      %swap3A_713 = tpu.vector_load %arg6[%swap3A_711, %swap3A_712] {strides = array<i32>} : memref<2x512xi32, #tpu.memory_space<vmem>>, vector<1x16xi32>,
      %swap3A_714 = vector.shape_cast %swap3A_713 : vector<1x16xi32> to vector<16xi32>
      %swap3A_715 = vector.shape_cast %add3A_709 : vector<16xi32> to vector<1x16xi32>
      tpu.vector_store %arg6[%swap3A_711, %swap3A_712], %swap3A_715 {strides = array<i32>} : memref<2x512xi32, #tpu.memory_space<vmem>>, vector<1x16xi32>,
      %get3A_716 = arith.constant 1 : i32
      %get3A_717 = arith.index_cast %get3A_716 : i32 to index
      %get3A_718 = arith.constant 272 : index
      %get3A_719 = tpu.vector_load %arg5[%get3A_717, %get3A_718] {strides = array<i32>} : memref<2x512xi32, #tpu.memory_space<vmem>>, vector<1x16xi32>,
      %get3A_720 = vector.shape_cast %get3A_719 : vector<1x16xi32> to vector<16xi32>
      %add3A_721 = arith.addi %get3A_720, %broadcast_in_dim3A_511 : vector<16xi32>
      %swap3A_722 = arith.constant 1 : i32
      %swap3A_723 = arith.index_cast %swap3A_722 : i32 to index
      %swap3A_724 = arith.constant 272 : index
      %swap3A_725 = tpu.vector_load %arg6[%swap3A_723, %swap3A_724] {strides = array<i32>} : memref<2x512xi32, #tpu.memory_space<vmem>>, vector<1x16xi32>,
      %swap3A_726 = vector.shape_cast %swap3A_725 : vector<1x16xi32> to vector<16xi32>
      %swap3A_727 = vector.shape_cast %add3A_721 : vector<16xi32> to vector<1x16xi32>
      tpu.vector_store %arg6[%swap3A_723, %swap3A_724], %swap3A_727 {strides = array<i32>} : memref<2x512xi32, #tpu.memory_space<vmem>>, vector<1x16xi32>,
      %get3A_728 = arith.constant 1 : i32
      %get3A_729 = arith.index_cast %get3A_728 : i32 to index
      %get3A_730 = arith.constant 288 : index
      %get3A_731 = tpu.vector_load %arg5[%get3A_729, %get3A_730] {strides = array<i32>} : memref<2x512xi32, #tpu.memory_space<vmem>>, vector<1x16xi32>,
      %get3A_732 = vector.shape_cast %get3A_731 : vector<1x16xi32> to vector<16xi32>
      %add3A_733 = arith.addi %get3A_732, %broadcast_in_dim3A_511 : vector<16xi32>
      %swap3A_734 = arith.constant 1 : i32
      %swap3A_735 = arith.index_cast %swap3A_734 : i32 to index
      %swap3A_736 = arith.constant 288 : index
      %swap3A_737 = tpu.vector_load %arg6[%swap3A_735, %swap3A_736] {strides = array<i32>} : memref<2x512xi32, #tpu.memory_space<vmem>>, vector<1x16xi32>,
      %swap3A_738 = vector.shape_cast %swap3A_737 : vector<1x16xi32> to vector<16xi32>
      %swap3A_739 = vector.shape_cast %add3A_733 : vector<16xi32> to vector<1x16xi32>
      tpu.vector_store %arg6[%swap3A_735, %swap3A_736], %swap3A_739 {strides = array<i32>} : memref<2x512xi32, #tpu.memory_space<vmem>>, vector<1x16xi32>,
      %get3A_740 = arith.constant 1 : i32
      %get3A_741 = arith.index_cast %get3A_740 : i32 to index
      %get3A_742 = arith.constant 304 : index
      %get3A_743 = tpu.vector_load %arg5[%get3A_741, %get3A_742] {strides = array<i32>} : memref<2x512xi32, #tpu.memory_space<vmem>>, vector<1x16xi32>,
      %get3A_744 = vector.shape_cast %get3A_743 : vector<1x16xi32> to vector<16xi32>
      %add3A_745 = arith.addi %get3A_744, %broadcast_in_dim3A_511 : vector<16xi32>
      %swap3A_746 = arith.constant 1 : i32
      %swap3A_747 = arith.index_cast %swap3A_746 : i32 to index
      %swap3A_748 = arith.constant 304 : index
      %swap3A_749 = tpu.vector_load %arg6[%swap3A_747, %swap3A_748] {strides = array<i32>} : memref<2x512xi32, #tpu.memory_space<vmem>>, vector<1x16xi32>,
      %swap3A_750 = vector.shape_cast %swap3A_749 : vector<1x16xi32> to vector<16xi32>
      %swap3A_751 = vector.shape_cast %add3A_745 : vector<16xi32> to vector<1x16xi32>
      tpu.vector_store %arg6[%swap3A_747, %swap3A_748], %swap3A_751 {strides = array<i32>} : memref<2x512xi32, #tpu.memory_space<vmem>>, vector<1x16xi32>,
      %get3A_752 = arith.constant 1 : i32
      %get3A_753 = arith.index_cast %get3A_752 : i32 to index
      %get3A_754 = arith.constant 320 : index
      %get3A_755 = tpu.vector_load %arg5[%get3A_753, %get3A_754] {strides = array<i32>} : memref<2x512xi32, #tpu.memory_space<vmem>>, vector<1x16xi32>,
      %get3A_756 = vector.shape_cast %get3A_755 : vector<1x16xi32> to vector<16xi32>
      %add3A_757 = arith.addi %get3A_756, %broadcast_in_dim3A_511 : vector<16xi32>
      %swap3A_758 = arith.constant 1 : i32
      %swap3A_759 = arith.index_cast %swap3A_758 : i32 to index
      %swap3A_760 = arith.constant 320 : index
      %swap3A_761 = tpu.vector_load %arg6[%swap3A_759, %swap3A_760] {strides = array<i32>} : memref<2x512xi32, #tpu.memory_space<vmem>>, vector<1x16xi32>,
      %swap3A_762 = vector.shape_cast %swap3A_761 : vector<1x16xi32> to vector<16xi32>
      %swap3A_763 = vector.shape_cast %add3A_757 : vector<16xi32> to vector<1x16xi32>
      tpu.vector_store %arg6[%swap3A_759, %swap3A_760], %swap3A_763 {strides = array<i32>} : memref<2x512xi32, #tpu.memory_space<vmem>>, vector<1x16xi32>,
      %get3A_764 = arith.constant 1 : i32
      %get3A_765 = arith.index_cast %get3A_764 : i32 to index
      %get3A_766 = arith.constant 336 : index
      %get3A_767 = tpu.vector_load %arg5[%get3A_765, %get3A_766] {strides = array<i32>} : memref<2x512xi32, #tpu.memory_space<vmem>>, vector<1x16xi32>,
      %get3A_768 = vector.shape_cast %get3A_767 : vector<1x16xi32> to vector<16xi32>
      %add3A_769 = arith.addi %get3A_768, %broadcast_in_dim3A_511 : vector<16xi32>
      %swap3A_770 = arith.constant 1 : i32
      %swap3A_771 = arith.index_cast %swap3A_770 : i32 to index
      %swap3A_772 = arith.constant 336 : index
      %swap3A_773 = tpu.vector_load %arg6[%swap3A_771, %swap3A_772] {strides = array<i32>} : memref<2x512xi32, #tpu.memory_space<vmem>>, vector<1x16xi32>,
      %swap3A_774 = vector.shape_cast %swap3A_773 : vector<1x16xi32> to vector<16xi32>
      %swap3A_775 = vector.shape_cast %add3A_769 : vector<16xi32> to vector<1x16xi32>
      tpu.vector_store %arg6[%swap3A_771, %swap3A_772], %swap3A_775 {strides = array<i32>} : memref<2x512xi32, #tpu.memory_space<vmem>>, vector<1x16xi32>,
      %get3A_776 = arith.constant 1 : i32
      %get3A_777 = arith.index_cast %get3A_776 : i32 to index
      %get3A_778 = arith.constant 352 : index
      %get3A_779 = tpu.vector_load %arg5[%get3A_777, %get3A_778] {strides = array<i32>} : memref<2x512xi32, #tpu.memory_space<vmem>>, vector<1x16xi32>,
      %get3A_780 = vector.shape_cast %get3A_779 : vector<1x16xi32> to vector<16xi32>
      %add3A_781 = arith.addi %get3A_780, %broadcast_in_dim3A_511 : vector<16xi32>
      %swap3A_782 = arith.constant 1 : i32
      %swap3A_783 = arith.index_cast %swap3A_782 : i32 to index
      %swap3A_784 = arith.constant 352 : index
      %swap3A_785 = tpu.vector_load %arg6[%swap3A_783, %swap3A_784] {strides = array<i32>} : memref<2x512xi32, #tpu.memory_space<vmem>>, vector<1x16xi32>,
      %swap3A_786 = vector.shape_cast %swap3A_785 : vector<1x16xi32> to vector<16xi32>
      %swap3A_787 = vector.shape_cast %add3A_781 : vector<16xi32> to vector<1x16xi32>
      tpu.vector_store %arg6[%swap3A_783, %swap3A_784], %swap3A_787 {strides = array<i32>} : memref<2x512xi32, #tpu.memory_space<vmem>>, vector<1x16xi32>,
      %get3A_788 = arith.constant 1 : i32
      %get3A_789 = arith.index_cast %get3A_788 : i32 to index
      %get3A_790 = arith.constant 368 : index
      %get3A_791 = tpu.vector_load %arg5[%get3A_789, %get3A_790] {strides = array<i32>} : memref<2x512xi32, #tpu.memory_space<vmem>>, vector<1x16xi32>,
      %get3A_792 = vector.shape_cast %get3A_791 : vector<1x16xi32> to vector<16xi32>
      %add3A_793 = arith.addi %get3A_792, %broadcast_in_dim3A_511 : vector<16xi32>
      %swap3A_794 = arith.constant 1 : i32
      %swap3A_795 = arith.index_cast %swap3A_794 : i32 to index
      %swap3A_796 = arith.constant 368 : index
      %swap3A_797 = tpu.vector_load %arg6[%swap3A_795, %swap3A_796] {strides = array<i32>} : memref<2x512xi32, #tpu.memory_space<vmem>>, vector<1x16xi32>,
      %swap3A_798 = vector.shape_cast %swap3A_797 : vector<1x16xi32> to vector<16xi32>
      %swap3A_799 = vector.shape_cast %add3A_793 : vector<16xi32> to vector<1x16xi32>
      tpu.vector_store %arg6[%swap3A_795, %swap3A_796], %swap3A_799 {strides = array<i32>} : memref<2x512xi32, #tpu.memory_space<vmem>>, vector<1x16xi32>,
      %get3A_800 = arith.constant 1 : i32
      %get3A_801 = arith.index_cast %get3A_800 : i32 to index
      %get3A_802 = arith.constant 384 : index
      %get3A_803 = tpu.vector_load %arg5[%get3A_801, %get3A_802] {strides = array<i32>} : memref<2x512xi32, #tpu.memory_space<vmem>>, vector<1x16xi32>,
      %get3A_804 = vector.shape_cast %get3A_803 : vector<1x16xi32> to vector<16xi32>
      %add3A_805 = arith.addi %get3A_804, %broadcast_in_dim3A_511 : vector<16xi32>
      %swap3A_806 = arith.constant 1 : i32
      %swap3A_807 = arith.index_cast %swap3A_806 : i32 to index
      %swap3A_808 = arith.constant 384 : index
      %swap3A_809 = tpu.vector_load %arg6[%swap3A_807, %swap3A_808] {strides = array<i32>} : memref<2x512xi32, #tpu.memory_space<vmem>>, vector<1x16xi32>,
      %swap3A_810 = vector.shape_cast %swap3A_809 : vector<1x16xi32> to vector<16xi32>
      %swap3A_811 = vector.shape_cast %add3A_805 : vector<16xi32> to vector<1x16xi32>
      tpu.vector_store %arg6[%swap3A_807, %swap3A_808], %swap3A_811 {strides = array<i32>} : memref<2x512xi32, #tpu.memory_space<vmem>>, vector<1x16xi32>,
      %get3A_812 = arith.constant 1 : i32
      %get3A_813 = arith.index_cast %get3A_812 : i32 to index
      %get3A_814 = arith.constant 400 : index
      %get3A_815 = tpu.vector_load %arg5[%get3A_813, %get3A_814] {strides = array<i32>} : memref<2x512xi32, #tpu.memory_space<vmem>>, vector<1x16xi32>,
      %get3A_816 = vector.shape_cast %get3A_815 : vector<1x16xi32> to vector<16xi32>
      %add3A_817 = arith.addi %get3A_816, %broadcast_in_dim3A_511 : vector<16xi32>
      %swap3A_818 = arith.constant 1 : i32
      %swap3A_819 = arith.index_cast %swap3A_818 : i32 to index
      %swap3A_820 = arith.constant 400 : index
      %swap3A_821 = tpu.vector_load %arg6[%swap3A_819, %swap3A_820] {strides = array<i32>} : memref<2x512xi32, #tpu.memory_space<vmem>>, vector<1x16xi32>,
      %swap3A_822 = vector.shape_cast %swap3A_821 : vector<1x16xi32> to vector<16xi32>
      %swap3A_823 = vector.shape_cast %add3A_817 : vector<16xi32> to vector<1x16xi32>
      tpu.vector_store %arg6[%swap3A_819, %swap3A_820], %swap3A_823 {strides = array<i32>} : memref<2x512xi32, #tpu.memory_space<vmem>>, vector<1x16xi32>,
      %get3A_824 = arith.constant 1 : i32
      %get3A_825 = arith.index_cast %get3A_824 : i32 to index
      %get3A_826 = arith.constant 416 : index
      %get3A_827 = tpu.vector_load %arg5[%get3A_825, %get3A_826] {strides = array<i32>} : memref<2x512xi32, #tpu.memory_space<vmem>>, vector<1x16xi32>,
      %get3A_828 = vector.shape_cast %get3A_827 : vector<1x16xi32> to vector<16xi32>
      %add3A_829 = arith.addi %get3A_828, %broadcast_in_dim3A_511 : vector<16xi32>
      %swap3A_830 = arith.constant 1 : i32
      %swap3A_831 = arith.index_cast %swap3A_830 : i32 to index
      %swap3A_832 = arith.constant 416 : index
      %swap3A_833 = tpu.vector_load %arg6[%swap3A_831, %swap3A_832] {strides = array<i32>} : memref<2x512xi32, #tpu.memory_space<vmem>>, vector<1x16xi32>,
      %swap3A_834 = vector.shape_cast %swap3A_833 : vector<1x16xi32> to vector<16xi32>
      %swap3A_835 = vector.shape_cast %add3A_829 : vector<16xi32> to vector<1x16xi32>
      tpu.vector_store %arg6[%swap3A_831, %swap3A_832], %swap3A_835 {strides = array<i32>} : memref<2x512xi32, #tpu.memory_space<vmem>>, vector<1x16xi32>,
      %get3A_836 = arith.constant 1 : i32
      %get3A_837 = arith.index_cast %get3A_836 : i32 to index
      %get3A_838 = arith.constant 432 : index
      %get3A_839 = tpu.vector_load %arg5[%get3A_837, %get3A_838] {strides = array<i32>} : memref<2x512xi32, #tpu.memory_space<vmem>>, vector<1x16xi32>,
      %get3A_840 = vector.shape_cast %get3A_839 : vector<1x16xi32> to vector<16xi32>
      %add3A_841 = arith.addi %get3A_840, %broadcast_in_dim3A_511 : vector<16xi32>
      %swap3A_842 = arith.constant 1 : i32
      %swap3A_843 = arith.index_cast %swap3A_842 : i32 to index
      %swap3A_844 = arith.constant 432 : index
      %swap3A_845 = tpu.vector_load %arg6[%swap3A_843, %swap3A_844] {strides = array<i32>} : memref<2x512xi32, #tpu.memory_space<vmem>>, vector<1x16xi32>,
      %swap3A_846 = vector.shape_cast %swap3A_845 : vector<1x16xi32> to vector<16xi32>
      %swap3A_847 = vector.shape_cast %add3A_841 : vector<16xi32> to vector<1x16xi32>
      tpu.vector_store %arg6[%swap3A_843, %swap3A_844], %swap3A_847 {strides = array<i32>} : memref<2x512xi32, #tpu.memory_space<vmem>>, vector<1x16xi32>,
      %get3A_848 = arith.constant 1 : i32
      %get3A_849 = arith.index_cast %get3A_848 : i32 to index
      %get3A_850 = arith.constant 448 : index
      %get3A_851 = tpu.vector_load %arg5[%get3A_849, %get3A_850] {strides = array<i32>} : memref<2x512xi32, #tpu.memory_space<vmem>>, vector<1x16xi32>,
      %get3A_852 = vector.shape_cast %get3A_851 : vector<1x16xi32> to vector<16xi32>
      %add3A_853 = arith.addi %get3A_852, %broadcast_in_dim3A_511 : vector<16xi32>
      %swap3A_854 = arith.constant 1 : i32
      %swap3A_855 = arith.index_cast %swap3A_854 : i32 to index
      %swap3A_856 = arith.constant 448 : index
      %swap3A_857 = tpu.vector_load %arg6[%swap3A_855, %swap3A_856] {strides = array<i32>} : memref<2x512xi32, #tpu.memory_space<vmem>>, vector<1x16xi32>,
      %swap3A_858 = vector.shape_cast %swap3A_857 : vector<1x16xi32> to vector<16xi32>
      %swap3A_859 = vector.shape_cast %add3A_853 : vector<16xi32> to vector<1x16xi32>
      tpu.vector_store %arg6[%swap3A_855, %swap3A_856], %swap3A_859 {strides = array<i32>} : memref<2x512xi32, #tpu.memory_space<vmem>>, vector<1x16xi32>,
      %get3A_860 = arith.constant 1 : i32
      %get3A_861 = arith.index_cast %get3A_860 : i32 to index
      %get3A_862 = arith.constant 464 : index
      %get3A_863 = tpu.vector_load %arg5[%get3A_861, %get3A_862] {strides = array<i32>} : memref<2x512xi32, #tpu.memory_space<vmem>>, vector<1x16xi32>,
      %get3A_864 = vector.shape_cast %get3A_863 : vector<1x16xi32> to vector<16xi32>
      %add3A_865 = arith.addi %get3A_864, %broadcast_in_dim3A_511 : vector<16xi32>
      %swap3A_866 = arith.constant 1 : i32
      %swap3A_867 = arith.index_cast %swap3A_866 : i32 to index
      %swap3A_868 = arith.constant 464 : index
      %swap3A_869 = tpu.vector_load %arg6[%swap3A_867, %swap3A_868] {strides = array<i32>} : memref<2x512xi32, #tpu.memory_space<vmem>>, vector<1x16xi32>,
      %swap3A_870 = vector.shape_cast %swap3A_869 : vector<1x16xi32> to vector<16xi32>
      %swap3A_871 = vector.shape_cast %add3A_865 : vector<16xi32> to vector<1x16xi32>
      tpu.vector_store %arg6[%swap3A_867, %swap3A_868], %swap3A_871 {strides = array<i32>} : memref<2x512xi32, #tpu.memory_space<vmem>>, vector<1x16xi32>,
      %get3A_872 = arith.constant 1 : i32
      %get3A_873 = arith.index_cast %get3A_872 : i32 to index
      %get3A_874 = arith.constant 480 : index
      %get3A_875 = tpu.vector_load %arg5[%get3A_873, %get3A_874] {strides = array<i32>} : memref<2x512xi32, #tpu.memory_space<vmem>>, vector<1x16xi32>,
      %get3A_876 = vector.shape_cast %get3A_875 : vector<1x16xi32> to vector<16xi32>
      %add3A_877 = arith.addi %get3A_876, %broadcast_in_dim3A_511 : vector<16xi32>
      %swap3A_878 = arith.constant 1 : i32
      %swap3A_879 = arith.index_cast %swap3A_878 : i32 to index
      %swap3A_880 = arith.constant 480 : index
      %swap3A_881 = tpu.vector_load %arg6[%swap3A_879, %swap3A_880] {strides = array<i32>} : memref<2x512xi32, #tpu.memory_space<vmem>>, vector<1x16xi32>,
      %swap3A_882 = vector.shape_cast %swap3A_881 : vector<1x16xi32> to vector<16xi32>
      %swap3A_883 = vector.shape_cast %add3A_877 : vector<16xi32> to vector<1x16xi32>
      tpu.vector_store %arg6[%swap3A_879, %swap3A_880], %swap3A_883 {strides = array<i32>} : memref<2x512xi32, #tpu.memory_space<vmem>>, vector<1x16xi32>,
      %get3A_884 = arith.constant 1 : i32
      %get3A_885 = arith.index_cast %get3A_884 : i32 to index
      %get3A_886 = arith.constant 496 : index
      %get3A_887 = tpu.vector_load %arg5[%get3A_885, %get3A_886] {strides = array<i32>} : memref<2x512xi32, #tpu.memory_space<vmem>>, vector<1x16xi32>,
      %get3A_888 = vector.shape_cast %get3A_887 : vector<1x16xi32> to vector<16xi32>
      %add3A_889 = arith.addi %get3A_888, %broadcast_in_dim3A_511 : vector<16xi32>
      %swap3A_890 = arith.constant 1 : i32
      %swap3A_891 = arith.index_cast %swap3A_890 : i32 to index
      %swap3A_892 = arith.constant 496 : index
      %swap3A_893 = tpu.vector_load %arg6[%swap3A_891, %swap3A_892] {strides = array<i32>} : memref<2x512xi32, #tpu.memory_space<vmem>>, vector<1x16xi32>,
      %swap3A_894 = vector.shape_cast %swap3A_893 : vector<1x16xi32> to vector<16xi32>
      %swap3A_895 = vector.shape_cast %add3A_889 : vector<16xi32> to vector<1x16xi32>
      tpu.vector_store %arg6[%swap3A_891, %swap3A_892], %swap3A_895 {strides = array<i32>} : memref<2x512xi32, #tpu.memory_space<vmem>>, vector<1x16xi32>,
      %dma_start3A_896 = arith.constant 1 : i32
      %dma_start3A_897 = arith.constant 1 : i32
      %dma_start3A_898 = arith.constant 0 : i32
      %dma_start3A_899 = arith.constant 0 : i32
      %dma_start3A_900 = tpu.memref_slice %arg7[%dma_start3A_897, %dma_start3A_898, %dma_start3A_899] : memref<2x512x64xf32, #tpu.memory_space<vmem>> -> memref<1x128x64xf32, #tpu.memory_space<vmem>>
      %dma_start3A_901 = tpu.memref_squeeze %dma_start3A_900 : memref<1x128x64xf32, #tpu.memory_space<vmem>> -> memref<128x64xf32, #tpu.memory_space<vmem>>
      %dma_start3A_902 = arith.constant 0 : i32
      %dma_start3A_903 = tpu.memref_slice %arg6[%dma_start3A_896, %dma_start3A_902] : memref<2x512xi32, #tpu.memory_space<vmem>> -> memref<1x128xi32, #tpu.memory_space<vmem>>
      %dma_start3A_904 = tpu.memref_squeeze %dma_start3A_903 : memref<1x128xi32, #tpu.memory_space<vmem>> -> memref<128xi32, #tpu.memory_space<vmem>>
      %dma_start3A_905 = arith.constant 0 : i32
      %dma_start3A_906 = arith.constant 0 : i32
      %dma_start3A_907 = tpu.memref_slice %arg2[%dma_start3A_905, %dma_start3A_906] : memref<25600x64xf32, #tpu.memory_space<hbm>> -> memref<25600x64xf32, #tpu.memory_space<hbm>>
      tpu.enqueue_indirect_dma source(%dma_start3A_907 : memref<25600x64xf32, #tpu.memory_space<hbm>>) target(%dma_start3A_901 : memref<128x64xf32, #tpu.memory_space<vmem>>) offsets(%dma_start3A_904 : memref<128xi32, #tpu.memory_space<vmem>>) semaphore(%arg12 : memref<!tpu.dma_semaphore, #tpu.memory_space<semaphore_mem>>)
      %dma_start3A_908 = arith.constant 1 : i32
      %dma_start3A_909 = arith.constant 1 : i32
      %dma_start3A_910 = arith.constant 128 : i32
      %dma_start3A_911 = arith.constant 0 : i32
      %dma_start3A_912 = tpu.memref_slice %arg7[%dma_start3A_909, %dma_start3A_910, %dma_start3A_911] : memref<2x512x64xf32, #tpu.memory_space<vmem>> -> memref<1x128x64xf32, #tpu.memory_space<vmem>>
      %dma_start3A_913 = tpu.memref_squeeze %dma_start3A_912 : memref<1x128x64xf32, #tpu.memory_space<vmem>> -> memref<128x64xf32, #tpu.memory_space<vmem>>
      %dma_start3A_914 = arith.constant 128 : i32
      %dma_start3A_915 = tpu.memref_slice %arg6[%dma_start3A_908, %dma_start3A_914] : memref<2x512xi32, #tpu.memory_space<vmem>> -> memref<1x128xi32, #tpu.memory_space<vmem>>
      %dma_start3A_916 = tpu.memref_squeeze %dma_start3A_915 : memref<1x128xi32, #tpu.memory_space<vmem>> -> memref<128xi32, #tpu.memory_space<vmem>>
      %dma_start3A_917 = arith.constant 0 : i32
      %dma_start3A_918 = arith.constant 0 : i32
      %dma_start3A_919 = tpu.memref_slice %arg2[%dma_start3A_917, %dma_start3A_918] : memref<25600x64xf32, #tpu.memory_space<hbm>> -> memref<25600x64xf32, #tpu.memory_space<hbm>>
      tpu.enqueue_indirect_dma source(%dma_start3A_919 : memref<25600x64xf32, #tpu.memory_space<hbm>>) target(%dma_start3A_913 : memref<128x64xf32, #tpu.memory_space<vmem>>) offsets(%dma_start3A_916 : memref<128xi32, #tpu.memory_space<vmem>>) semaphore(%arg12 : memref<!tpu.dma_semaphore, #tpu.memory_space<semaphore_mem>>)
      %dma_start3A_920 = arith.constant 1 : i32
      %dma_start3A_921 = arith.constant 1 : i32
      %dma_start3A_922 = arith.constant 256 : i32
      %dma_start3A_923 = arith.constant 0 : i32
      %dma_start3A_924 = tpu.memref_slice %arg7[%dma_start3A_921, %dma_start3A_922, %dma_start3A_923] : memref<2x512x64xf32, #tpu.memory_space<vmem>> -> memref<1x128x64xf32, #tpu.memory_space<vmem>>
      %dma_start3A_925 = tpu.memref_squeeze %dma_start3A_924 : memref<1x128x64xf32, #tpu.memory_space<vmem>> -> memref<128x64xf32, #tpu.memory_space<vmem>>
      %dma_start3A_926 = arith.constant 256 : i32
      %dma_start3A_927 = tpu.memref_slice %arg6[%dma_start3A_920, %dma_start3A_926] : memref<2x512xi32, #tpu.memory_space<vmem>> -> memref<1x128xi32, #tpu.memory_space<vmem>>
      %dma_start3A_928 = tpu.memref_squeeze %dma_start3A_927 : memref<1x128xi32, #tpu.memory_space<vmem>> -> memref<128xi32, #tpu.memory_space<vmem>>
      %dma_start3A_929 = arith.constant 0 : i32
      %dma_start3A_930 = arith.constant 0 : i32
      %dma_start3A_931 = tpu.memref_slice %arg2[%dma_start3A_929, %dma_start3A_930] : memref<25600x64xf32, #tpu.memory_space<hbm>> -> memref<25600x64xf32, #tpu.memory_space<hbm>>
      tpu.enqueue_indirect_dma source(%dma_start3A_931 : memref<25600x64xf32, #tpu.memory_space<hbm>>) target(%dma_start3A_925 : memref<128x64xf32, #tpu.memory_space<vmem>>) offsets(%dma_start3A_928 : memref<128xi32, #tpu.memory_space<vmem>>) semaphore(%arg12 : memref<!tpu.dma_semaphore, #tpu.memory_space<semaphore_mem>>)
      %dma_start3A_932 = arith.constant 1 : i32
      %dma_start3A_933 = arith.constant 1 : i32
      %dma_start3A_934 = arith.constant 384 : i32
      %dma_start3A_935 = arith.constant 0 : i32
      %dma_start3A_936 = tpu.memref_slice %arg7[%dma_start3A_933, %dma_start3A_934, %dma_start3A_935] : memref<2x512x64xf32, #tpu.memory_space<vmem>> -> memref<1x128x64xf32, #tpu.memory_space<vmem>>
      %dma_start3A_937 = tpu.memref_squeeze %dma_start3A_936 : memref<1x128x64xf32, #tpu.memory_space<vmem>> -> memref<128x64xf32, #tpu.memory_space<vmem>>
      %dma_start3A_938 = arith.constant 384 : i32
      %dma_start3A_939 = tpu.memref_slice %arg6[%dma_start3A_932, %dma_start3A_938] : memref<2x512xi32, #tpu.memory_space<vmem>> -> memref<1x128xi32, #tpu.memory_space<vmem>>
      %dma_start3A_940 = tpu.memref_squeeze %dma_start3A_939 : memref<1x128xi32, #tpu.memory_space<vmem>> -> memref<128xi32, #tpu.memory_space<vmem>>
      %dma_start3A_941 = arith.constant 0 : i32
      %dma_start3A_942 = arith.constant 0 : i32
      %dma_start3A_943 = tpu.memref_slice %arg2[%dma_start3A_941, %dma_start3A_942] : memref<25600x64xf32, #tpu.memory_space<hbm>> -> memref<25600x64xf32, #tpu.memory_space<hbm>>
      tpu.enqueue_indirect_dma source(%dma_start3A_943 : memref<25600x64xf32, #tpu.memory_space<hbm>>) target(%dma_start3A_937 : memref<128x64xf32, #tpu.memory_space<vmem>>) offsets(%dma_start3A_940 : memref<128xi32, #tpu.memory_space<vmem>>) semaphore(%arg12 : memref<!tpu.dma_semaphore, #tpu.memory_space<semaphore_mem>>)
      %add3A_944 = arith.constant 2 : i32
      %add3A_945 = arith.addi %mul3A_494, %add3A_944 : i32
      %lt3A = arith.constant 100 : i32
      %lt3A_946 = arith.cmpi slt, %add3A_945, %lt3A : i32
      %convert_element_type3A = arith.extui %lt3A_946 : i1 to i32
      %cond3A = arith.constant 0 : i32
      %cond3A_947 = arith.cmpi ne, %convert_element_type3A, %cond3A : i32
      scf.if %cond3A_947 {
        %add3A_1073 = arith.constant 2 : i32
        %add3A_1074 = arith.addi %mul3A_494, %add3A_1073 : i32
        %dma_start3A_1075 = arith.constant 0 : i32
        %dma_start3A_1076 = arith.constant 0 : i32
        %dma_start3A_1077 = tpu.memref_slice %arg5[%dma_start3A_1075, %dma_start3A_1076] : memref<2x512xi32, #tpu.memory_space<vmem>> -> memref<1x512xi32, #tpu.memory_space<vmem>>
        %dma_start3A_1078 = tpu.memref_squeeze %dma_start3A_1077 : memref<1x512xi32, #tpu.memory_space<vmem>> -> memref<512xi32, #tpu.memory_space<vmem>>
        %dma_start3A_1079 = tpu.memref_slice %arg3[%add3A_1074, %mul3A_2] : memref<100x16384xi32, #tpu.memory_space<hbm>> -> memref<1x512xi32, #tpu.memory_space<hbm>>
        %dma_start3A_1080 = tpu.memref_squeeze %dma_start3A_1079 : memref<1x512xi32, #tpu.memory_space<hbm>> -> memref<512xi32, #tpu.memory_space<hbm>>
        %dma_start3A_1081 = arith.constant 0 : i32
        %dma_start3A_1082 = tpu.memref_slice %arg5[%dma_start3A_1075, %dma_start3A_1081] : memref<2x512xi32, #tpu.memory_space<vmem>> -> memref<1x512xi32, #tpu.memory_space<vmem>>
        %dma_start3A_1083 = tpu.memref_squeeze %dma_start3A_1082 : memref<1x512xi32, #tpu.memory_space<vmem>> -> memref<512xi32, #tpu.memory_space<vmem>>
        %dma_start3A_1084 = tpu.memref_slice %arg3[%add3A_1074, %mul3A_2] : memref<100x16384xi32, #tpu.memory_space<hbm>> -> memref<1x512xi32, #tpu.memory_space<hbm>>
        %dma_start3A_1085 = tpu.memref_squeeze %dma_start3A_1084 : memref<1x512xi32, #tpu.memory_space<hbm>> -> memref<512xi32, #tpu.memory_space<hbm>>
        tpu.enqueue_dma source(%dma_start3A_1085 : memref<512xi32, #tpu.memory_space<hbm>>) target(%dma_start3A_1083 : memref<512xi32, #tpu.memory_space<vmem>>) target_semaphore(%arg9 : memref<!tpu.dma_semaphore, #tpu.memory_space<semaphore_mem>>)
      } else {
      }
      %dma_wait3A_948 = arith.constant 0 : i32
      %dma_wait3A_949 = arith.constant 0 : i32
      %dma_wait3A_950 = arith.constant 0 : i32
      %dma_wait3A_951 = arith.constant 0 : i32
      %dma_wait3A_952 = tpu.memref_slice %arg7[%dma_wait3A_949, %dma_wait3A_950, %dma_wait3A_951] : memref<2x512x64xf32, #tpu.memory_space<vmem>> -> memref<1x128x64xf32, #tpu.memory_space<vmem>>
      %dma_wait3A_953 = tpu.memref_squeeze %dma_wait3A_952 : memref<1x128x64xf32, #tpu.memory_space<vmem>> -> memref<128x64xf32, #tpu.memory_space<vmem>>
      %dma_wait3A_954 = arith.constant 0 : i32
      %dma_wait3A_955 = tpu.memref_slice %arg6[%dma_wait3A_948, %dma_wait3A_954] : memref<2x512xi32, #tpu.memory_space<vmem>> -> memref<1x128xi32, #tpu.memory_space<vmem>>
      %dma_wait3A_956 = tpu.memref_squeeze %dma_wait3A_955 : memref<1x128xi32, #tpu.memory_space<vmem>> -> memref<128xi32, #tpu.memory_space<vmem>>
      %dma_wait3A_957 = arith.constant 0 : i32
      %dma_wait3A_958 = arith.constant 0 : i32
      %dma_wait3A_959 = tpu.memref_slice %arg2[%dma_wait3A_957, %dma_wait3A_958] : memref<25600x64xf32, #tpu.memory_space<hbm>> -> memref<25600x64xf32, #tpu.memory_space<hbm>>
      tpu.wait_indirect_dma semaphore(%arg11 : memref<!tpu.dma_semaphore, #tpu.memory_space<semaphore_mem>>) src(%dma_wait3A_959 : memref<25600x64xf32, #tpu.memory_space<hbm>>) dst(%dma_wait3A_953 : memref<128x64xf32, #tpu.memory_space<vmem>>)
      %dma_wait3A_960 = arith.constant 0 : i32
      %dma_wait3A_961 = arith.constant 0 : i32
      %dma_wait3A_962 = arith.constant 128 : i32
      %dma_wait3A_963 = arith.constant 0 : i32
      %dma_wait3A_964 = tpu.memref_slice %arg7[%dma_wait3A_961, %dma_wait3A_962, %dma_wait3A_963] : memref<2x512x64xf32, #tpu.memory_space<vmem>> -> memref<1x128x64xf32, #tpu.memory_space<vmem>>
      %dma_wait3A_965 = tpu.memref_squeeze %dma_wait3A_964 : memref<1x128x64xf32, #tpu.memory_space<vmem>> -> memref<128x64xf32, #tpu.memory_space<vmem>>
      %dma_wait3A_966 = arith.constant 128 : i32
      %dma_wait3A_967 = tpu.memref_slice %arg6[%dma_wait3A_960, %dma_wait3A_966] : memref<2x512xi32, #tpu.memory_space<vmem>> -> memref<1x128xi32, #tpu.memory_space<vmem>>
      %dma_wait3A_968 = tpu.memref_squeeze %dma_wait3A_967 : memref<1x128xi32, #tpu.memory_space<vmem>> -> memref<128xi32, #tpu.memory_space<vmem>>
      %dma_wait3A_969 = arith.constant 0 : i32
      %dma_wait3A_970 = arith.constant 0 : i32
      %dma_wait3A_971 = tpu.memref_slice %arg2[%dma_wait3A_969, %dma_wait3A_970] : memref<25600x64xf32, #tpu.memory_space<hbm>> -> memref<25600x64xf32, #tpu.memory_space<hbm>>
      tpu.wait_indirect_dma semaphore(%arg11 : memref<!tpu.dma_semaphore, #tpu.memory_space<semaphore_mem>>) src(%dma_wait3A_971 : memref<25600x64xf32, #tpu.memory_space<hbm>>) dst(%dma_wait3A_965 : memref<128x64xf32, #tpu.memory_space<vmem>>)
      %dma_wait3A_972 = arith.constant 0 : i32
      %dma_wait3A_973 = arith.constant 0 : i32
      %dma_wait3A_974 = arith.constant 256 : i32
      %dma_wait3A_975 = arith.constant 0 : i32
      %dma_wait3A_976 = tpu.memref_slice %arg7[%dma_wait3A_973, %dma_wait3A_974, %dma_wait3A_975] : memref<2x512x64xf32, #tpu.memory_space<vmem>> -> memref<1x128x64xf32, #tpu.memory_space<vmem>>
      %dma_wait3A_977 = tpu.memref_squeeze %dma_wait3A_976 : memref<1x128x64xf32, #tpu.memory_space<vmem>> -> memref<128x64xf32, #tpu.memory_space<vmem>>
      %dma_wait3A_978 = arith.constant 256 : i32
      %dma_wait3A_979 = tpu.memref_slice %arg6[%dma_wait3A_972, %dma_wait3A_978] : memref<2x512xi32, #tpu.memory_space<vmem>> -> memref<1x128xi32, #tpu.memory_space<vmem>>
      %dma_wait3A_980 = tpu.memref_squeeze %dma_wait3A_979 : memref<1x128xi32, #tpu.memory_space<vmem>> -> memref<128xi32, #tpu.memory_space<vmem>>
      %dma_wait3A_981 = arith.constant 0 : i32
      %dma_wait3A_982 = arith.constant 0 : i32
      %dma_wait3A_983 = tpu.memref_slice %arg2[%dma_wait3A_981, %dma_wait3A_982] : memref<25600x64xf32, #tpu.memory_space<hbm>> -> memref<25600x64xf32, #tpu.memory_space<hbm>>
      tpu.wait_indirect_dma semaphore(%arg11 : memref<!tpu.dma_semaphore, #tpu.memory_space<semaphore_mem>>) src(%dma_wait3A_983 : memref<25600x64xf32, #tpu.memory_space<hbm>>) dst(%dma_wait3A_977 : memref<128x64xf32, #tpu.memory_space<vmem>>)
      %dma_wait3A_984 = arith.constant 0 : i32
      %dma_wait3A_985 = arith.constant 0 : i32
      %dma_wait3A_986 = arith.constant 384 : i32
      %dma_wait3A_987 = arith.constant 0 : i32
      %dma_wait3A_988 = tpu.memref_slice %arg7[%dma_wait3A_985, %dma_wait3A_986, %dma_wait3A_987] : memref<2x512x64xf32, #tpu.memory_space<vmem>> -> memref<1x128x64xf32, #tpu.memory_space<vmem>>
      %dma_wait3A_989 = tpu.memref_squeeze %dma_wait3A_988 : memref<1x128x64xf32, #tpu.memory_space<vmem>> -> memref<128x64xf32, #tpu.memory_space<vmem>>
      %dma_wait3A_990 = arith.constant 384 : i32
      %dma_wait3A_991 = tpu.memref_slice %arg6[%dma_wait3A_984, %dma_wait3A_990] : memref<2x512xi32, #tpu.memory_space<vmem>> -> memref<1x128xi32, #tpu.memory_space<vmem>>
      %dma_wait3A_992 = tpu.memref_squeeze %dma_wait3A_991 : memref<1x128xi32, #tpu.memory_space<vmem>> -> memref<128xi32, #tpu.memory_space<vmem>>
      %dma_wait3A_993 = arith.constant 0 : i32
      %dma_wait3A_994 = arith.constant 0 : i32
      %dma_wait3A_995 = tpu.memref_slice %arg2[%dma_wait3A_993, %dma_wait3A_994] : memref<25600x64xf32, #tpu.memory_space<hbm>> -> memref<25600x64xf32, #tpu.memory_space<hbm>>
      tpu.wait_indirect_dma semaphore(%arg11 : memref<!tpu.dma_semaphore, #tpu.memory_space<semaphore_mem>>) src(%dma_wait3A_995 : memref<25600x64xf32, #tpu.memory_space<hbm>>) dst(%dma_wait3A_989 : memref<128x64xf32, #tpu.memory_space<vmem>>)
      %scan3A_996 = arith.constant 0 : i32
      %scan3A_997 = arith.constant 0 : i32
      %scan3A_998 = arith.constant 512 : i32
      %scan3A_999 = arith.addi %scan3A_997, %scan3A_998 : i32
      %scan3A_1000 = arith.constant 8 : i32
      %scan3A_1001 = scf.for %scan3A_1073 = %scan3A_997 to %scan3A_999 step %scan3A_1000 iter_args(%scan3A_1074 = %scan3A_996) -> (i32)  : i32 {
        %get3A_1075 = arith.constant 0 : i32
        %get3A_1076 = arith.index_cast %get3A_1075 : i32 to index
        %get3A_1077 = arith.index_cast %scan3A_1073 : i32 to index
        %get3A_1078 = arith.constant 0 : index
        %get3A_1079 = tpu.vector_load %arg7[%get3A_1076, %get3A_1077, %get3A_1078] {strides = array<i32>} : memref<2x512x64xf32, #tpu.memory_space<vmem>>, vector<1x1x16xf32>,
        %get3A_1080 = vector.shape_cast %get3A_1079 : vector<1x1x16xf32> to vector<16xf32>
        %swap3A_1081 = arith.index_cast %scan3A_1073 : i32 to index
        %swap3A_1082 = arith.constant 0 : index
        %swap3A_1083 = tpu.vector_load %arg8[%swap3A_1081, %swap3A_1082] {strides = array<i32>} : memref<512x64xf32, #tpu.memory_space<vmem>>, vector<1x16xf32>,
        %swap3A_1084 = vector.shape_cast %swap3A_1083 : vector<1x16xf32> to vector<16xf32>
        %swap3A_1085 = vector.shape_cast %get3A_1080 : vector<16xf32> to vector<1x16xf32>
        tpu.vector_store %arg8[%swap3A_1081, %swap3A_1082], %swap3A_1085 {add = true, strides = array<i32>} : memref<512x64xf32, #tpu.memory_space<vmem>>, vector<1x16xf32>,
        %get3A_1086 = arith.constant 0 : i32
        %get3A_1087 = arith.index_cast %get3A_1086 : i32 to index
        %get3A_1088 = arith.index_cast %scan3A_1073 : i32 to index
        %get3A_1089 = arith.constant 16 : index
        %get3A_1090 = tpu.vector_load %arg7[%get3A_1087, %get3A_1088, %get3A_1089] {strides = array<i32>} : memref<2x512x64xf32, #tpu.memory_space<vmem>>, vector<1x1x16xf32>,
        %get3A_1091 = vector.shape_cast %get3A_1090 : vector<1x1x16xf32> to vector<16xf32>
        %swap3A_1092 = arith.index_cast %scan3A_1073 : i32 to index
        %swap3A_1093 = arith.constant 16 : index
        %swap3A_1094 = tpu.vector_load %arg8[%swap3A_1092, %swap3A_1093] {strides = array<i32>} : memref<512x64xf32, #tpu.memory_space<vmem>>, vector<1x16xf32>,
        %swap3A_1095 = vector.shape_cast %swap3A_1094 : vector<1x16xf32> to vector<16xf32>
        %swap3A_1096 = vector.shape_cast %get3A_1091 : vector<16xf32> to vector<1x16xf32>
        tpu.vector_store %arg8[%swap3A_1092, %swap3A_1093], %swap3A_1096 {add = true, strides = array<i32>} : memref<512x64xf32, #tpu.memory_space<vmem>>, vector<1x16xf32>,
        %get3A_1097 = arith.constant 0 : i32
        %get3A_1098 = arith.index_cast %get3A_1097 : i32 to index
        %get3A_1099 = arith.index_cast %scan3A_1073 : i32 to index
        %get3A_1100 = arith.constant 32 : index
        %get3A_1101 = tpu.vector_load %arg7[%get3A_1098, %get3A_1099, %get3A_1100] {strides = array<i32>} : memref<2x512x64xf32, #tpu.memory_space<vmem>>, vector<1x1x16xf32>,
        %get3A_1102 = vector.shape_cast %get3A_1101 : vector<1x1x16xf32> to vector<16xf32>
        %swap3A_1103 = arith.index_cast %scan3A_1073 : i32 to index
        %swap3A_1104 = arith.constant 32 : index
        %swap3A_1105 = tpu.vector_load %arg8[%swap3A_1103, %swap3A_1104] {strides = array<i32>} : memref<512x64xf32, #tpu.memory_space<vmem>>, vector<1x16xf32>,
        %swap3A_1106 = vector.shape_cast %swap3A_1105 : vector<1x16xf32> to vector<16xf32>
        %swap3A_1107 = vector.shape_cast %get3A_1102 : vector<16xf32> to vector<1x16xf32>
        tpu.vector_store %arg8[%swap3A_1103, %swap3A_1104], %swap3A_1107 {add = true, strides = array<i32>} : memref<512x64xf32, #tpu.memory_space<vmem>>, vector<1x16xf32>,
        %get3A_1108 = arith.constant 0 : i32
        %get3A_1109 = arith.index_cast %get3A_1108 : i32 to index
        %get3A_1110 = arith.index_cast %scan3A_1073 : i32 to index
        %get3A_1111 = arith.constant 48 : index
        %get3A_1112 = tpu.vector_load %arg7[%get3A_1109, %get3A_1110, %get3A_1111] {strides = array<i32>} : memref<2x512x64xf32, #tpu.memory_space<vmem>>, vector<1x1x16xf32>,
        %get3A_1113 = vector.shape_cast %get3A_1112 : vector<1x1x16xf32> to vector<16xf32>
        %swap3A_1114 = arith.index_cast %scan3A_1073 : i32 to index
        %swap3A_1115 = arith.constant 48 : index
        %swap3A_1116 = tpu.vector_load %arg8[%swap3A_1114, %swap3A_1115] {strides = array<i32>} : memref<512x64xf32, #tpu.memory_space<vmem>>, vector<1x16xf32>,
        %swap3A_1117 = vector.shape_cast %swap3A_1116 : vector<1x16xf32> to vector<16xf32>
        %swap3A_1118 = vector.shape_cast %get3A_1113 : vector<16xf32> to vector<1x16xf32>
        tpu.vector_store %arg8[%swap3A_1114, %swap3A_1115], %swap3A_1118 {add = true, strides = array<i32>} : memref<512x64xf32, #tpu.memory_space<vmem>>, vector<1x16xf32>,
        %scan3A_1119 = arith.constant 0 : i32
        %scan3A_1120 = arith.constant 1 : i32
        %scan3A_1121 = arith.addi %scan3A_1073, %scan3A_1120 : i32
        %get3A_1122 = arith.constant 0 : i32
        %get3A_1123 = arith.index_cast %get3A_1122 : i32 to index
        %get3A_1124 = arith.index_cast %scan3A_1121 : i32 to index
        %get3A_1125 = arith.constant 0 : index
        %get3A_1126 = tpu.vector_load %arg7[%get3A_1123, %get3A_1124, %get3A_1125] {strides = array<i32>} : memref<2x512x64xf32, #tpu.memory_space<vmem>>, vector<1x1x16xf32>,
        %get3A_1127 = vector.shape_cast %get3A_1126 : vector<1x1x16xf32> to vector<16xf32>
        %swap3A_1128 = arith.index_cast %scan3A_1121 : i32 to index
        %swap3A_1129 = arith.constant 0 : index
        %swap3A_1130 = tpu.vector_load %arg8[%swap3A_1128, %swap3A_1129] {strides = array<i32>} : memref<512x64xf32, #tpu.memory_space<vmem>>, vector<1x16xf32>,
        %swap3A_1131 = vector.shape_cast %swap3A_1130 : vector<1x16xf32> to vector<16xf32>
        %swap3A_1132 = vector.shape_cast %get3A_1127 : vector<16xf32> to vector<1x16xf32>
        tpu.vector_store %arg8[%swap3A_1128, %swap3A_1129], %swap3A_1132 {add = true, strides = array<i32>} : memref<512x64xf32, #tpu.memory_space<vmem>>, vector<1x16xf32>,
        %get3A_1133 = arith.constant 0 : i32
        %get3A_1134 = arith.index_cast %get3A_1133 : i32 to index
        %get3A_1135 = arith.index_cast %scan3A_1121 : i32 to index
        %get3A_1136 = arith.constant 16 : index
        %get3A_1137 = tpu.vector_load %arg7[%get3A_1134, %get3A_1135, %get3A_1136] {strides = array<i32>} : memref<2x512x64xf32, #tpu.memory_space<vmem>>, vector<1x1x16xf32>,
        %get3A_1138 = vector.shape_cast %get3A_1137 : vector<1x1x16xf32> to vector<16xf32>
        %swap3A_1139 = arith.index_cast %scan3A_1121 : i32 to index
        %swap3A_1140 = arith.constant 16 : index
        %swap3A_1141 = tpu.vector_load %arg8[%swap3A_1139, %swap3A_1140] {strides = array<i32>} : memref<512x64xf32, #tpu.memory_space<vmem>>, vector<1x16xf32>,
        %swap3A_1142 = vector.shape_cast %swap3A_1141 : vector<1x16xf32> to vector<16xf32>
        %swap3A_1143 = vector.shape_cast %get3A_1138 : vector<16xf32> to vector<1x16xf32>
        tpu.vector_store %arg8[%swap3A_1139, %swap3A_1140], %swap3A_1143 {add = true, strides = array<i32>} : memref<512x64xf32, #tpu.memory_space<vmem>>, vector<1x16xf32>,
        %get3A_1144 = arith.constant 0 : i32
        %get3A_1145 = arith.index_cast %get3A_1144 : i32 to index
        %get3A_1146 = arith.index_cast %scan3A_1121 : i32 to index
        %get3A_1147 = arith.constant 32 : index
        %get3A_1148 = tpu.vector_load %arg7[%get3A_1145, %get3A_1146, %get3A_1147] {strides = array<i32>} : memref<2x512x64xf32, #tpu.memory_space<vmem>>, vector<1x1x16xf32>,
        %get3A_1149 = vector.shape_cast %get3A_1148 : vector<1x1x16xf32> to vector<16xf32>
        %swap3A_1150 = arith.index_cast %scan3A_1121 : i32 to index
        %swap3A_1151 = arith.constant 32 : index
        %swap3A_1152 = tpu.vector_load %arg8[%swap3A_1150, %swap3A_1151] {strides = array<i32>} : memref<512x64xf32, #tpu.memory_space<vmem>>, vector<1x16xf32>,
        %swap3A_1153 = vector.shape_cast %swap3A_1152 : vector<1x16xf32> to vector<16xf32>
        %swap3A_1154 = vector.shape_cast %get3A_1149 : vector<16xf32> to vector<1x16xf32>
        tpu.vector_store %arg8[%swap3A_1150, %swap3A_1151], %swap3A_1154 {add = true, strides = array<i32>} : memref<512x64xf32, #tpu.memory_space<vmem>>, vector<1x16xf32>,
        %get3A_1155 = arith.constant 0 : i32
        %get3A_1156 = arith.index_cast %get3A_1155 : i32 to index
        %get3A_1157 = arith.index_cast %scan3A_1121 : i32 to index
        %get3A_1158 = arith.constant 48 : index
        %get3A_1159 = tpu.vector_load %arg7[%get3A_1156, %get3A_1157, %get3A_1158] {strides = array<i32>} : memref<2x512x64xf32, #tpu.memory_space<vmem>>, vector<1x1x16xf32>,
        %get3A_1160 = vector.shape_cast %get3A_1159 : vector<1x1x16xf32> to vector<16xf32>
        %swap3A_1161 = arith.index_cast %scan3A_1121 : i32 to index
        %swap3A_1162 = arith.constant 48 : index
        %swap3A_1163 = tpu.vector_load %arg8[%swap3A_1161, %swap3A_1162] {strides = array<i32>} : memref<512x64xf32, #tpu.memory_space<vmem>>, vector<1x16xf32>,
        %swap3A_1164 = vector.shape_cast %swap3A_1163 : vector<1x16xf32> to vector<16xf32>
        %swap3A_1165 = vector.shape_cast %get3A_1160 : vector<16xf32> to vector<1x16xf32>
        tpu.vector_store %arg8[%swap3A_1161, %swap3A_1162], %swap3A_1165 {add = true, strides = array<i32>} : memref<512x64xf32, #tpu.memory_space<vmem>>, vector<1x16xf32>,
        %scan3A_1166 = arith.constant 0 : i32
        %scan3A_1167 = arith.constant 2 : i32
        %scan3A_1168 = arith.addi %scan3A_1073, %scan3A_1167 : i32
        %get3A_1169 = arith.constant 0 : i32
        %get3A_1170 = arith.index_cast %get3A_1169 : i32 to index
        %get3A_1171 = arith.index_cast %scan3A_1168 : i32 to index
        %get3A_1172 = arith.constant 0 : index
        %get3A_1173 = tpu.vector_load %arg7[%get3A_1170, %get3A_1171, %get3A_1172] {strides = array<i32>} : memref<2x512x64xf32, #tpu.memory_space<vmem>>, vector<1x1x16xf32>,
        %get3A_1174 = vector.shape_cast %get3A_1173 : vector<1x1x16xf32> to vector<16xf32>
        %swap3A_1175 = arith.index_cast %scan3A_1168 : i32 to index
        %swap3A_1176 = arith.constant 0 : index
        %swap3A_1177 = tpu.vector_load %arg8[%swap3A_1175, %swap3A_1176] {strides = array<i32>} : memref<512x64xf32, #tpu.memory_space<vmem>>, vector<1x16xf32>,
        %swap3A_1178 = vector.shape_cast %swap3A_1177 : vector<1x16xf32> to vector<16xf32>
        %swap3A_1179 = vector.shape_cast %get3A_1174 : vector<16xf32> to vector<1x16xf32>
        tpu.vector_store %arg8[%swap3A_1175, %swap3A_1176], %swap3A_1179 {add = true, strides = array<i32>} : memref<512x64xf32, #tpu.memory_space<vmem>>, vector<1x16xf32>,
        %get3A_1180 = arith.constant 0 : i32
        %get3A_1181 = arith.index_cast %get3A_1180 : i32 to index
        %get3A_1182 = arith.index_cast %scan3A_1168 : i32 to index
        %get3A_1183 = arith.constant 16 : index
        %get3A_1184 = tpu.vector_load %arg7[%get3A_1181, %get3A_1182, %get3A_1183] {strides = array<i32>} : memref<2x512x64xf32, #tpu.memory_space<vmem>>, vector<1x1x16xf32>,
        %get3A_1185 = vector.shape_cast %get3A_1184 : vector<1x1x16xf32> to vector<16xf32>
        %swap3A_1186 = arith.index_cast %scan3A_1168 : i32 to index
        %swap3A_1187 = arith.constant 16 : index
        %swap3A_1188 = tpu.vector_load %arg8[%swap3A_1186, %swap3A_1187] {strides = array<i32>} : memref<512x64xf32, #tpu.memory_space<vmem>>, vector<1x16xf32>,
        %swap3A_1189 = vector.shape_cast %swap3A_1188 : vector<1x16xf32> to vector<16xf32>
        %swap3A_1190 = vector.shape_cast %get3A_1185 : vector<16xf32> to vector<1x16xf32>
        tpu.vector_store %arg8[%swap3A_1186, %swap3A_1187], %swap3A_1190 {add = true, strides = array<i32>} : memref<512x64xf32, #tpu.memory_space<vmem>>, vector<1x16xf32>,
        %get3A_1191 = arith.constant 0 : i32
        %get3A_1192 = arith.index_cast %get3A_1191 : i32 to index
        %get3A_1193 = arith.index_cast %scan3A_1168 : i32 to index
        %get3A_1194 = arith.constant 32 : index
        %get3A_1195 = tpu.vector_load %arg7[%get3A_1192, %get3A_1193, %get3A_1194] {strides = array<i32>} : memref<2x512x64xf32, #tpu.memory_space<vmem>>, vector<1x1x16xf32>,
        %get3A_1196 = vector.shape_cast %get3A_1195 : vector<1x1x16xf32> to vector<16xf32>
        %swap3A_1197 = arith.index_cast %scan3A_1168 : i32 to index
        %swap3A_1198 = arith.constant 32 : index
        %swap3A_1199 = tpu.vector_load %arg8[%swap3A_1197, %swap3A_1198] {strides = array<i32>} : memref<512x64xf32, #tpu.memory_space<vmem>>, vector<1x16xf32>,
        %swap3A_1200 = vector.shape_cast %swap3A_1199 : vector<1x16xf32> to vector<16xf32>
        %swap3A_1201 = vector.shape_cast %get3A_1196 : vector<16xf32> to vector<1x16xf32>
        tpu.vector_store %arg8[%swap3A_1197, %swap3A_1198], %swap3A_1201 {add = true, strides = array<i32>} : memref<512x64xf32, #tpu.memory_space<vmem>>, vector<1x16xf32>,
        %get3A_1202 = arith.constant 0 : i32
        %get3A_1203 = arith.index_cast %get3A_1202 : i32 to index
        %get3A_1204 = arith.index_cast %scan3A_1168 : i32 to index
        %get3A_1205 = arith.constant 48 : index
        %get3A_1206 = tpu.vector_load %arg7[%get3A_1203, %get3A_1204, %get3A_1205] {strides = array<i32>} : memref<2x512x64xf32, #tpu.memory_space<vmem>>, vector<1x1x16xf32>,
        %get3A_1207 = vector.shape_cast %get3A_1206 : vector<1x1x16xf32> to vector<16xf32>
        %swap3A_1208 = arith.index_cast %scan3A_1168 : i32 to index
        %swap3A_1209 = arith.constant 48 : index
        %swap3A_1210 = tpu.vector_load %arg8[%swap3A_1208, %swap3A_1209] {strides = array<i32>} : memref<512x64xf32, #tpu.memory_space<vmem>>, vector<1x16xf32>,
        %swap3A_1211 = vector.shape_cast %swap3A_1210 : vector<1x16xf32> to vector<16xf32>
        %swap3A_1212 = vector.shape_cast %get3A_1207 : vector<16xf32> to vector<1x16xf32>
        tpu.vector_store %arg8[%swap3A_1208, %swap3A_1209], %swap3A_1212 {add = true, strides = array<i32>} : memref<512x64xf32, #tpu.memory_space<vmem>>, vector<1x16xf32>,
        %scan3A_1213 = arith.constant 0 : i32
        %scan3A_1214 = arith.constant 3 : i32
        %scan3A_1215 = arith.addi %scan3A_1073, %scan3A_1214 : i32
        %get3A_1216 = arith.constant 0 : i32
        %get3A_1217 = arith.index_cast %get3A_1216 : i32 to index
        %get3A_1218 = arith.index_cast %scan3A_1215 : i32 to index
        %get3A_1219 = arith.constant 0 : index
        %get3A_1220 = tpu.vector_load %arg7[%get3A_1217, %get3A_1218, %get3A_1219] {strides = array<i32>} : memref<2x512x64xf32, #tpu.memory_space<vmem>>, vector<1x1x16xf32>,
        %get3A_1221 = vector.shape_cast %get3A_1220 : vector<1x1x16xf32> to vector<16xf32>
        %swap3A_1222 = arith.index_cast %scan3A_1215 : i32 to index
        %swap3A_1223 = arith.constant 0 : index
        %swap3A_1224 = tpu.vector_load %arg8[%swap3A_1222, %swap3A_1223] {strides = array<i32>} : memref<512x64xf32, #tpu.memory_space<vmem>>, vector<1x16xf32>,
        %swap3A_1225 = vector.shape_cast %swap3A_1224 : vector<1x16xf32> to vector<16xf32>
        %swap3A_1226 = vector.shape_cast %get3A_1221 : vector<16xf32> to vector<1x16xf32>
        tpu.vector_store %arg8[%swap3A_1222, %swap3A_1223], %swap3A_1226 {add = true, strides = array<i32>} : memref<512x64xf32, #tpu.memory_space<vmem>>, vector<1x16xf32>,
        %get3A_1227 = arith.constant 0 : i32
        %get3A_1228 = arith.index_cast %get3A_1227 : i32 to index
        %get3A_1229 = arith.index_cast %scan3A_1215 : i32 to index
        %get3A_1230 = arith.constant 16 : index
        %get3A_1231 = tpu.vector_load %arg7[%get3A_1228, %get3A_1229, %get3A_1230] {strides = array<i32>} : memref<2x512x64xf32, #tpu.memory_space<vmem>>, vector<1x1x16xf32>,
        %get3A_1232 = vector.shape_cast %get3A_1231 : vector<1x1x16xf32> to vector<16xf32>
        %swap3A_1233 = arith.index_cast %scan3A_1215 : i32 to index
        %swap3A_1234 = arith.constant 16 : index
        %swap3A_1235 = tpu.vector_load %arg8[%swap3A_1233, %swap3A_1234] {strides = array<i32>} : memref<512x64xf32, #tpu.memory_space<vmem>>, vector<1x16xf32>,
        %swap3A_1236 = vector.shape_cast %swap3A_1235 : vector<1x16xf32> to vector<16xf32>
        %swap3A_1237 = vector.shape_cast %get3A_1232 : vector<16xf32> to vector<1x16xf32>
        tpu.vector_store %arg8[%swap3A_1233, %swap3A_1234], %swap3A_1237 {add = true, strides = array<i32>} : memref<512x64xf32, #tpu.memory_space<vmem>>, vector<1x16xf32>,
        %get3A_1238 = arith.constant 0 : i32
        %get3A_1239 = arith.index_cast %get3A_1238 : i32 to index
        %get3A_1240 = arith.index_cast %scan3A_1215 : i32 to index
        %get3A_1241 = arith.constant 32 : index
        %get3A_1242 = tpu.vector_load %arg7[%get3A_1239, %get3A_1240, %get3A_1241] {strides = array<i32>} : memref<2x512x64xf32, #tpu.memory_space<vmem>>, vector<1x1x16xf32>,
        %get3A_1243 = vector.shape_cast %get3A_1242 : vector<1x1x16xf32> to vector<16xf32>
        %swap3A_1244 = arith.index_cast %scan3A_1215 : i32 to index
        %swap3A_1245 = arith.constant 32 : index
        %swap3A_1246 = tpu.vector_load %arg8[%swap3A_1244, %swap3A_1245] {strides = array<i32>} : memref<512x64xf32, #tpu.memory_space<vmem>>, vector<1x16xf32>,
        %swap3A_1247 = vector.shape_cast %swap3A_1246 : vector<1x16xf32> to vector<16xf32>
        %swap3A_1248 = vector.shape_cast %get3A_1243 : vector<16xf32> to vector<1x16xf32>
        tpu.vector_store %arg8[%swap3A_1244, %swap3A_1245], %swap3A_1248 {add = true, strides = array<i32>} : memref<512x64xf32, #tpu.memory_space<vmem>>, vector<1x16xf32>,
        %get3A_1249 = arith.constant 0 : i32
        %get3A_1250 = arith.index_cast %get3A_1249 : i32 to index
        %get3A_1251 = arith.index_cast %scan3A_1215 : i32 to index
        %get3A_1252 = arith.constant 48 : index
        %get3A_1253 = tpu.vector_load %arg7[%get3A_1250, %get3A_1251, %get3A_1252] {strides = array<i32>} : memref<2x512x64xf32, #tpu.memory_space<vmem>>, vector<1x1x16xf32>,
        %get3A_1254 = vector.shape_cast %get3A_1253 : vector<1x1x16xf32> to vector<16xf32>
        %swap3A_1255 = arith.index_cast %scan3A_1215 : i32 to index
        %swap3A_1256 = arith.constant 48 : index
        %swap3A_1257 = tpu.vector_load %arg8[%swap3A_1255, %swap3A_1256] {strides = array<i32>} : memref<512x64xf32, #tpu.memory_space<vmem>>, vector<1x16xf32>,
        %swap3A_1258 = vector.shape_cast %swap3A_1257 : vector<1x16xf32> to vector<16xf32>
        %swap3A_1259 = vector.shape_cast %get3A_1254 : vector<16xf32> to vector<1x16xf32>
        tpu.vector_store %arg8[%swap3A_1255, %swap3A_1256], %swap3A_1259 {add = true, strides = array<i32>} : memref<512x64xf32, #tpu.memory_space<vmem>>, vector<1x16xf32>,
        %scan3A_1260 = arith.constant 0 : i32
        %scan3A_1261 = arith.constant 4 : i32
        %scan3A_1262 = arith.addi %scan3A_1073, %scan3A_1261 : i32
        %get3A_1263 = arith.constant 0 : i32
        %get3A_1264 = arith.index_cast %get3A_1263 : i32 to index
        %get3A_1265 = arith.index_cast %scan3A_1262 : i32 to index
        %get3A_1266 = arith.constant 0 : index
        %get3A_1267 = tpu.vector_load %arg7[%get3A_1264, %get3A_1265, %get3A_1266] {strides = array<i32>} : memref<2x512x64xf32, #tpu.memory_space<vmem>>, vector<1x1x16xf32>,
        %get3A_1268 = vector.shape_cast %get3A_1267 : vector<1x1x16xf32> to vector<16xf32>
        %swap3A_1269 = arith.index_cast %scan3A_1262 : i32 to index
        %swap3A_1270 = arith.constant 0 : index
        %swap3A_1271 = tpu.vector_load %arg8[%swap3A_1269, %swap3A_1270] {strides = array<i32>} : memref<512x64xf32, #tpu.memory_space<vmem>>, vector<1x16xf32>,
        %swap3A_1272 = vector.shape_cast %swap3A_1271 : vector<1x16xf32> to vector<16xf32>
        %swap3A_1273 = vector.shape_cast %get3A_1268 : vector<16xf32> to vector<1x16xf32>
        tpu.vector_store %arg8[%swap3A_1269, %swap3A_1270], %swap3A_1273 {add = true, strides = array<i32>} : memref<512x64xf32, #tpu.memory_space<vmem>>, vector<1x16xf32>,
        %get3A_1274 = arith.constant 0 : i32
        %get3A_1275 = arith.index_cast %get3A_1274 : i32 to index
        %get3A_1276 = arith.index_cast %scan3A_1262 : i32 to index
        %get3A_1277 = arith.constant 16 : index
        %get3A_1278 = tpu.vector_load %arg7[%get3A_1275, %get3A_1276, %get3A_1277] {strides = array<i32>} : memref<2x512x64xf32, #tpu.memory_space<vmem>>, vector<1x1x16xf32>,
        %get3A_1279 = vector.shape_cast %get3A_1278 : vector<1x1x16xf32> to vector<16xf32>
        %swap3A_1280 = arith.index_cast %scan3A_1262 : i32 to index
        %swap3A_1281 = arith.constant 16 : index
        %swap3A_1282 = tpu.vector_load %arg8[%swap3A_1280, %swap3A_1281] {strides = array<i32>} : memref<512x64xf32, #tpu.memory_space<vmem>>, vector<1x16xf32>,
        %swap3A_1283 = vector.shape_cast %swap3A_1282 : vector<1x16xf32> to vector<16xf32>
        %swap3A_1284 = vector.shape_cast %get3A_1279 : vector<16xf32> to vector<1x16xf32>
        tpu.vector_store %arg8[%swap3A_1280, %swap3A_1281], %swap3A_1284 {add = true, strides = array<i32>} : memref<512x64xf32, #tpu.memory_space<vmem>>, vector<1x16xf32>,
        %get3A_1285 = arith.constant 0 : i32
        %get3A_1286 = arith.index_cast %get3A_1285 : i32 to index
        %get3A_1287 = arith.index_cast %scan3A_1262 : i32 to index
        %get3A_1288 = arith.constant 32 : index
        %get3A_1289 = tpu.vector_load %arg7[%get3A_1286, %get3A_1287, %get3A_1288] {strides = array<i32>} : memref<2x512x64xf32, #tpu.memory_space<vmem>>, vector<1x1x16xf32>,
        %get3A_1290 = vector.shape_cast %get3A_1289 : vector<1x1x16xf32> to vector<16xf32>
        %swap3A_1291 = arith.index_cast %scan3A_1262 : i32 to index
        %swap3A_1292 = arith.constant 32 : index
        %swap3A_1293 = tpu.vector_load %arg8[%swap3A_1291, %swap3A_1292] {strides = array<i32>} : memref<512x64xf32, #tpu.memory_space<vmem>>, vector<1x16xf32>,
        %swap3A_1294 = vector.shape_cast %swap3A_1293 : vector<1x16xf32> to vector<16xf32>
        %swap3A_1295 = vector.shape_cast %get3A_1290 : vector<16xf32> to vector<1x16xf32>
        tpu.vector_store %arg8[%swap3A_1291, %swap3A_1292], %swap3A_1295 {add = true, strides = array<i32>} : memref<512x64xf32, #tpu.memory_space<vmem>>, vector<1x16xf32>,
        %get3A_1296 = arith.constant 0 : i32
        %get3A_1297 = arith.index_cast %get3A_1296 : i32 to index
        %get3A_1298 = arith.index_cast %scan3A_1262 : i32 to index
        %get3A_1299 = arith.constant 48 : index
        %get3A_1300 = tpu.vector_load %arg7[%get3A_1297, %get3A_1298, %get3A_1299] {strides = array<i32>} : memref<2x512x64xf32, #tpu.memory_space<vmem>>, vector<1x1x16xf32>,
        %get3A_1301 = vector.shape_cast %get3A_1300 : vector<1x1x16xf32> to vector<16xf32>
        %swap3A_1302 = arith.index_cast %scan3A_1262 : i32 to index
        %swap3A_1303 = arith.constant 48 : index
        %swap3A_1304 = tpu.vector_load %arg8[%swap3A_1302, %swap3A_1303] {strides = array<i32>} : memref<512x64xf32, #tpu.memory_space<vmem>>, vector<1x16xf32>,
        %swap3A_1305 = vector.shape_cast %swap3A_1304 : vector<1x16xf32> to vector<16xf32>
        %swap3A_1306 = vector.shape_cast %get3A_1301 : vector<16xf32> to vector<1x16xf32>
        tpu.vector_store %arg8[%swap3A_1302, %swap3A_1303], %swap3A_1306 {add = true, strides = array<i32>} : memref<512x64xf32, #tpu.memory_space<vmem>>, vector<1x16xf32>,
        %scan3A_1307 = arith.constant 0 : i32
        %scan3A_1308 = arith.constant 5 : i32
        %scan3A_1309 = arith.addi %scan3A_1073, %scan3A_1308 : i32
        %get3A_1310 = arith.constant 0 : i32
        %get3A_1311 = arith.index_cast %get3A_1310 : i32 to index
        %get3A_1312 = arith.index_cast %scan3A_1309 : i32 to index
        %get3A_1313 = arith.constant 0 : index
        %get3A_1314 = tpu.vector_load %arg7[%get3A_1311, %get3A_1312, %get3A_1313] {strides = array<i32>} : memref<2x512x64xf32, #tpu.memory_space<vmem>>, vector<1x1x16xf32>,
        %get3A_1315 = vector.shape_cast %get3A_1314 : vector<1x1x16xf32> to vector<16xf32>
        %swap3A_1316 = arith.index_cast %scan3A_1309 : i32 to index
        %swap3A_1317 = arith.constant 0 : index
        %swap3A_1318 = tpu.vector_load %arg8[%swap3A_1316, %swap3A_1317] {strides = array<i32>} : memref<512x64xf32, #tpu.memory_space<vmem>>, vector<1x16xf32>,
        %swap3A_1319 = vector.shape_cast %swap3A_1318 : vector<1x16xf32> to vector<16xf32>
        %swap3A_1320 = vector.shape_cast %get3A_1315 : vector<16xf32> to vector<1x16xf32>
        tpu.vector_store %arg8[%swap3A_1316, %swap3A_1317], %swap3A_1320 {add = true, strides = array<i32>} : memref<512x64xf32, #tpu.memory_space<vmem>>, vector<1x16xf32>,
        %get3A_1321 = arith.constant 0 : i32
        %get3A_1322 = arith.index_cast %get3A_1321 : i32 to index
        %get3A_1323 = arith.index_cast %scan3A_1309 : i32 to index
        %get3A_1324 = arith.constant 16 : index
        %get3A_1325 = tpu.vector_load %arg7[%get3A_1322, %get3A_1323, %get3A_1324] {strides = array<i32>} : memref<2x512x64xf32, #tpu.memory_space<vmem>>, vector<1x1x16xf32>,
        %get3A_1326 = vector.shape_cast %get3A_1325 : vector<1x1x16xf32> to vector<16xf32>
        %swap3A_1327 = arith.index_cast %scan3A_1309 : i32 to index
        %swap3A_1328 = arith.constant 16 : index
        %swap3A_1329 = tpu.vector_load %arg8[%swap3A_1327, %swap3A_1328] {strides = array<i32>} : memref<512x64xf32, #tpu.memory_space<vmem>>, vector<1x16xf32>,
        %swap3A_1330 = vector.shape_cast %swap3A_1329 : vector<1x16xf32> to vector<16xf32>
        %swap3A_1331 = vector.shape_cast %get3A_1326 : vector<16xf32> to vector<1x16xf32>
        tpu.vector_store %arg8[%swap3A_1327, %swap3A_1328], %swap3A_1331 {add = true, strides = array<i32>} : memref<512x64xf32, #tpu.memory_space<vmem>>, vector<1x16xf32>,
        %get3A_1332 = arith.constant 0 : i32
        %get3A_1333 = arith.index_cast %get3A_1332 : i32 to index
        %get3A_1334 = arith.index_cast %scan3A_1309 : i32 to index
        %get3A_1335 = arith.constant 32 : index
        %get3A_1336 = tpu.vector_load %arg7[%get3A_1333, %get3A_1334, %get3A_1335] {strides = array<i32>} : memref<2x512x64xf32, #tpu.memory_space<vmem>>, vector<1x1x16xf32>,
        %get3A_1337 = vector.shape_cast %get3A_1336 : vector<1x1x16xf32> to vector<16xf32>
        %swap3A_1338 = arith.index_cast %scan3A_1309 : i32 to index
        %swap3A_1339 = arith.constant 32 : index
        %swap3A_1340 = tpu.vector_load %arg8[%swap3A_1338, %swap3A_1339] {strides = array<i32>} : memref<512x64xf32, #tpu.memory_space<vmem>>, vector<1x16xf32>,
        %swap3A_1341 = vector.shape_cast %swap3A_1340 : vector<1x16xf32> to vector<16xf32>
        %swap3A_1342 = vector.shape_cast %get3A_1337 : vector<16xf32> to vector<1x16xf32>
        tpu.vector_store %arg8[%swap3A_1338, %swap3A_1339], %swap3A_1342 {add = true, strides = array<i32>} : memref<512x64xf32, #tpu.memory_space<vmem>>, vector<1x16xf32>,
        %get3A_1343 = arith.constant 0 : i32
        %get3A_1344 = arith.index_cast %get3A_1343 : i32 to index
        %get3A_1345 = arith.index_cast %scan3A_1309 : i32 to index
        %get3A_1346 = arith.constant 48 : index
        %get3A_1347 = tpu.vector_load %arg7[%get3A_1344, %get3A_1345, %get3A_1346] {strides = array<i32>} : memref<2x512x64xf32, #tpu.memory_space<vmem>>, vector<1x1x16xf32>,
        %get3A_1348 = vector.shape_cast %get3A_1347 : vector<1x1x16xf32> to vector<16xf32>
        %swap3A_1349 = arith.index_cast %scan3A_1309 : i32 to index
        %swap3A_1350 = arith.constant 48 : index
        %swap3A_1351 = tpu.vector_load %arg8[%swap3A_1349, %swap3A_1350] {strides = array<i32>} : memref<512x64xf32, #tpu.memory_space<vmem>>, vector<1x16xf32>,
        %swap3A_1352 = vector.shape_cast %swap3A_1351 : vector<1x16xf32> to vector<16xf32>
        %swap3A_1353 = vector.shape_cast %get3A_1348 : vector<16xf32> to vector<1x16xf32>
        tpu.vector_store %arg8[%swap3A_1349, %swap3A_1350], %swap3A_1353 {add = true, strides = array<i32>} : memref<512x64xf32, #tpu.memory_space<vmem>>, vector<1x16xf32>,
        %scan3A_1354 = arith.constant 0 : i32
        %scan3A_1355 = arith.constant 6 : i32
        %scan3A_1356 = arith.addi %scan3A_1073, %scan3A_1355 : i32
        %get3A_1357 = arith.constant 0 : i32
        %get3A_1358 = arith.index_cast %get3A_1357 : i32 to index
        %get3A_1359 = arith.index_cast %scan3A_1356 : i32 to index
        %get3A_1360 = arith.constant 0 : index
        %get3A_1361 = tpu.vector_load %arg7[%get3A_1358, %get3A_1359, %get3A_1360] {strides = array<i32>} : memref<2x512x64xf32, #tpu.memory_space<vmem>>, vector<1x1x16xf32>,
        %get3A_1362 = vector.shape_cast %get3A_1361 : vector<1x1x16xf32> to vector<16xf32>
        %swap3A_1363 = arith.index_cast %scan3A_1356 : i32 to index
        %swap3A_1364 = arith.constant 0 : index
        %swap3A_1365 = tpu.vector_load %arg8[%swap3A_1363, %swap3A_1364] {strides = array<i32>} : memref<512x64xf32, #tpu.memory_space<vmem>>, vector<1x16xf32>,
        %swap3A_1366 = vector.shape_cast %swap3A_1365 : vector<1x16xf32> to vector<16xf32>
        %swap3A_1367 = vector.shape_cast %get3A_1362 : vector<16xf32> to vector<1x16xf32>
        tpu.vector_store %arg8[%swap3A_1363, %swap3A_1364], %swap3A_1367 {add = true, strides = array<i32>} : memref<512x64xf32, #tpu.memory_space<vmem>>, vector<1x16xf32>,
        %get3A_1368 = arith.constant 0 : i32
        %get3A_1369 = arith.index_cast %get3A_1368 : i32 to index
        %get3A_1370 = arith.index_cast %scan3A_1356 : i32 to index
        %get3A_1371 = arith.constant 16 : index
        %get3A_1372 = tpu.vector_load %arg7[%get3A_1369, %get3A_1370, %get3A_1371] {strides = array<i32>} : memref<2x512x64xf32, #tpu.memory_space<vmem>>, vector<1x1x16xf32>,
        %get3A_1373 = vector.shape_cast %get3A_1372 : vector<1x1x16xf32> to vector<16xf32>
        %swap3A_1374 = arith.index_cast %scan3A_1356 : i32 to index
        %swap3A_1375 = arith.constant 16 : index
        %swap3A_1376 = tpu.vector_load %arg8[%swap3A_1374, %swap3A_1375] {strides = array<i32>} : memref<512x64xf32, #tpu.memory_space<vmem>>, vector<1x16xf32>,
        %swap3A_1377 = vector.shape_cast %swap3A_1376 : vector<1x16xf32> to vector<16xf32>
        %swap3A_1378 = vector.shape_cast %get3A_1373 : vector<16xf32> to vector<1x16xf32>
        tpu.vector_store %arg8[%swap3A_1374, %swap3A_1375], %swap3A_1378 {add = true, strides = array<i32>} : memref<512x64xf32, #tpu.memory_space<vmem>>, vector<1x16xf32>,
        %get3A_1379 = arith.constant 0 : i32
        %get3A_1380 = arith.index_cast %get3A_1379 : i32 to index
        %get3A_1381 = arith.index_cast %scan3A_1356 : i32 to index
        %get3A_1382 = arith.constant 32 : index
        %get3A_1383 = tpu.vector_load %arg7[%get3A_1380, %get3A_1381, %get3A_1382] {strides = array<i32>} : memref<2x512x64xf32, #tpu.memory_space<vmem>>, vector<1x1x16xf32>,
        %get3A_1384 = vector.shape_cast %get3A_1383 : vector<1x1x16xf32> to vector<16xf32>
        %swap3A_1385 = arith.index_cast %scan3A_1356 : i32 to index
        %swap3A_1386 = arith.constant 32 : index
        %swap3A_1387 = tpu.vector_load %arg8[%swap3A_1385, %swap3A_1386] {strides = array<i32>} : memref<512x64xf32, #tpu.memory_space<vmem>>, vector<1x16xf32>,
        %swap3A_1388 = vector.shape_cast %swap3A_1387 : vector<1x16xf32> to vector<16xf32>
        %swap3A_1389 = vector.shape_cast %get3A_1384 : vector<16xf32> to vector<1x16xf32>
        tpu.vector_store %arg8[%swap3A_1385, %swap3A_1386], %swap3A_1389 {add = true, strides = array<i32>} : memref<512x64xf32, #tpu.memory_space<vmem>>, vector<1x16xf32>,
        %get3A_1390 = arith.constant 0 : i32
        %get3A_1391 = arith.index_cast %get3A_1390 : i32 to index
        %get3A_1392 = arith.index_cast %scan3A_1356 : i32 to index
        %get3A_1393 = arith.constant 48 : index
        %get3A_1394 = tpu.vector_load %arg7[%get3A_1391, %get3A_1392, %get3A_1393] {strides = array<i32>} : memref<2x512x64xf32, #tpu.memory_space<vmem>>, vector<1x1x16xf32>,
        %get3A_1395 = vector.shape_cast %get3A_1394 : vector<1x1x16xf32> to vector<16xf32>
        %swap3A_1396 = arith.index_cast %scan3A_1356 : i32 to index
        %swap3A_1397 = arith.constant 48 : index
        %swap3A_1398 = tpu.vector_load %arg8[%swap3A_1396, %swap3A_1397] {strides = array<i32>} : memref<512x64xf32, #tpu.memory_space<vmem>>, vector<1x16xf32>,
        %swap3A_1399 = vector.shape_cast %swap3A_1398 : vector<1x16xf32> to vector<16xf32>
        %swap3A_1400 = vector.shape_cast %get3A_1395 : vector<16xf32> to vector<1x16xf32>
        tpu.vector_store %arg8[%swap3A_1396, %swap3A_1397], %swap3A_1400 {add = true, strides = array<i32>} : memref<512x64xf32, #tpu.memory_space<vmem>>, vector<1x16xf32>,
        %scan3A_1401 = arith.constant 0 : i32
        %scan3A_1402 = arith.constant 7 : i32
        %scan3A_1403 = arith.addi %scan3A_1073, %scan3A_1402 : i32
        %get3A_1404 = arith.constant 0 : i32
        %get3A_1405 = arith.index_cast %get3A_1404 : i32 to index
        %get3A_1406 = arith.index_cast %scan3A_1403 : i32 to index
        %get3A_1407 = arith.constant 0 : index
        %get3A_1408 = tpu.vector_load %arg7[%get3A_1405, %get3A_1406, %get3A_1407] {strides = array<i32>} : memref<2x512x64xf32, #tpu.memory_space<vmem>>, vector<1x1x16xf32>,
        %get3A_1409 = vector.shape_cast %get3A_1408 : vector<1x1x16xf32> to vector<16xf32>
        %swap3A_1410 = arith.index_cast %scan3A_1403 : i32 to index
        %swap3A_1411 = arith.constant 0 : index
        %swap3A_1412 = tpu.vector_load %arg8[%swap3A_1410, %swap3A_1411] {strides = array<i32>} : memref<512x64xf32, #tpu.memory_space<vmem>>, vector<1x16xf32>,
        %swap3A_1413 = vector.shape_cast %swap3A_1412 : vector<1x16xf32> to vector<16xf32>
        %swap3A_1414 = vector.shape_cast %get3A_1409 : vector<16xf32> to vector<1x16xf32>
        tpu.vector_store %arg8[%swap3A_1410, %swap3A_1411], %swap3A_1414 {add = true, strides = array<i32>} : memref<512x64xf32, #tpu.memory_space<vmem>>, vector<1x16xf32>,
        %get3A_1415 = arith.constant 0 : i32
        %get3A_1416 = arith.index_cast %get3A_1415 : i32 to index
        %get3A_1417 = arith.index_cast %scan3A_1403 : i32 to index
        %get3A_1418 = arith.constant 16 : index
        %get3A_1419 = tpu.vector_load %arg7[%get3A_1416, %get3A_1417, %get3A_1418] {strides = array<i32>} : memref<2x512x64xf32, #tpu.memory_space<vmem>>, vector<1x1x16xf32>,
        %get3A_1420 = vector.shape_cast %get3A_1419 : vector<1x1x16xf32> to vector<16xf32>
        %swap3A_1421 = arith.index_cast %scan3A_1403 : i32 to index
        %swap3A_1422 = arith.constant 16 : index
        %swap3A_1423 = tpu.vector_load %arg8[%swap3A_1421, %swap3A_1422] {strides = array<i32>} : memref<512x64xf32, #tpu.memory_space<vmem>>, vector<1x16xf32>,
        %swap3A_1424 = vector.shape_cast %swap3A_1423 : vector<1x16xf32> to vector<16xf32>
        %swap3A_1425 = vector.shape_cast %get3A_1420 : vector<16xf32> to vector<1x16xf32>
        tpu.vector_store %arg8[%swap3A_1421, %swap3A_1422], %swap3A_1425 {add = true, strides = array<i32>} : memref<512x64xf32, #tpu.memory_space<vmem>>, vector<1x16xf32>,
        %get3A_1426 = arith.constant 0 : i32
        %get3A_1427 = arith.index_cast %get3A_1426 : i32 to index
        %get3A_1428 = arith.index_cast %scan3A_1403 : i32 to index
        %get3A_1429 = arith.constant 32 : index
        %get3A_1430 = tpu.vector_load %arg7[%get3A_1427, %get3A_1428, %get3A_1429] {strides = array<i32>} : memref<2x512x64xf32, #tpu.memory_space<vmem>>, vector<1x1x16xf32>,
        %get3A_1431 = vector.shape_cast %get3A_1430 : vector<1x1x16xf32> to vector<16xf32>
        %swap3A_1432 = arith.index_cast %scan3A_1403 : i32 to index
        %swap3A_1433 = arith.constant 32 : index
        %swap3A_1434 = tpu.vector_load %arg8[%swap3A_1432, %swap3A_1433] {strides = array<i32>} : memref<512x64xf32, #tpu.memory_space<vmem>>, vector<1x16xf32>,
        %swap3A_1435 = vector.shape_cast %swap3A_1434 : vector<1x16xf32> to vector<16xf32>
        %swap3A_1436 = vector.shape_cast %get3A_1431 : vector<16xf32> to vector<1x16xf32>
        tpu.vector_store %arg8[%swap3A_1432, %swap3A_1433], %swap3A_1436 {add = true, strides = array<i32>} : memref<512x64xf32, #tpu.memory_space<vmem>>, vector<1x16xf32>,
        %get3A_1437 = arith.constant 0 : i32
        %get3A_1438 = arith.index_cast %get3A_1437 : i32 to index
        %get3A_1439 = arith.index_cast %scan3A_1403 : i32 to index
        %get3A_1440 = arith.constant 48 : index
        %get3A_1441 = tpu.vector_load %arg7[%get3A_1438, %get3A_1439, %get3A_1440] {strides = array<i32>} : memref<2x512x64xf32, #tpu.memory_space<vmem>>, vector<1x1x16xf32>,
        %get3A_1442 = vector.shape_cast %get3A_1441 : vector<1x1x16xf32> to vector<16xf32>
        %swap3A_1443 = arith.index_cast %scan3A_1403 : i32 to index
        %swap3A_1444 = arith.constant 48 : index
        %swap3A_1445 = tpu.vector_load %arg8[%swap3A_1443, %swap3A_1444] {strides = array<i32>} : memref<512x64xf32, #tpu.memory_space<vmem>>, vector<1x16xf32>,
        %swap3A_1446 = vector.shape_cast %swap3A_1445 : vector<1x16xf32> to vector<16xf32>
        %swap3A_1447 = vector.shape_cast %get3A_1442 : vector<16xf32> to vector<1x16xf32>
        tpu.vector_store %arg8[%swap3A_1443, %swap3A_1444], %swap3A_1447 {add = true, strides = array<i32>} : memref<512x64xf32, #tpu.memory_space<vmem>>, vector<1x16xf32>,
        %scan3A_1448 = arith.constant 0 : i32
        scf.yield %scan3A_1448 : i32
      }
      %scan3A_1002 = arith.constant 512 : i32
      %add3A_1003 = arith.constant 2 : i32
      %add3A_1004 = arith.addi %mul3A_494, %add3A_1003 : i32
      %lt3A_1005 = arith.constant 100 : i32
      %lt3A_1006 = arith.cmpi slt, %add3A_1004, %lt3A_1005 : i32
      %convert_element_type3A_1007 = arith.extui %lt3A_1006 : i1 to i32
      %cond3A_1008 = arith.constant 0 : i32
      %cond3A_1009 = arith.cmpi ne, %convert_element_type3A_1007, %cond3A_1008 : i32
      scf.if %cond3A_1009 {
        %dma_wait3A_1073 = arith.constant 0 : i32
        %dma_wait3A_1074 = arith.constant 0 : i32
        %dma_wait3A_1075 = arith.constant 0 : i32
        %dma_wait3A_1076 = tpu.memref_slice %arg5[%dma_wait3A_1074, %dma_wait3A_1075] : memref<2x512xi32, #tpu.memory_space<vmem>> -> memref<1x512xi32, #tpu.memory_space<vmem>>
        %dma_wait3A_1077 = tpu.memref_squeeze %dma_wait3A_1076 : memref<1x512xi32, #tpu.memory_space<vmem>> -> memref<512xi32, #tpu.memory_space<vmem>>
        %dma_wait3A_1078 = tpu.memref_slice %arg3[%dma_wait3A_1073, %mul3A_2] : memref<100x16384xi32, #tpu.memory_space<hbm>> -> memref<1x512xi32, #tpu.memory_space<hbm>>
        %dma_wait3A_1079 = tpu.memref_squeeze %dma_wait3A_1078 : memref<1x512xi32, #tpu.memory_space<hbm>> -> memref<512xi32, #tpu.memory_space<hbm>>
        %dma_wait3A_1080 = arith.constant 0 : i32
        %dma_wait3A_1081 = tpu.memref_slice %arg5[%dma_wait3A_1074, %dma_wait3A_1080] : memref<2x512xi32, #tpu.memory_space<vmem>> -> memref<1x512xi32, #tpu.memory_space<vmem>>
        %dma_wait3A_1082 = tpu.memref_squeeze %dma_wait3A_1081 : memref<1x512xi32, #tpu.memory_space<vmem>> -> memref<512xi32, #tpu.memory_space<vmem>>
        %dma_wait3A_1083 = tpu.memref_slice %arg3[%dma_wait3A_1073, %mul3A_2] : memref<100x16384xi32, #tpu.memory_space<hbm>> -> memref<1x512xi32, #tpu.memory_space<hbm>>
        %dma_wait3A_1084 = tpu.memref_squeeze %dma_wait3A_1083 : memref<1x512xi32, #tpu.memory_space<hbm>> -> memref<512xi32, #tpu.memory_space<hbm>>
        tpu.wait_dma2 semaphore(%arg9 : memref<!tpu.dma_semaphore, #tpu.memory_space<semaphore_mem>>) src(%dma_wait3A_1084 : memref<512xi32, #tpu.memory_space<hbm>>) dst(%dma_wait3A_1082 : memref<512xi32, #tpu.memory_space<vmem>>)
        %add3A_1085 = arith.constant 2 : i32
        %add3A_1086 = arith.addi %mul3A_494, %add3A_1085 : i32
        %mul3A_1087 = arith.constant 256 : i32
        %mul3A_1088 = arith.muli %add3A_1086, %mul3A_1087 : i32
        %broadcast_in_dim3A_1089 = vector.broadcast %mul3A_1088 : i32 to vector<16xi32>
        %get3A_1090 = arith.constant 0 : i32
        %get3A_1091 = arith.index_cast %get3A_1090 : i32 to index
        %get3A_1092 = arith.constant 0 : index
        %get3A_1093 = tpu.vector_load %arg5[%get3A_1091, %get3A_1092] {strides = array<i32>} : memref<2x512xi32, #tpu.memory_space<vmem>>, vector<1x16xi32>,
        %get3A_1094 = vector.shape_cast %get3A_1093 : vector<1x16xi32> to vector<16xi32>
        %add3A_1095 = arith.addi %get3A_1094, %broadcast_in_dim3A_1089 : vector<16xi32>
        %swap3A_1096 = arith.constant 0 : i32
        %swap3A_1097 = arith.index_cast %swap3A_1096 : i32 to index
        %swap3A_1098 = arith.constant 0 : index
        %swap3A_1099 = tpu.vector_load %arg6[%swap3A_1097, %swap3A_1098] {strides = array<i32>} : memref<2x512xi32, #tpu.memory_space<vmem>>, vector<1x16xi32>,
        %swap3A_1100 = vector.shape_cast %swap3A_1099 : vector<1x16xi32> to vector<16xi32>
        %swap3A_1101 = vector.shape_cast %add3A_1095 : vector<16xi32> to vector<1x16xi32>
        tpu.vector_store %arg6[%swap3A_1097, %swap3A_1098], %swap3A_1101 {strides = array<i32>} : memref<2x512xi32, #tpu.memory_space<vmem>>, vector<1x16xi32>,
        %get3A_1102 = arith.constant 0 : i32
        %get3A_1103 = arith.index_cast %get3A_1102 : i32 to index
        %get3A_1104 = arith.constant 16 : index
        %get3A_1105 = tpu.vector_load %arg5[%get3A_1103, %get3A_1104] {strides = array<i32>} : memref<2x512xi32, #tpu.memory_space<vmem>>, vector<1x16xi32>,
        %get3A_1106 = vector.shape_cast %get3A_1105 : vector<1x16xi32> to vector<16xi32>
        %add3A_1107 = arith.addi %get3A_1106, %broadcast_in_dim3A_1089 : vector<16xi32>
        %swap3A_1108 = arith.constant 0 : i32
        %swap3A_1109 = arith.index_cast %swap3A_1108 : i32 to index
        %swap3A_1110 = arith.constant 16 : index
        %swap3A_1111 = tpu.vector_load %arg6[%swap3A_1109, %swap3A_1110] {strides = array<i32>} : memref<2x512xi32, #tpu.memory_space<vmem>>, vector<1x16xi32>,
        %swap3A_1112 = vector.shape_cast %swap3A_1111 : vector<1x16xi32> to vector<16xi32>
        %swap3A_1113 = vector.shape_cast %add3A_1107 : vector<16xi32> to vector<1x16xi32>
        tpu.vector_store %arg6[%swap3A_1109, %swap3A_1110], %swap3A_1113 {strides = array<i32>} : memref<2x512xi32, #tpu.memory_space<vmem>>, vector<1x16xi32>,
        %get3A_1114 = arith.constant 0 : i32
        %get3A_1115 = arith.index_cast %get3A_1114 : i32 to index
        %get3A_1116 = arith.constant 32 : index
        %get3A_1117 = tpu.vector_load %arg5[%get3A_1115, %get3A_1116] {strides = array<i32>} : memref<2x512xi32, #tpu.memory_space<vmem>>, vector<1x16xi32>,
        %get3A_1118 = vector.shape_cast %get3A_1117 : vector<1x16xi32> to vector<16xi32>
        %add3A_1119 = arith.addi %get3A_1118, %broadcast_in_dim3A_1089 : vector<16xi32>
        %swap3A_1120 = arith.constant 0 : i32
        %swap3A_1121 = arith.index_cast %swap3A_1120 : i32 to index
        %swap3A_1122 = arith.constant 32 : index
        %swap3A_1123 = tpu.vector_load %arg6[%swap3A_1121, %swap3A_1122] {strides = array<i32>} : memref<2x512xi32, #tpu.memory_space<vmem>>, vector<1x16xi32>,
        %swap3A_1124 = vector.shape_cast %swap3A_1123 : vector<1x16xi32> to vector<16xi32>
        %swap3A_1125 = vector.shape_cast %add3A_1119 : vector<16xi32> to vector<1x16xi32>
        tpu.vector_store %arg6[%swap3A_1121, %swap3A_1122], %swap3A_1125 {strides = array<i32>} : memref<2x512xi32, #tpu.memory_space<vmem>>, vector<1x16xi32>,
        %get3A_1126 = arith.constant 0 : i32
        %get3A_1127 = arith.index_cast %get3A_1126 : i32 to index
        %get3A_1128 = arith.constant 48 : index
        %get3A_1129 = tpu.vector_load %arg5[%get3A_1127, %get3A_1128] {strides = array<i32>} : memref<2x512xi32, #tpu.memory_space<vmem>>, vector<1x16xi32>,
        %get3A_1130 = vector.shape_cast %get3A_1129 : vector<1x16xi32> to vector<16xi32>
        %add3A_1131 = arith.addi %get3A_1130, %broadcast_in_dim3A_1089 : vector<16xi32>
        %swap3A_1132 = arith.constant 0 : i32
        %swap3A_1133 = arith.index_cast %swap3A_1132 : i32 to index
        %swap3A_1134 = arith.constant 48 : index
        %swap3A_1135 = tpu.vector_load %arg6[%swap3A_1133, %swap3A_1134] {strides = array<i32>} : memref<2x512xi32, #tpu.memory_space<vmem>>, vector<1x16xi32>,
        %swap3A_1136 = vector.shape_cast %swap3A_1135 : vector<1x16xi32> to vector<16xi32>
        %swap3A_1137 = vector.shape_cast %add3A_1131 : vector<16xi32> to vector<1x16xi32>
        tpu.vector_store %arg6[%swap3A_1133, %swap3A_1134], %swap3A_1137 {strides = array<i32>} : memref<2x512xi32, #tpu.memory_space<vmem>>, vector<1x16xi32>,
        %get3A_1138 = arith.constant 0 : i32
        %get3A_1139 = arith.index_cast %get3A_1138 : i32 to index
        %get3A_1140 = arith.constant 64 : index
        %get3A_1141 = tpu.vector_load %arg5[%get3A_1139, %get3A_1140] {strides = array<i32>} : memref<2x512xi32, #tpu.memory_space<vmem>>, vector<1x16xi32>,
        %get3A_1142 = vector.shape_cast %get3A_1141 : vector<1x16xi32> to vector<16xi32>
        %add3A_1143 = arith.addi %get3A_1142, %broadcast_in_dim3A_1089 : vector<16xi32>
        %swap3A_1144 = arith.constant 0 : i32
        %swap3A_1145 = arith.index_cast %swap3A_1144 : i32 to index
        %swap3A_1146 = arith.constant 64 : index
        %swap3A_1147 = tpu.vector_load %arg6[%swap3A_1145, %swap3A_1146] {strides = array<i32>} : memref<2x512xi32, #tpu.memory_space<vmem>>, vector<1x16xi32>,
        %swap3A_1148 = vector.shape_cast %swap3A_1147 : vector<1x16xi32> to vector<16xi32>
        %swap3A_1149 = vector.shape_cast %add3A_1143 : vector<16xi32> to vector<1x16xi32>
        tpu.vector_store %arg6[%swap3A_1145, %swap3A_1146], %swap3A_1149 {strides = array<i32>} : memref<2x512xi32, #tpu.memory_space<vmem>>, vector<1x16xi32>,
        %get3A_1150 = arith.constant 0 : i32
        %get3A_1151 = arith.index_cast %get3A_1150 : i32 to index
        %get3A_1152 = arith.constant 80 : index
        %get3A_1153 = tpu.vector_load %arg5[%get3A_1151, %get3A_1152] {strides = array<i32>} : memref<2x512xi32, #tpu.memory_space<vmem>>, vector<1x16xi32>,
        %get3A_1154 = vector.shape_cast %get3A_1153 : vector<1x16xi32> to vector<16xi32>
        %add3A_1155 = arith.addi %get3A_1154, %broadcast_in_dim3A_1089 : vector<16xi32>
        %swap3A_1156 = arith.constant 0 : i32
        %swap3A_1157 = arith.index_cast %swap3A_1156 : i32 to index
        %swap3A_1158 = arith.constant 80 : index
        %swap3A_1159 = tpu.vector_load %arg6[%swap3A_1157, %swap3A_1158] {strides = array<i32>} : memref<2x512xi32, #tpu.memory_space<vmem>>, vector<1x16xi32>,
        %swap3A_1160 = vector.shape_cast %swap3A_1159 : vector<1x16xi32> to vector<16xi32>
        %swap3A_1161 = vector.shape_cast %add3A_1155 : vector<16xi32> to vector<1x16xi32>
        tpu.vector_store %arg6[%swap3A_1157, %swap3A_1158], %swap3A_1161 {strides = array<i32>} : memref<2x512xi32, #tpu.memory_space<vmem>>, vector<1x16xi32>,
        %get3A_1162 = arith.constant 0 : i32
        %get3A_1163 = arith.index_cast %get3A_1162 : i32 to index
        %get3A_1164 = arith.constant 96 : index
        %get3A_1165 = tpu.vector_load %arg5[%get3A_1163, %get3A_1164] {strides = array<i32>} : memref<2x512xi32, #tpu.memory_space<vmem>>, vector<1x16xi32>,
        %get3A_1166 = vector.shape_cast %get3A_1165 : vector<1x16xi32> to vector<16xi32>
        %add3A_1167 = arith.addi %get3A_1166, %broadcast_in_dim3A_1089 : vector<16xi32>
        %swap3A_1168 = arith.constant 0 : i32
        %swap3A_1169 = arith.index_cast %swap3A_1168 : i32 to index
        %swap3A_1170 = arith.constant 96 : index
        %swap3A_1171 = tpu.vector_load %arg6[%swap3A_1169, %swap3A_1170] {strides = array<i32>} : memref<2x512xi32, #tpu.memory_space<vmem>>, vector<1x16xi32>,
        %swap3A_1172 = vector.shape_cast %swap3A_1171 : vector<1x16xi32> to vector<16xi32>
        %swap3A_1173 = vector.shape_cast %add3A_1167 : vector<16xi32> to vector<1x16xi32>
        tpu.vector_store %arg6[%swap3A_1169, %swap3A_1170], %swap3A_1173 {strides = array<i32>} : memref<2x512xi32, #tpu.memory_space<vmem>>, vector<1x16xi32>,
        %get3A_1174 = arith.constant 0 : i32
        %get3A_1175 = arith.index_cast %get3A_1174 : i32 to index
        %get3A_1176 = arith.constant 112 : index
        %get3A_1177 = tpu.vector_load %arg5[%get3A_1175, %get3A_1176] {strides = array<i32>} : memref<2x512xi32, #tpu.memory_space<vmem>>, vector<1x16xi32>,
        %get3A_1178 = vector.shape_cast %get3A_1177 : vector<1x16xi32> to vector<16xi32>
        %add3A_1179 = arith.addi %get3A_1178, %broadcast_in_dim3A_1089 : vector<16xi32>
        %swap3A_1180 = arith.constant 0 : i32
        %swap3A_1181 = arith.index_cast %swap3A_1180 : i32 to index
        %swap3A_1182 = arith.constant 112 : index
        %swap3A_1183 = tpu.vector_load %arg6[%swap3A_1181, %swap3A_1182] {strides = array<i32>} : memref<2x512xi32, #tpu.memory_space<vmem>>, vector<1x16xi32>,
        %swap3A_1184 = vector.shape_cast %swap3A_1183 : vector<1x16xi32> to vector<16xi32>
        %swap3A_1185 = vector.shape_cast %add3A_1179 : vector<16xi32> to vector<1x16xi32>
        tpu.vector_store %arg6[%swap3A_1181, %swap3A_1182], %swap3A_1185 {strides = array<i32>} : memref<2x512xi32, #tpu.memory_space<vmem>>, vector<1x16xi32>,
        %get3A_1186 = arith.constant 0 : i32
        %get3A_1187 = arith.index_cast %get3A_1186 : i32 to index
        %get3A_1188 = arith.constant 128 : index
        %get3A_1189 = tpu.vector_load %arg5[%get3A_1187, %get3A_1188] {strides = array<i32>} : memref<2x512xi32, #tpu.memory_space<vmem>>, vector<1x16xi32>,
        %get3A_1190 = vector.shape_cast %get3A_1189 : vector<1x16xi32> to vector<16xi32>
        %add3A_1191 = arith.addi %get3A_1190, %broadcast_in_dim3A_1089 : vector<16xi32>
        %swap3A_1192 = arith.constant 0 : i32
        %swap3A_1193 = arith.index_cast %swap3A_1192 : i32 to index
        %swap3A_1194 = arith.constant 128 : index
        %swap3A_1195 = tpu.vector_load %arg6[%swap3A_1193, %swap3A_1194] {strides = array<i32>} : memref<2x512xi32, #tpu.memory_space<vmem>>, vector<1x16xi32>,
        %swap3A_1196 = vector.shape_cast %swap3A_1195 : vector<1x16xi32> to vector<16xi32>
        %swap3A_1197 = vector.shape_cast %add3A_1191 : vector<16xi32> to vector<1x16xi32>
        tpu.vector_store %arg6[%swap3A_1193, %swap3A_1194], %swap3A_1197 {strides = array<i32>} : memref<2x512xi32, #tpu.memory_space<vmem>>, vector<1x16xi32>,
        %get3A_1198 = arith.constant 0 : i32
        %get3A_1199 = arith.index_cast %get3A_1198 : i32 to index
        %get3A_1200 = arith.constant 144 : index
        %get3A_1201 = tpu.vector_load %arg5[%get3A_1199, %get3A_1200] {strides = array<i32>} : memref<2x512xi32, #tpu.memory_space<vmem>>, vector<1x16xi32>,
        %get3A_1202 = vector.shape_cast %get3A_1201 : vector<1x16xi32> to vector<16xi32>
        %add3A_1203 = arith.addi %get3A_1202, %broadcast_in_dim3A_1089 : vector<16xi32>
        %swap3A_1204 = arith.constant 0 : i32
        %swap3A_1205 = arith.index_cast %swap3A_1204 : i32 to index
        %swap3A_1206 = arith.constant 144 : index
        %swap3A_1207 = tpu.vector_load %arg6[%swap3A_1205, %swap3A_1206] {strides = array<i32>} : memref<2x512xi32, #tpu.memory_space<vmem>>, vector<1x16xi32>,
        %swap3A_1208 = vector.shape_cast %swap3A_1207 : vector<1x16xi32> to vector<16xi32>
        %swap3A_1209 = vector.shape_cast %add3A_1203 : vector<16xi32> to vector<1x16xi32>
        tpu.vector_store %arg6[%swap3A_1205, %swap3A_1206], %swap3A_1209 {strides = array<i32>} : memref<2x512xi32, #tpu.memory_space<vmem>>, vector<1x16xi32>,
        %get3A_1210 = arith.constant 0 : i32
        %get3A_1211 = arith.index_cast %get3A_1210 : i32 to index
        %get3A_1212 = arith.constant 160 : index
        %get3A_1213 = tpu.vector_load %arg5[%get3A_1211, %get3A_1212] {strides = array<i32>} : memref<2x512xi32, #tpu.memory_space<vmem>>, vector<1x16xi32>,
        %get3A_1214 = vector.shape_cast %get3A_1213 : vector<1x16xi32> to vector<16xi32>
        %add3A_1215 = arith.addi %get3A_1214, %broadcast_in_dim3A_1089 : vector<16xi32>
        %swap3A_1216 = arith.constant 0 : i32
        %swap3A_1217 = arith.index_cast %swap3A_1216 : i32 to index
        %swap3A_1218 = arith.constant 160 : index
        %swap3A_1219 = tpu.vector_load %arg6[%swap3A_1217, %swap3A_1218] {strides = array<i32>} : memref<2x512xi32, #tpu.memory_space<vmem>>, vector<1x16xi32>,
        %swap3A_1220 = vector.shape_cast %swap3A_1219 : vector<1x16xi32> to vector<16xi32>
        %swap3A_1221 = vector.shape_cast %add3A_1215 : vector<16xi32> to vector<1x16xi32>
        tpu.vector_store %arg6[%swap3A_1217, %swap3A_1218], %swap3A_1221 {strides = array<i32>} : memref<2x512xi32, #tpu.memory_space<vmem>>, vector<1x16xi32>,
        %get3A_1222 = arith.constant 0 : i32
        %get3A_1223 = arith.index_cast %get3A_1222 : i32 to index
        %get3A_1224 = arith.constant 176 : index
        %get3A_1225 = tpu.vector_load %arg5[%get3A_1223, %get3A_1224] {strides = array<i32>} : memref<2x512xi32, #tpu.memory_space<vmem>>, vector<1x16xi32>,
        %get3A_1226 = vector.shape_cast %get3A_1225 : vector<1x16xi32> to vector<16xi32>
        %add3A_1227 = arith.addi %get3A_1226, %broadcast_in_dim3A_1089 : vector<16xi32>
        %swap3A_1228 = arith.constant 0 : i32
        %swap3A_1229 = arith.index_cast %swap3A_1228 : i32 to index
        %swap3A_1230 = arith.constant 176 : index
        %swap3A_1231 = tpu.vector_load %arg6[%swap3A_1229, %swap3A_1230] {strides = array<i32>} : memref<2x512xi32, #tpu.memory_space<vmem>>, vector<1x16xi32>,
        %swap3A_1232 = vector.shape_cast %swap3A_1231 : vector<1x16xi32> to vector<16xi32>
        %swap3A_1233 = vector.shape_cast %add3A_1227 : vector<16xi32> to vector<1x16xi32>
        tpu.vector_store %arg6[%swap3A_1229, %swap3A_1230], %swap3A_1233 {strides = array<i32>} : memref<2x512xi32, #tpu.memory_space<vmem>>, vector<1x16xi32>,
        %get3A_1234 = arith.constant 0 : i32
        %get3A_1235 = arith.index_cast %get3A_1234 : i32 to index
        %get3A_1236 = arith.constant 192 : index
        %get3A_1237 = tpu.vector_load %arg5[%get3A_1235, %get3A_1236] {strides = array<i32>} : memref<2x512xi32, #tpu.memory_space<vmem>>, vector<1x16xi32>,
        %get3A_1238 = vector.shape_cast %get3A_1237 : vector<1x16xi32> to vector<16xi32>
        %add3A_1239 = arith.addi %get3A_1238, %broadcast_in_dim3A_1089 : vector<16xi32>
        %swap3A_1240 = arith.constant 0 : i32
        %swap3A_1241 = arith.index_cast %swap3A_1240 : i32 to index
        %swap3A_1242 = arith.constant 192 : index
        %swap3A_1243 = tpu.vector_load %arg6[%swap3A_1241, %swap3A_1242] {strides = array<i32>} : memref<2x512xi32, #tpu.memory_space<vmem>>, vector<1x16xi32>,
        %swap3A_1244 = vector.shape_cast %swap3A_1243 : vector<1x16xi32> to vector<16xi32>
        %swap3A_1245 = vector.shape_cast %add3A_1239 : vector<16xi32> to vector<1x16xi32>
        tpu.vector_store %arg6[%swap3A_1241, %swap3A_1242], %swap3A_1245 {strides = array<i32>} : memref<2x512xi32, #tpu.memory_space<vmem>>, vector<1x16xi32>,
        %get3A_1246 = arith.constant 0 : i32
        %get3A_1247 = arith.index_cast %get3A_1246 : i32 to index
        %get3A_1248 = arith.constant 208 : index
        %get3A_1249 = tpu.vector_load %arg5[%get3A_1247, %get3A_1248] {strides = array<i32>} : memref<2x512xi32, #tpu.memory_space<vmem>>, vector<1x16xi32>,
        %get3A_1250 = vector.shape_cast %get3A_1249 : vector<1x16xi32> to vector<16xi32>
        %add3A_1251 = arith.addi %get3A_1250, %broadcast_in_dim3A_1089 : vector<16xi32>
        %swap3A_1252 = arith.constant 0 : i32
        %swap3A_1253 = arith.index_cast %swap3A_1252 : i32 to index
        %swap3A_1254 = arith.constant 208 : index
        %swap3A_1255 = tpu.vector_load %arg6[%swap3A_1253, %swap3A_1254] {strides = array<i32>} : memref<2x512xi32, #tpu.memory_space<vmem>>, vector<1x16xi32>,
        %swap3A_1256 = vector.shape_cast %swap3A_1255 : vector<1x16xi32> to vector<16xi32>
        %swap3A_1257 = vector.shape_cast %add3A_1251 : vector<16xi32> to vector<1x16xi32>
        tpu.vector_store %arg6[%swap3A_1253, %swap3A_1254], %swap3A_1257 {strides = array<i32>} : memref<2x512xi32, #tpu.memory_space<vmem>>, vector<1x16xi32>,
        %get3A_1258 = arith.constant 0 : i32
        %get3A_1259 = arith.index_cast %get3A_1258 : i32 to index
        %get3A_1260 = arith.constant 224 : index
        %get3A_1261 = tpu.vector_load %arg5[%get3A_1259, %get3A_1260] {strides = array<i32>} : memref<2x512xi32, #tpu.memory_space<vmem>>, vector<1x16xi32>,
        %get3A_1262 = vector.shape_cast %get3A_1261 : vector<1x16xi32> to vector<16xi32>
        %add3A_1263 = arith.addi %get3A_1262, %broadcast_in_dim3A_1089 : vector<16xi32>
        %swap3A_1264 = arith.constant 0 : i32
        %swap3A_1265 = arith.index_cast %swap3A_1264 : i32 to index
        %swap3A_1266 = arith.constant 224 : index
        %swap3A_1267 = tpu.vector_load %arg6[%swap3A_1265, %swap3A_1266] {strides = array<i32>} : memref<2x512xi32, #tpu.memory_space<vmem>>, vector<1x16xi32>,
        %swap3A_1268 = vector.shape_cast %swap3A_1267 : vector<1x16xi32> to vector<16xi32>
        %swap3A_1269 = vector.shape_cast %add3A_1263 : vector<16xi32> to vector<1x16xi32>
        tpu.vector_store %arg6[%swap3A_1265, %swap3A_1266], %swap3A_1269 {strides = array<i32>} : memref<2x512xi32, #tpu.memory_space<vmem>>, vector<1x16xi32>,
        %get3A_1270 = arith.constant 0 : i32
        %get3A_1271 = arith.index_cast %get3A_1270 : i32 to index
        %get3A_1272 = arith.constant 240 : index
        %get3A_1273 = tpu.vector_load %arg5[%get3A_1271, %get3A_1272] {strides = array<i32>} : memref<2x512xi32, #tpu.memory_space<vmem>>, vector<1x16xi32>,
        %get3A_1274 = vector.shape_cast %get3A_1273 : vector<1x16xi32> to vector<16xi32>
        %add3A_1275 = arith.addi %get3A_1274, %broadcast_in_dim3A_1089 : vector<16xi32>
        %swap3A_1276 = arith.constant 0 : i32
        %swap3A_1277 = arith.index_cast %swap3A_1276 : i32 to index
        %swap3A_1278 = arith.constant 240 : index
        %swap3A_1279 = tpu.vector_load %arg6[%swap3A_1277, %swap3A_1278] {strides = array<i32>} : memref<2x512xi32, #tpu.memory_space<vmem>>, vector<1x16xi32>,
        %swap3A_1280 = vector.shape_cast %swap3A_1279 : vector<1x16xi32> to vector<16xi32>
        %swap3A_1281 = vector.shape_cast %add3A_1275 : vector<16xi32> to vector<1x16xi32>
        tpu.vector_store %arg6[%swap3A_1277, %swap3A_1278], %swap3A_1281 {strides = array<i32>} : memref<2x512xi32, #tpu.memory_space<vmem>>, vector<1x16xi32>,
        %get3A_1282 = arith.constant 0 : i32
        %get3A_1283 = arith.index_cast %get3A_1282 : i32 to index
        %get3A_1284 = arith.constant 256 : index
        %get3A_1285 = tpu.vector_load %arg5[%get3A_1283, %get3A_1284] {strides = array<i32>} : memref<2x512xi32, #tpu.memory_space<vmem>>, vector<1x16xi32>,
        %get3A_1286 = vector.shape_cast %get3A_1285 : vector<1x16xi32> to vector<16xi32>
        %add3A_1287 = arith.addi %get3A_1286, %broadcast_in_dim3A_1089 : vector<16xi32>
        %swap3A_1288 = arith.constant 0 : i32
        %swap3A_1289 = arith.index_cast %swap3A_1288 : i32 to index
        %swap3A_1290 = arith.constant 256 : index
        %swap3A_1291 = tpu.vector_load %arg6[%swap3A_1289, %swap3A_1290] {strides = array<i32>} : memref<2x512xi32, #tpu.memory_space<vmem>>, vector<1x16xi32>,
        %swap3A_1292 = vector.shape_cast %swap3A_1291 : vector<1x16xi32> to vector<16xi32>
        %swap3A_1293 = vector.shape_cast %add3A_1287 : vector<16xi32> to vector<1x16xi32>
        tpu.vector_store %arg6[%swap3A_1289, %swap3A_1290], %swap3A_1293 {strides = array<i32>} : memref<2x512xi32, #tpu.memory_space<vmem>>, vector<1x16xi32>,
        %get3A_1294 = arith.constant 0 : i32
        %get3A_1295 = arith.index_cast %get3A_1294 : i32 to index
        %get3A_1296 = arith.constant 272 : index
        %get3A_1297 = tpu.vector_load %arg5[%get3A_1295, %get3A_1296] {strides = array<i32>} : memref<2x512xi32, #tpu.memory_space<vmem>>, vector<1x16xi32>,
        %get3A_1298 = vector.shape_cast %get3A_1297 : vector<1x16xi32> to vector<16xi32>
        %add3A_1299 = arith.addi %get3A_1298, %broadcast_in_dim3A_1089 : vector<16xi32>
        %swap3A_1300 = arith.constant 0 : i32
        %swap3A_1301 = arith.index_cast %swap3A_1300 : i32 to index
        %swap3A_1302 = arith.constant 272 : index
        %swap3A_1303 = tpu.vector_load %arg6[%swap3A_1301, %swap3A_1302] {strides = array<i32>} : memref<2x512xi32, #tpu.memory_space<vmem>>, vector<1x16xi32>,
        %swap3A_1304 = vector.shape_cast %swap3A_1303 : vector<1x16xi32> to vector<16xi32>
        %swap3A_1305 = vector.shape_cast %add3A_1299 : vector<16xi32> to vector<1x16xi32>
        tpu.vector_store %arg6[%swap3A_1301, %swap3A_1302], %swap3A_1305 {strides = array<i32>} : memref<2x512xi32, #tpu.memory_space<vmem>>, vector<1x16xi32>,
        %get3A_1306 = arith.constant 0 : i32
        %get3A_1307 = arith.index_cast %get3A_1306 : i32 to index
        %get3A_1308 = arith.constant 288 : index
        %get3A_1309 = tpu.vector_load %arg5[%get3A_1307, %get3A_1308] {strides = array<i32>} : memref<2x512xi32, #tpu.memory_space<vmem>>, vector<1x16xi32>,
        %get3A_1310 = vector.shape_cast %get3A_1309 : vector<1x16xi32> to vector<16xi32>
        %add3A_1311 = arith.addi %get3A_1310, %broadcast_in_dim3A_1089 : vector<16xi32>
        %swap3A_1312 = arith.constant 0 : i32
        %swap3A_1313 = arith.index_cast %swap3A_1312 : i32 to index
        %swap3A_1314 = arith.constant 288 : index
        %swap3A_1315 = tpu.vector_load %arg6[%swap3A_1313, %swap3A_1314] {strides = array<i32>} : memref<2x512xi32, #tpu.memory_space<vmem>>, vector<1x16xi32>,
        %swap3A_1316 = vector.shape_cast %swap3A_1315 : vector<1x16xi32> to vector<16xi32>
        %swap3A_1317 = vector.shape_cast %add3A_1311 : vector<16xi32> to vector<1x16xi32>
        tpu.vector_store %arg6[%swap3A_1313, %swap3A_1314], %swap3A_1317 {strides = array<i32>} : memref<2x512xi32, #tpu.memory_space<vmem>>, vector<1x16xi32>,
        %get3A_1318 = arith.constant 0 : i32
        %get3A_1319 = arith.index_cast %get3A_1318 : i32 to index
        %get3A_1320 = arith.constant 304 : index
        %get3A_1321 = tpu.vector_load %arg5[%get3A_1319, %get3A_1320] {strides = array<i32>} : memref<2x512xi32, #tpu.memory_space<vmem>>, vector<1x16xi32>,
        %get3A_1322 = vector.shape_cast %get3A_1321 : vector<1x16xi32> to vector<16xi32>
        %add3A_1323 = arith.addi %get3A_1322, %broadcast_in_dim3A_1089 : vector<16xi32>
        %swap3A_1324 = arith.constant 0 : i32
        %swap3A_1325 = arith.index_cast %swap3A_1324 : i32 to index
        %swap3A_1326 = arith.constant 304 : index
        %swap3A_1327 = tpu.vector_load %arg6[%swap3A_1325, %swap3A_1326] {strides = array<i32>} : memref<2x512xi32, #tpu.memory_space<vmem>>, vector<1x16xi32>,
        %swap3A_1328 = vector.shape_cast %swap3A_1327 : vector<1x16xi32> to vector<16xi32>
        %swap3A_1329 = vector.shape_cast %add3A_1323 : vector<16xi32> to vector<1x16xi32>
        tpu.vector_store %arg6[%swap3A_1325, %swap3A_1326], %swap3A_1329 {strides = array<i32>} : memref<2x512xi32, #tpu.memory_space<vmem>>, vector<1x16xi32>,
        %get3A_1330 = arith.constant 0 : i32
        %get3A_1331 = arith.index_cast %get3A_1330 : i32 to index
        %get3A_1332 = arith.constant 320 : index
        %get3A_1333 = tpu.vector_load %arg5[%get3A_1331, %get3A_1332] {strides = array<i32>} : memref<2x512xi32, #tpu.memory_space<vmem>>, vector<1x16xi32>,
        %get3A_1334 = vector.shape_cast %get3A_1333 : vector<1x16xi32> to vector<16xi32>
        %add3A_1335 = arith.addi %get3A_1334, %broadcast_in_dim3A_1089 : vector<16xi32>
        %swap3A_1336 = arith.constant 0 : i32
        %swap3A_1337 = arith.index_cast %swap3A_1336 : i32 to index
        %swap3A_1338 = arith.constant 320 : index
        %swap3A_1339 = tpu.vector_load %arg6[%swap3A_1337, %swap3A_1338] {strides = array<i32>} : memref<2x512xi32, #tpu.memory_space<vmem>>, vector<1x16xi32>,
        %swap3A_1340 = vector.shape_cast %swap3A_1339 : vector<1x16xi32> to vector<16xi32>
        %swap3A_1341 = vector.shape_cast %add3A_1335 : vector<16xi32> to vector<1x16xi32>
        tpu.vector_store %arg6[%swap3A_1337, %swap3A_1338], %swap3A_1341 {strides = array<i32>} : memref<2x512xi32, #tpu.memory_space<vmem>>, vector<1x16xi32>,
        %get3A_1342 = arith.constant 0 : i32
        %get3A_1343 = arith.index_cast %get3A_1342 : i32 to index
        %get3A_1344 = arith.constant 336 : index
        %get3A_1345 = tpu.vector_load %arg5[%get3A_1343, %get3A_1344] {strides = array<i32>} : memref<2x512xi32, #tpu.memory_space<vmem>>, vector<1x16xi32>,
        %get3A_1346 = vector.shape_cast %get3A_1345 : vector<1x16xi32> to vector<16xi32>
        %add3A_1347 = arith.addi %get3A_1346, %broadcast_in_dim3A_1089 : vector<16xi32>
        %swap3A_1348 = arith.constant 0 : i32
        %swap3A_1349 = arith.index_cast %swap3A_1348 : i32 to index
        %swap3A_1350 = arith.constant 336 : index
        %swap3A_1351 = tpu.vector_load %arg6[%swap3A_1349, %swap3A_1350] {strides = array<i32>} : memref<2x512xi32, #tpu.memory_space<vmem>>, vector<1x16xi32>,
        %swap3A_1352 = vector.shape_cast %swap3A_1351 : vector<1x16xi32> to vector<16xi32>
        %swap3A_1353 = vector.shape_cast %add3A_1347 : vector<16xi32> to vector<1x16xi32>
        tpu.vector_store %arg6[%swap3A_1349, %swap3A_1350], %swap3A_1353 {strides = array<i32>} : memref<2x512xi32, #tpu.memory_space<vmem>>, vector<1x16xi32>,
        %get3A_1354 = arith.constant 0 : i32
        %get3A_1355 = arith.index_cast %get3A_1354 : i32 to index
        %get3A_1356 = arith.constant 352 : index
        %get3A_1357 = tpu.vector_load %arg5[%get3A_1355, %get3A_1356] {strides = array<i32>} : memref<2x512xi32, #tpu.memory_space<vmem>>, vector<1x16xi32>,
        %get3A_1358 = vector.shape_cast %get3A_1357 : vector<1x16xi32> to vector<16xi32>
        %add3A_1359 = arith.addi %get3A_1358, %broadcast_in_dim3A_1089 : vector<16xi32>
        %swap3A_1360 = arith.constant 0 : i32
        %swap3A_1361 = arith.index_cast %swap3A_1360 : i32 to index
        %swap3A_1362 = arith.constant 352 : index
        %swap3A_1363 = tpu.vector_load %arg6[%swap3A_1361, %swap3A_1362] {strides = array<i32>} : memref<2x512xi32, #tpu.memory_space<vmem>>, vector<1x16xi32>,
        %swap3A_1364 = vector.shape_cast %swap3A_1363 : vector<1x16xi32> to vector<16xi32>
        %swap3A_1365 = vector.shape_cast %add3A_1359 : vector<16xi32> to vector<1x16xi32>
        tpu.vector_store %arg6[%swap3A_1361, %swap3A_1362], %swap3A_1365 {strides = array<i32>} : memref<2x512xi32, #tpu.memory_space<vmem>>, vector<1x16xi32>,
        %get3A_1366 = arith.constant 0 : i32
        %get3A_1367 = arith.index_cast %get3A_1366 : i32 to index
        %get3A_1368 = arith.constant 368 : index
        %get3A_1369 = tpu.vector_load %arg5[%get3A_1367, %get3A_1368] {strides = array<i32>} : memref<2x512xi32, #tpu.memory_space<vmem>>, vector<1x16xi32>,
        %get3A_1370 = vector.shape_cast %get3A_1369 : vector<1x16xi32> to vector<16xi32>
        %add3A_1371 = arith.addi %get3A_1370, %broadcast_in_dim3A_1089 : vector<16xi32>
        %swap3A_1372 = arith.constant 0 : i32
        %swap3A_1373 = arith.index_cast %swap3A_1372 : i32 to index
        %swap3A_1374 = arith.constant 368 : index
        %swap3A_1375 = tpu.vector_load %arg6[%swap3A_1373, %swap3A_1374] {strides = array<i32>} : memref<2x512xi32, #tpu.memory_space<vmem>>, vector<1x16xi32>,
        %swap3A_1376 = vector.shape_cast %swap3A_1375 : vector<1x16xi32> to vector<16xi32>
        %swap3A_1377 = vector.shape_cast %add3A_1371 : vector<16xi32> to vector<1x16xi32>
        tpu.vector_store %arg6[%swap3A_1373, %swap3A_1374], %swap3A_1377 {strides = array<i32>} : memref<2x512xi32, #tpu.memory_space<vmem>>, vector<1x16xi32>,
        %get3A_1378 = arith.constant 0 : i32
        %get3A_1379 = arith.index_cast %get3A_1378 : i32 to index
        %get3A_1380 = arith.constant 384 : index
        %get3A_1381 = tpu.vector_load %arg5[%get3A_1379, %get3A_1380] {strides = array<i32>} : memref<2x512xi32, #tpu.memory_space<vmem>>, vector<1x16xi32>,
        %get3A_1382 = vector.shape_cast %get3A_1381 : vector<1x16xi32> to vector<16xi32>
        %add3A_1383 = arith.addi %get3A_1382, %broadcast_in_dim3A_1089 : vector<16xi32>
        %swap3A_1384 = arith.constant 0 : i32
        %swap3A_1385 = arith.index_cast %swap3A_1384 : i32 to index
        %swap3A_1386 = arith.constant 384 : index
        %swap3A_1387 = tpu.vector_load %arg6[%swap3A_1385, %swap3A_1386] {strides = array<i32>} : memref<2x512xi32, #tpu.memory_space<vmem>>, vector<1x16xi32>,
        %swap3A_1388 = vector.shape_cast %swap3A_1387 : vector<1x16xi32> to vector<16xi32>
        %swap3A_1389 = vector.shape_cast %add3A_1383 : vector<16xi32> to vector<1x16xi32>
        tpu.vector_store %arg6[%swap3A_1385, %swap3A_1386], %swap3A_1389 {strides = array<i32>} : memref<2x512xi32, #tpu.memory_space<vmem>>, vector<1x16xi32>,
        %get3A_1390 = arith.constant 0 : i32
        %get3A_1391 = arith.index_cast %get3A_1390 : i32 to index
        %get3A_1392 = arith.constant 400 : index
        %get3A_1393 = tpu.vector_load %arg5[%get3A_1391, %get3A_1392] {strides = array<i32>} : memref<2x512xi32, #tpu.memory_space<vmem>>, vector<1x16xi32>,
        %get3A_1394 = vector.shape_cast %get3A_1393 : vector<1x16xi32> to vector<16xi32>
        %add3A_1395 = arith.addi %get3A_1394, %broadcast_in_dim3A_1089 : vector<16xi32>
        %swap3A_1396 = arith.constant 0 : i32
        %swap3A_1397 = arith.index_cast %swap3A_1396 : i32 to index
        %swap3A_1398 = arith.constant 400 : index
        %swap3A_1399 = tpu.vector_load %arg6[%swap3A_1397, %swap3A_1398] {strides = array<i32>} : memref<2x512xi32, #tpu.memory_space<vmem>>, vector<1x16xi32>,
        %swap3A_1400 = vector.shape_cast %swap3A_1399 : vector<1x16xi32> to vector<16xi32>
        %swap3A_1401 = vector.shape_cast %add3A_1395 : vector<16xi32> to vector<1x16xi32>
        tpu.vector_store %arg6[%swap3A_1397, %swap3A_1398], %swap3A_1401 {strides = array<i32>} : memref<2x512xi32, #tpu.memory_space<vmem>>, vector<1x16xi32>,
        %get3A_1402 = arith.constant 0 : i32
        %get3A_1403 = arith.index_cast %get3A_1402 : i32 to index
        %get3A_1404 = arith.constant 416 : index
        %get3A_1405 = tpu.vector_load %arg5[%get3A_1403, %get3A_1404] {strides = array<i32>} : memref<2x512xi32, #tpu.memory_space<vmem>>, vector<1x16xi32>,
        %get3A_1406 = vector.shape_cast %get3A_1405 : vector<1x16xi32> to vector<16xi32>
        %add3A_1407 = arith.addi %get3A_1406, %broadcast_in_dim3A_1089 : vector<16xi32>
        %swap3A_1408 = arith.constant 0 : i32
        %swap3A_1409 = arith.index_cast %swap3A_1408 : i32 to index
        %swap3A_1410 = arith.constant 416 : index
        %swap3A_1411 = tpu.vector_load %arg6[%swap3A_1409, %swap3A_1410] {strides = array<i32>} : memref<2x512xi32, #tpu.memory_space<vmem>>, vector<1x16xi32>,
        %swap3A_1412 = vector.shape_cast %swap3A_1411 : vector<1x16xi32> to vector<16xi32>
        %swap3A_1413 = vector.shape_cast %add3A_1407 : vector<16xi32> to vector<1x16xi32>
        tpu.vector_store %arg6[%swap3A_1409, %swap3A_1410], %swap3A_1413 {strides = array<i32>} : memref<2x512xi32, #tpu.memory_space<vmem>>, vector<1x16xi32>,
        %get3A_1414 = arith.constant 0 : i32
        %get3A_1415 = arith.index_cast %get3A_1414 : i32 to index
        %get3A_1416 = arith.constant 432 : index
        %get3A_1417 = tpu.vector_load %arg5[%get3A_1415, %get3A_1416] {strides = array<i32>} : memref<2x512xi32, #tpu.memory_space<vmem>>, vector<1x16xi32>,
        %get3A_1418 = vector.shape_cast %get3A_1417 : vector<1x16xi32> to vector<16xi32>
        %add3A_1419 = arith.addi %get3A_1418, %broadcast_in_dim3A_1089 : vector<16xi32>
        %swap3A_1420 = arith.constant 0 : i32
        %swap3A_1421 = arith.index_cast %swap3A_1420 : i32 to index
        %swap3A_1422 = arith.constant 432 : index
        %swap3A_1423 = tpu.vector_load %arg6[%swap3A_1421, %swap3A_1422] {strides = array<i32>} : memref<2x512xi32, #tpu.memory_space<vmem>>, vector<1x16xi32>,
        %swap3A_1424 = vector.shape_cast %swap3A_1423 : vector<1x16xi32> to vector<16xi32>
        %swap3A_1425 = vector.shape_cast %add3A_1419 : vector<16xi32> to vector<1x16xi32>
        tpu.vector_store %arg6[%swap3A_1421, %swap3A_1422], %swap3A_1425 {strides = array<i32>} : memref<2x512xi32, #tpu.memory_space<vmem>>, vector<1x16xi32>,
        %get3A_1426 = arith.constant 0 : i32
        %get3A_1427 = arith.index_cast %get3A_1426 : i32 to index
        %get3A_1428 = arith.constant 448 : index
        %get3A_1429 = tpu.vector_load %arg5[%get3A_1427, %get3A_1428] {strides = array<i32>} : memref<2x512xi32, #tpu.memory_space<vmem>>, vector<1x16xi32>,
        %get3A_1430 = vector.shape_cast %get3A_1429 : vector<1x16xi32> to vector<16xi32>
        %add3A_1431 = arith.addi %get3A_1430, %broadcast_in_dim3A_1089 : vector<16xi32>
        %swap3A_1432 = arith.constant 0 : i32
        %swap3A_1433 = arith.index_cast %swap3A_1432 : i32 to index
        %swap3A_1434 = arith.constant 448 : index
        %swap3A_1435 = tpu.vector_load %arg6[%swap3A_1433, %swap3A_1434] {strides = array<i32>} : memref<2x512xi32, #tpu.memory_space<vmem>>, vector<1x16xi32>,
        %swap3A_1436 = vector.shape_cast %swap3A_1435 : vector<1x16xi32> to vector<16xi32>
        %swap3A_1437 = vector.shape_cast %add3A_1431 : vector<16xi32> to vector<1x16xi32>
        tpu.vector_store %arg6[%swap3A_1433, %swap3A_1434], %swap3A_1437 {strides = array<i32>} : memref<2x512xi32, #tpu.memory_space<vmem>>, vector<1x16xi32>,
        %get3A_1438 = arith.constant 0 : i32
        %get3A_1439 = arith.index_cast %get3A_1438 : i32 to index
        %get3A_1440 = arith.constant 464 : index
        %get3A_1441 = tpu.vector_load %arg5[%get3A_1439, %get3A_1440] {strides = array<i32>} : memref<2x512xi32, #tpu.memory_space<vmem>>, vector<1x16xi32>,
        %get3A_1442 = vector.shape_cast %get3A_1441 : vector<1x16xi32> to vector<16xi32>
        %add3A_1443 = arith.addi %get3A_1442, %broadcast_in_dim3A_1089 : vector<16xi32>
        %swap3A_1444 = arith.constant 0 : i32
        %swap3A_1445 = arith.index_cast %swap3A_1444 : i32 to index
        %swap3A_1446 = arith.constant 464 : index
        %swap3A_1447 = tpu.vector_load %arg6[%swap3A_1445, %swap3A_1446] {strides = array<i32>} : memref<2x512xi32, #tpu.memory_space<vmem>>, vector<1x16xi32>,
        %swap3A_1448 = vector.shape_cast %swap3A_1447 : vector<1x16xi32> to vector<16xi32>
        %swap3A_1449 = vector.shape_cast %add3A_1443 : vector<16xi32> to vector<1x16xi32>
        tpu.vector_store %arg6[%swap3A_1445, %swap3A_1446], %swap3A_1449 {strides = array<i32>} : memref<2x512xi32, #tpu.memory_space<vmem>>, vector<1x16xi32>,
        %get3A_1450 = arith.constant 0 : i32
        %get3A_1451 = arith.index_cast %get3A_1450 : i32 to index
        %get3A_1452 = arith.constant 480 : index
        %get3A_1453 = tpu.vector_load %arg5[%get3A_1451, %get3A_1452] {strides = array<i32>} : memref<2x512xi32, #tpu.memory_space<vmem>>, vector<1x16xi32>,
        %get3A_1454 = vector.shape_cast %get3A_1453 : vector<1x16xi32> to vector<16xi32>
        %add3A_1455 = arith.addi %get3A_1454, %broadcast_in_dim3A_1089 : vector<16xi32>
        %swap3A_1456 = arith.constant 0 : i32
        %swap3A_1457 = arith.index_cast %swap3A_1456 : i32 to index
        %swap3A_1458 = arith.constant 480 : index
        %swap3A_1459 = tpu.vector_load %arg6[%swap3A_1457, %swap3A_1458] {strides = array<i32>} : memref<2x512xi32, #tpu.memory_space<vmem>>, vector<1x16xi32>,
        %swap3A_1460 = vector.shape_cast %swap3A_1459 : vector<1x16xi32> to vector<16xi32>
        %swap3A_1461 = vector.shape_cast %add3A_1455 : vector<16xi32> to vector<1x16xi32>
        tpu.vector_store %arg6[%swap3A_1457, %swap3A_1458], %swap3A_1461 {strides = array<i32>} : memref<2x512xi32, #tpu.memory_space<vmem>>, vector<1x16xi32>,
        %get3A_1462 = arith.constant 0 : i32
        %get3A_1463 = arith.index_cast %get3A_1462 : i32 to index
        %get3A_1464 = arith.constant 496 : index
        %get3A_1465 = tpu.vector_load %arg5[%get3A_1463, %get3A_1464] {strides = array<i32>} : memref<2x512xi32, #tpu.memory_space<vmem>>, vector<1x16xi32>,
        %get3A_1466 = vector.shape_cast %get3A_1465 : vector<1x16xi32> to vector<16xi32>
        %add3A_1467 = arith.addi %get3A_1466, %broadcast_in_dim3A_1089 : vector<16xi32>
        %swap3A_1468 = arith.constant 0 : i32
        %swap3A_1469 = arith.index_cast %swap3A_1468 : i32 to index
        %swap3A_1470 = arith.constant 496 : index
        %swap3A_1471 = tpu.vector_load %arg6[%swap3A_1469, %swap3A_1470] {strides = array<i32>} : memref<2x512xi32, #tpu.memory_space<vmem>>, vector<1x16xi32>,
        %swap3A_1472 = vector.shape_cast %swap3A_1471 : vector<1x16xi32> to vector<16xi32>
        %swap3A_1473 = vector.shape_cast %add3A_1467 : vector<16xi32> to vector<1x16xi32>
        tpu.vector_store %arg6[%swap3A_1469, %swap3A_1470], %swap3A_1473 {strides = array<i32>} : memref<2x512xi32, #tpu.memory_space<vmem>>, vector<1x16xi32>,
        %dma_start3A_1474 = arith.constant 0 : i32
        %dma_start3A_1475 = arith.constant 0 : i32
        %dma_start3A_1476 = arith.constant 0 : i32
        %dma_start3A_1477 = arith.constant 0 : i32
        %dma_start3A_1478 = tpu.memref_slice %arg7[%dma_start3A_1475, %dma_start3A_1476, %dma_start3A_1477] : memref<2x512x64xf32, #tpu.memory_space<vmem>> -> memref<1x128x64xf32, #tpu.memory_space<vmem>>
        %dma_start3A_1479 = tpu.memref_squeeze %dma_start3A_1478 : memref<1x128x64xf32, #tpu.memory_space<vmem>> -> memref<128x64xf32, #tpu.memory_space<vmem>>
        %dma_start3A_1480 = arith.constant 0 : i32
        %dma_start3A_1481 = tpu.memref_slice %arg6[%dma_start3A_1474, %dma_start3A_1480] : memref<2x512xi32, #tpu.memory_space<vmem>> -> memref<1x128xi32, #tpu.memory_space<vmem>>
        %dma_start3A_1482 = tpu.memref_squeeze %dma_start3A_1481 : memref<1x128xi32, #tpu.memory_space<vmem>> -> memref<128xi32, #tpu.memory_space<vmem>>
        %dma_start3A_1483 = arith.constant 0 : i32
        %dma_start3A_1484 = arith.constant 0 : i32
        %dma_start3A_1485 = tpu.memref_slice %arg2[%dma_start3A_1483, %dma_start3A_1484] : memref<25600x64xf32, #tpu.memory_space<hbm>> -> memref<25600x64xf32, #tpu.memory_space<hbm>>
        tpu.enqueue_indirect_dma source(%dma_start3A_1485 : memref<25600x64xf32, #tpu.memory_space<hbm>>) target(%dma_start3A_1479 : memref<128x64xf32, #tpu.memory_space<vmem>>) offsets(%dma_start3A_1482 : memref<128xi32, #tpu.memory_space<vmem>>) semaphore(%arg11 : memref<!tpu.dma_semaphore, #tpu.memory_space<semaphore_mem>>)
        %dma_start3A_1486 = arith.constant 0 : i32
        %dma_start3A_1487 = arith.constant 0 : i32
        %dma_start3A_1488 = arith.constant 128 : i32
        %dma_start3A_1489 = arith.constant 0 : i32
        %dma_start3A_1490 = tpu.memref_slice %arg7[%dma_start3A_1487, %dma_start3A_1488, %dma_start3A_1489] : memref<2x512x64xf32, #tpu.memory_space<vmem>> -> memref<1x128x64xf32, #tpu.memory_space<vmem>>
        %dma_start3A_1491 = tpu.memref_squeeze %dma_start3A_1490 : memref<1x128x64xf32, #tpu.memory_space<vmem>> -> memref<128x64xf32, #tpu.memory_space<vmem>>
        %dma_start3A_1492 = arith.constant 128 : i32
        %dma_start3A_1493 = tpu.memref_slice %arg6[%dma_start3A_1486, %dma_start3A_1492] : memref<2x512xi32, #tpu.memory_space<vmem>> -> memref<1x128xi32, #tpu.memory_space<vmem>>
        %dma_start3A_1494 = tpu.memref_squeeze %dma_start3A_1493 : memref<1x128xi32, #tpu.memory_space<vmem>> -> memref<128xi32, #tpu.memory_space<vmem>>
        %dma_start3A_1495 = arith.constant 0 : i32
        %dma_start3A_1496 = arith.constant 0 : i32
        %dma_start3A_1497 = tpu.memref_slice %arg2[%dma_start3A_1495, %dma_start3A_1496] : memref<25600x64xf32, #tpu.memory_space<hbm>> -> memref<25600x64xf32, #tpu.memory_space<hbm>>
        tpu.enqueue_indirect_dma source(%dma_start3A_1497 : memref<25600x64xf32, #tpu.memory_space<hbm>>) target(%dma_start3A_1491 : memref<128x64xf32, #tpu.memory_space<vmem>>) offsets(%dma_start3A_1494 : memref<128xi32, #tpu.memory_space<vmem>>) semaphore(%arg11 : memref<!tpu.dma_semaphore, #tpu.memory_space<semaphore_mem>>)
        %dma_start3A_1498 = arith.constant 0 : i32
        %dma_start3A_1499 = arith.constant 0 : i32
        %dma_start3A_1500 = arith.constant 256 : i32
        %dma_start3A_1501 = arith.constant 0 : i32
        %dma_start3A_1502 = tpu.memref_slice %arg7[%dma_start3A_1499, %dma_start3A_1500, %dma_start3A_1501] : memref<2x512x64xf32, #tpu.memory_space<vmem>> -> memref<1x128x64xf32, #tpu.memory_space<vmem>>
        %dma_start3A_1503 = tpu.memref_squeeze %dma_start3A_1502 : memref<1x128x64xf32, #tpu.memory_space<vmem>> -> memref<128x64xf32, #tpu.memory_space<vmem>>
        %dma_start3A_1504 = arith.constant 256 : i32
        %dma_start3A_1505 = tpu.memref_slice %arg6[%dma_start3A_1498, %dma_start3A_1504] : memref<2x512xi32, #tpu.memory_space<vmem>> -> memref<1x128xi32, #tpu.memory_space<vmem>>
        %dma_start3A_1506 = tpu.memref_squeeze %dma_start3A_1505 : memref<1x128xi32, #tpu.memory_space<vmem>> -> memref<128xi32, #tpu.memory_space<vmem>>
        %dma_start3A_1507 = arith.constant 0 : i32
        %dma_start3A_1508 = arith.constant 0 : i32
        %dma_start3A_1509 = tpu.memref_slice %arg2[%dma_start3A_1507, %dma_start3A_1508] : memref<25600x64xf32, #tpu.memory_space<hbm>> -> memref<25600x64xf32, #tpu.memory_space<hbm>>
        tpu.enqueue_indirect_dma source(%dma_start3A_1509 : memref<25600x64xf32, #tpu.memory_space<hbm>>) target(%dma_start3A_1503 : memref<128x64xf32, #tpu.memory_space<vmem>>) offsets(%dma_start3A_1506 : memref<128xi32, #tpu.memory_space<vmem>>) semaphore(%arg11 : memref<!tpu.dma_semaphore, #tpu.memory_space<semaphore_mem>>)
        %dma_start3A_1510 = arith.constant 0 : i32
        %dma_start3A_1511 = arith.constant 0 : i32
        %dma_start3A_1512 = arith.constant 384 : i32
        %dma_start3A_1513 = arith.constant 0 : i32
        %dma_start3A_1514 = tpu.memref_slice %arg7[%dma_start3A_1511, %dma_start3A_1512, %dma_start3A_1513] : memref<2x512x64xf32, #tpu.memory_space<vmem>> -> memref<1x128x64xf32, #tpu.memory_space<vmem>>
        %dma_start3A_1515 = tpu.memref_squeeze %dma_start3A_1514 : memref<1x128x64xf32, #tpu.memory_space<vmem>> -> memref<128x64xf32, #tpu.memory_space<vmem>>
        %dma_start3A_1516 = arith.constant 384 : i32
        %dma_start3A_1517 = tpu.memref_slice %arg6[%dma_start3A_1510, %dma_start3A_1516] : memref<2x512xi32, #tpu.memory_space<vmem>> -> memref<1x128xi32, #tpu.memory_space<vmem>>
        %dma_start3A_1518 = tpu.memref_squeeze %dma_start3A_1517 : memref<1x128xi32, #tpu.memory_space<vmem>> -> memref<128xi32, #tpu.memory_space<vmem>>
        %dma_start3A_1519 = arith.constant 0 : i32
        %dma_start3A_1520 = arith.constant 0 : i32
        %dma_start3A_1521 = tpu.memref_slice %arg2[%dma_start3A_1519, %dma_start3A_1520] : memref<25600x64xf32, #tpu.memory_space<hbm>> -> memref<25600x64xf32, #tpu.memory_space<hbm>>
        tpu.enqueue_indirect_dma source(%dma_start3A_1521 : memref<25600x64xf32, #tpu.memory_space<hbm>>) target(%dma_start3A_1515 : memref<128x64xf32, #tpu.memory_space<vmem>>) offsets(%dma_start3A_1518 : memref<128xi32, #tpu.memory_space<vmem>>) semaphore(%arg11 : memref<!tpu.dma_semaphore, #tpu.memory_space<semaphore_mem>>)
      } else {
      }
      %add3A_1010 = arith.constant 3 : i32
      %add3A_1011 = arith.addi %mul3A_494, %add3A_1010 : i32
      %lt3A_1012 = arith.constant 100 : i32
      %lt3A_1013 = arith.cmpi slt, %add3A_1011, %lt3A_1012 : i32
      %convert_element_type3A_1014 = arith.extui %lt3A_1013 : i1 to i32
      %cond3A_1015 = arith.constant 0 : i32
      %cond3A_1016 = arith.cmpi ne, %convert_element_type3A_1014, %cond3A_1015 : i32
      scf.if %cond3A_1016 {
        %add3A_1073 = arith.constant 3 : i32
        %add3A_1074 = arith.addi %mul3A_494, %add3A_1073 : i32
        %dma_start3A_1075 = arith.constant 1 : i32
        %dma_start3A_1076 = arith.constant 0 : i32
        %dma_start3A_1077 = tpu.memref_slice %arg5[%dma_start3A_1075, %dma_start3A_1076] : memref<2x512xi32, #tpu.memory_space<vmem>> -> memref<1x512xi32, #tpu.memory_space<vmem>>
        %dma_start3A_1078 = tpu.memref_squeeze %dma_start3A_1077 : memref<1x512xi32, #tpu.memory_space<vmem>> -> memref<512xi32, #tpu.memory_space<vmem>>
        %dma_start3A_1079 = tpu.memref_slice %arg3[%add3A_1074, %mul3A_2] : memref<100x16384xi32, #tpu.memory_space<hbm>> -> memref<1x512xi32, #tpu.memory_space<hbm>>
        %dma_start3A_1080 = tpu.memref_squeeze %dma_start3A_1079 : memref<1x512xi32, #tpu.memory_space<hbm>> -> memref<512xi32, #tpu.memory_space<hbm>>
        %dma_start3A_1081 = arith.constant 0 : i32
        %dma_start3A_1082 = tpu.memref_slice %arg5[%dma_start3A_1075, %dma_start3A_1081] : memref<2x512xi32, #tpu.memory_space<vmem>> -> memref<1x512xi32, #tpu.memory_space<vmem>>
        %dma_start3A_1083 = tpu.memref_squeeze %dma_start3A_1082 : memref<1x512xi32, #tpu.memory_space<vmem>> -> memref<512xi32, #tpu.memory_space<vmem>>
        %dma_start3A_1084 = tpu.memref_slice %arg3[%add3A_1074, %mul3A_2] : memref<100x16384xi32, #tpu.memory_space<hbm>> -> memref<1x512xi32, #tpu.memory_space<hbm>>
        %dma_start3A_1085 = tpu.memref_squeeze %dma_start3A_1084 : memref<1x512xi32, #tpu.memory_space<hbm>> -> memref<512xi32, #tpu.memory_space<hbm>>
        tpu.enqueue_dma source(%dma_start3A_1085 : memref<512xi32, #tpu.memory_space<hbm>>) target(%dma_start3A_1083 : memref<512xi32, #tpu.memory_space<vmem>>) target_semaphore(%arg10 : memref<!tpu.dma_semaphore, #tpu.memory_space<semaphore_mem>>)
      } else {
      }
      %dma_wait3A_1017 = arith.constant 1 : i32
      %dma_wait3A_1018 = arith.constant 1 : i32
      %dma_wait3A_1019 = arith.constant 0 : i32
      %dma_wait3A_1020 = arith.constant 0 : i32
      %dma_wait3A_1021 = tpu.memref_slice %arg7[%dma_wait3A_1018, %dma_wait3A_1019, %dma_wait3A_1020] : memref<2x512x64xf32, #tpu.memory_space<vmem>> -> memref<1x128x64xf32, #tpu.memory_space<vmem>>
      %dma_wait3A_1022 = tpu.memref_squeeze %dma_wait3A_1021 : memref<1x128x64xf32, #tpu.memory_space<vmem>> -> memref<128x64xf32, #tpu.memory_space<vmem>>
      %dma_wait3A_1023 = arith.constant 0 : i32
      %dma_wait3A_1024 = tpu.memref_slice %arg6[%dma_wait3A_1017, %dma_wait3A_1023] : memref<2x512xi32, #tpu.memory_space<vmem>> -> memref<1x128xi32, #tpu.memory_space<vmem>>
      %dma_wait3A_1025 = tpu.memref_squeeze %dma_wait3A_1024 : memref<1x128xi32, #tpu.memory_space<vmem>> -> memref<128xi32, #tpu.memory_space<vmem>>
      %dma_wait3A_1026 = arith.constant 0 : i32
      %dma_wait3A_1027 = arith.constant 0 : i32
      %dma_wait3A_1028 = tpu.memref_slice %arg2[%dma_wait3A_1026, %dma_wait3A_1027] : memref<25600x64xf32, #tpu.memory_space<hbm>> -> memref<25600x64xf32, #tpu.memory_space<hbm>>
      tpu.wait_indirect_dma semaphore(%arg12 : memref<!tpu.dma_semaphore, #tpu.memory_space<semaphore_mem>>) src(%dma_wait3A_1028 : memref<25600x64xf32, #tpu.memory_space<hbm>>) dst(%dma_wait3A_1022 : memref<128x64xf32, #tpu.memory_space<vmem>>)
      %dma_wait3A_1029 = arith.constant 1 : i32
      %dma_wait3A_1030 = arith.constant 1 : i32
      %dma_wait3A_1031 = arith.constant 128 : i32
      %dma_wait3A_1032 = arith.constant 0 : i32
      %dma_wait3A_1033 = tpu.memref_slice %arg7[%dma_wait3A_1030, %dma_wait3A_1031, %dma_wait3A_1032] : memref<2x512x64xf32, #tpu.memory_space<vmem>> -> memref<1x128x64xf32, #tpu.memory_space<vmem>>
      %dma_wait3A_1034 = tpu.memref_squeeze %dma_wait3A_1033 : memref<1x128x64xf32, #tpu.memory_space<vmem>> -> memref<128x64xf32, #tpu.memory_space<vmem>>
      %dma_wait3A_1035 = arith.constant 128 : i32
      %dma_wait3A_1036 = tpu.memref_slice %arg6[%dma_wait3A_1029, %dma_wait3A_1035] : memref<2x512xi32, #tpu.memory_space<vmem>> -> memref<1x128xi32, #tpu.memory_space<vmem>>
      %dma_wait3A_1037 = tpu.memref_squeeze %dma_wait3A_1036 : memref<1x128xi32, #tpu.memory_space<vmem>> -> memref<128xi32, #tpu.memory_space<vmem>>
      %dma_wait3A_1038 = arith.constant 0 : i32
      %dma_wait3A_1039 = arith.constant 0 : i32
      %dma_wait3A_1040 = tpu.memref_slice %arg2[%dma_wait3A_1038, %dma_wait3A_1039] : memref<25600x64xf32, #tpu.memory_space<hbm>> -> memref<25600x64xf32, #tpu.memory_space<hbm>>
      tpu.wait_indirect_dma semaphore(%arg12 : memref<!tpu.dma_semaphore, #tpu.memory_space<semaphore_mem>>) src(%dma_wait3A_1040 : memref<25600x64xf32, #tpu.memory_space<hbm>>) dst(%dma_wait3A_1034 : memref<128x64xf32, #tpu.memory_space<vmem>>)
      %dma_wait3A_1041 = arith.constant 1 : i32
      %dma_wait3A_1042 = arith.constant 1 : i32
      %dma_wait3A_1043 = arith.constant 256 : i32
      %dma_wait3A_1044 = arith.constant 0 : i32
      %dma_wait3A_1045 = tpu.memref_slice %arg7[%dma_wait3A_1042, %dma_wait3A_1043, %dma_wait3A_1044] : memref<2x512x64xf32, #tpu.memory_space<vmem>> -> memref<1x128x64xf32, #tpu.memory_space<vmem>>
      %dma_wait3A_1046 = tpu.memref_squeeze %dma_wait3A_1045 : memref<1x128x64xf32, #tpu.memory_space<vmem>> -> memref<128x64xf32, #tpu.memory_space<vmem>>
      %dma_wait3A_1047 = arith.constant 256 : i32
      %dma_wait3A_1048 = tpu.memref_slice %arg6[%dma_wait3A_1041, %dma_wait3A_1047] : memref<2x512xi32, #tpu.memory_space<vmem>> -> memref<1x128xi32, #tpu.memory_space<vmem>>
      %dma_wait3A_1049 = tpu.memref_squeeze %dma_wait3A_1048 : memref<1x128xi32, #tpu.memory_space<vmem>> -> memref<128xi32, #tpu.memory_space<vmem>>
      %dma_wait3A_1050 = arith.constant 0 : i32
      %dma_wait3A_1051 = arith.constant 0 : i32
      %dma_wait3A_1052 = tpu.memref_slice %arg2[%dma_wait3A_1050, %dma_wait3A_1051] : memref<25600x64xf32, #tpu.memory_space<hbm>> -> memref<25600x64xf32, #tpu.memory_space<hbm>>
      tpu.wait_indirect_dma semaphore(%arg12 : memref<!tpu.dma_semaphore, #tpu.memory_space<semaphore_mem>>) src(%dma_wait3A_1052 : memref<25600x64xf32, #tpu.memory_space<hbm>>) dst(%dma_wait3A_1046 : memref<128x64xf32, #tpu.memory_space<vmem>>)
      %dma_wait3A_1053 = arith.constant 1 : i32
      %dma_wait3A_1054 = arith.constant 1 : i32
      %dma_wait3A_1055 = arith.constant 384 : i32
      %dma_wait3A_1056 = arith.constant 0 : i32
      %dma_wait3A_1057 = tpu.memref_slice %arg7[%dma_wait3A_1054, %dma_wait3A_1055, %dma_wait3A_1056] : memref<2x512x64xf32, #tpu.memory_space<vmem>> -> memref<1x128x64xf32, #tpu.memory_space<vmem>>
      %dma_wait3A_1058 = tpu.memref_squeeze %dma_wait3A_1057 : memref<1x128x64xf32, #tpu.memory_space<vmem>> -> memref<128x64xf32, #tpu.memory_space<vmem>>
      %dma_wait3A_1059 = arith.constant 384 : i32
      %dma_wait3A_1060 = tpu.memref_slice %arg6[%dma_wait3A_1053, %dma_wait3A_1059] : memref<2x512xi32, #tpu.memory_space<vmem>> -> memref<1x128xi32, #tpu.memory_space<vmem>>
      %dma_wait3A_1061 = tpu.memref_squeeze %dma_wait3A_1060 : memref<1x128xi32, #tpu.memory_space<vmem>> -> memref<128xi32, #tpu.memory_space<vmem>>
      %dma_wait3A_1062 = arith.constant 0 : i32
      %dma_wait3A_1063 = arith.constant 0 : i32
      %dma_wait3A_1064 = tpu.memref_slice %arg2[%dma_wait3A_1062, %dma_wait3A_1063] : memref<25600x64xf32, #tpu.memory_space<hbm>> -> memref<25600x64xf32, #tpu.memory_space<hbm>>
      tpu.wait_indirect_dma semaphore(%arg12 : memref<!tpu.dma_semaphore, #tpu.memory_space<semaphore_mem>>) src(%dma_wait3A_1064 : memref<25600x64xf32, #tpu.memory_space<hbm>>) dst(%dma_wait3A_1058 : memref<128x64xf32, #tpu.memory_space<vmem>>)
      %scan3A_1065 = arith.constant 0 : i32
      %scan3A_1066 = arith.constant 0 : i32
      %scan3A_1067 = arith.constant 512 : i32
      %scan3A_1068 = arith.addi %scan3A_1066, %scan3A_1067 : i32
      %scan3A_1069 = arith.constant 8 : i32
      %scan3A_1070 = scf.for %scan3A_1073 = %scan3A_1066 to %scan3A_1068 step %scan3A_1069 iter_args(%scan3A_1074 = %scan3A_1065) -> (i32)  : i32 {
        %get3A_1075 = arith.constant 1 : i32
        %get3A_1076 = arith.index_cast %get3A_1075 : i32 to index
        %get3A_1077 = arith.index_cast %scan3A_1073 : i32 to index
        %get3A_1078 = arith.constant 0 : index
        %get3A_1079 = tpu.vector_load %arg7[%get3A_1076, %get3A_1077, %get3A_1078] {strides = array<i32>} : memref<2x512x64xf32, #tpu.memory_space<vmem>>, vector<1x1x16xf32>,
        %get3A_1080 = vector.shape_cast %get3A_1079 : vector<1x1x16xf32> to vector<16xf32>
        %swap3A_1081 = arith.index_cast %scan3A_1073 : i32 to index
        %swap3A_1082 = arith.constant 0 : index
        %swap3A_1083 = tpu.vector_load %arg8[%swap3A_1081, %swap3A_1082] {strides = array<i32>} : memref<512x64xf32, #tpu.memory_space<vmem>>, vector<1x16xf32>,
        %swap3A_1084 = vector.shape_cast %swap3A_1083 : vector<1x16xf32> to vector<16xf32>
        %swap3A_1085 = vector.shape_cast %get3A_1080 : vector<16xf32> to vector<1x16xf32>
        tpu.vector_store %arg8[%swap3A_1081, %swap3A_1082], %swap3A_1085 {add = true, strides = array<i32>} : memref<512x64xf32, #tpu.memory_space<vmem>>, vector<1x16xf32>,
        %get3A_1086 = arith.constant 1 : i32
        %get3A_1087 = arith.index_cast %get3A_1086 : i32 to index
        %get3A_1088 = arith.index_cast %scan3A_1073 : i32 to index
        %get3A_1089 = arith.constant 16 : index
        %get3A_1090 = tpu.vector_load %arg7[%get3A_1087, %get3A_1088, %get3A_1089] {strides = array<i32>} : memref<2x512x64xf32, #tpu.memory_space<vmem>>, vector<1x1x16xf32>,
        %get3A_1091 = vector.shape_cast %get3A_1090 : vector<1x1x16xf32> to vector<16xf32>
        %swap3A_1092 = arith.index_cast %scan3A_1073 : i32 to index
        %swap3A_1093 = arith.constant 16 : index
        %swap3A_1094 = tpu.vector_load %arg8[%swap3A_1092, %swap3A_1093] {strides = array<i32>} : memref<512x64xf32, #tpu.memory_space<vmem>>, vector<1x16xf32>,
        %swap3A_1095 = vector.shape_cast %swap3A_1094 : vector<1x16xf32> to vector<16xf32>
        %swap3A_1096 = vector.shape_cast %get3A_1091 : vector<16xf32> to vector<1x16xf32>
        tpu.vector_store %arg8[%swap3A_1092, %swap3A_1093], %swap3A_1096 {add = true, strides = array<i32>} : memref<512x64xf32, #tpu.memory_space<vmem>>, vector<1x16xf32>,
        %get3A_1097 = arith.constant 1 : i32
        %get3A_1098 = arith.index_cast %get3A_1097 : i32 to index
        %get3A_1099 = arith.index_cast %scan3A_1073 : i32 to index
        %get3A_1100 = arith.constant 32 : index
        %get3A_1101 = tpu.vector_load %arg7[%get3A_1098, %get3A_1099, %get3A_1100] {strides = array<i32>} : memref<2x512x64xf32, #tpu.memory_space<vmem>>, vector<1x1x16xf32>,
        %get3A_1102 = vector.shape_cast %get3A_1101 : vector<1x1x16xf32> to vector<16xf32>
        %swap3A_1103 = arith.index_cast %scan3A_1073 : i32 to index
        %swap3A_1104 = arith.constant 32 : index
        %swap3A_1105 = tpu.vector_load %arg8[%swap3A_1103, %swap3A_1104] {strides = array<i32>} : memref<512x64xf32, #tpu.memory_space<vmem>>, vector<1x16xf32>,
        %swap3A_1106 = vector.shape_cast %swap3A_1105 : vector<1x16xf32> to vector<16xf32>
        %swap3A_1107 = vector.shape_cast %get3A_1102 : vector<16xf32> to vector<1x16xf32>
        tpu.vector_store %arg8[%swap3A_1103, %swap3A_1104], %swap3A_1107 {add = true, strides = array<i32>} : memref<512x64xf32, #tpu.memory_space<vmem>>, vector<1x16xf32>,
        %get3A_1108 = arith.constant 1 : i32
        %get3A_1109 = arith.index_cast %get3A_1108 : i32 to index
        %get3A_1110 = arith.index_cast %scan3A_1073 : i32 to index
        %get3A_1111 = arith.constant 48 : index
        %get3A_1112 = tpu.vector_load %arg7[%get3A_1109, %get3A_1110, %get3A_1111] {strides = array<i32>} : memref<2x512x64xf32, #tpu.memory_space<vmem>>, vector<1x1x16xf32>,
        %get3A_1113 = vector.shape_cast %get3A_1112 : vector<1x1x16xf32> to vector<16xf32>
        %swap3A_1114 = arith.index_cast %scan3A_1073 : i32 to index
        %swap3A_1115 = arith.constant 48 : index
        %swap3A_1116 = tpu.vector_load %arg8[%swap3A_1114, %swap3A_1115] {strides = array<i32>} : memref<512x64xf32, #tpu.memory_space<vmem>>, vector<1x16xf32>,
        %swap3A_1117 = vector.shape_cast %swap3A_1116 : vector<1x16xf32> to vector<16xf32>
        %swap3A_1118 = vector.shape_cast %get3A_1113 : vector<16xf32> to vector<1x16xf32>
        tpu.vector_store %arg8[%swap3A_1114, %swap3A_1115], %swap3A_1118 {add = true, strides = array<i32>} : memref<512x64xf32, #tpu.memory_space<vmem>>, vector<1x16xf32>,
        %scan3A_1119 = arith.constant 0 : i32
        %scan3A_1120 = arith.constant 1 : i32
        %scan3A_1121 = arith.addi %scan3A_1073, %scan3A_1120 : i32
        %get3A_1122 = arith.constant 1 : i32
        %get3A_1123 = arith.index_cast %get3A_1122 : i32 to index
        %get3A_1124 = arith.index_cast %scan3A_1121 : i32 to index
        %get3A_1125 = arith.constant 0 : index
        %get3A_1126 = tpu.vector_load %arg7[%get3A_1123, %get3A_1124, %get3A_1125] {strides = array<i32>} : memref<2x512x64xf32, #tpu.memory_space<vmem>>, vector<1x1x16xf32>,
        %get3A_1127 = vector.shape_cast %get3A_1126 : vector<1x1x16xf32> to vector<16xf32>
        %swap3A_1128 = arith.index_cast %scan3A_1121 : i32 to index
        %swap3A_1129 = arith.constant 0 : index
        %swap3A_1130 = tpu.vector_load %arg8[%swap3A_1128, %swap3A_1129] {strides = array<i32>} : memref<512x64xf32, #tpu.memory_space<vmem>>, vector<1x16xf32>,
        %swap3A_1131 = vector.shape_cast %swap3A_1130 : vector<1x16xf32> to vector<16xf32>
        %swap3A_1132 = vector.shape_cast %get3A_1127 : vector<16xf32> to vector<1x16xf32>
        tpu.vector_store %arg8[%swap3A_1128, %swap3A_1129], %swap3A_1132 {add = true, strides = array<i32>} : memref<512x64xf32, #tpu.memory_space<vmem>>, vector<1x16xf32>,
        %get3A_1133 = arith.constant 1 : i32
        %get3A_1134 = arith.index_cast %get3A_1133 : i32 to index
        %get3A_1135 = arith.index_cast %scan3A_1121 : i32 to index
        %get3A_1136 = arith.constant 16 : index
        %get3A_1137 = tpu.vector_load %arg7[%get3A_1134, %get3A_1135, %get3A_1136] {strides = array<i32>} : memref<2x512x64xf32, #tpu.memory_space<vmem>>, vector<1x1x16xf32>,
        %get3A_1138 = vector.shape_cast %get3A_1137 : vector<1x1x16xf32> to vector<16xf32>
        %swap3A_1139 = arith.index_cast %scan3A_1121 : i32 to index
        %swap3A_1140 = arith.constant 16 : index
        %swap3A_1141 = tpu.vector_load %arg8[%swap3A_1139, %swap3A_1140] {strides = array<i32>} : memref<512x64xf32, #tpu.memory_space<vmem>>, vector<1x16xf32>,
        %swap3A_1142 = vector.shape_cast %swap3A_1141 : vector<1x16xf32> to vector<16xf32>
        %swap3A_1143 = vector.shape_cast %get3A_1138 : vector<16xf32> to vector<1x16xf32>
        tpu.vector_store %arg8[%swap3A_1139, %swap3A_1140], %swap3A_1143 {add = true, strides = array<i32>} : memref<512x64xf32, #tpu.memory_space<vmem>>, vector<1x16xf32>,
        %get3A_1144 = arith.constant 1 : i32
        %get3A_1145 = arith.index_cast %get3A_1144 : i32 to index
        %get3A_1146 = arith.index_cast %scan3A_1121 : i32 to index
        %get3A_1147 = arith.constant 32 : index
        %get3A_1148 = tpu.vector_load %arg7[%get3A_1145, %get3A_1146, %get3A_1147] {strides = array<i32>} : memref<2x512x64xf32, #tpu.memory_space<vmem>>, vector<1x1x16xf32>,
        %get3A_1149 = vector.shape_cast %get3A_1148 : vector<1x1x16xf32> to vector<16xf32>
        %swap3A_1150 = arith.index_cast %scan3A_1121 : i32 to index
        %swap3A_1151 = arith.constant 32 : index
        %swap3A_1152 = tpu.vector_load %arg8[%swap3A_1150, %swap3A_1151] {strides = array<i32>} : memref<512x64xf32, #tpu.memory_space<vmem>>, vector<1x16xf32>,
        %swap3A_1153 = vector.shape_cast %swap3A_1152 : vector<1x16xf32> to vector<16xf32>
        %swap3A_1154 = vector.shape_cast %get3A_1149 : vector<16xf32> to vector<1x16xf32>
        tpu.vector_store %arg8[%swap3A_1150, %swap3A_1151], %swap3A_1154 {add = true, strides = array<i32>} : memref<512x64xf32, #tpu.memory_space<vmem>>, vector<1x16xf32>,
        %get3A_1155 = arith.constant 1 : i32
        %get3A_1156 = arith.index_cast %get3A_1155 : i32 to index
        %get3A_1157 = arith.index_cast %scan3A_1121 : i32 to index
        %get3A_1158 = arith.constant 48 : index
        %get3A_1159 = tpu.vector_load %arg7[%get3A_1156, %get3A_1157, %get3A_1158] {strides = array<i32>} : memref<2x512x64xf32, #tpu.memory_space<vmem>>, vector<1x1x16xf32>,
        %get3A_1160 = vector.shape_cast %get3A_1159 : vector<1x1x16xf32> to vector<16xf32>
        %swap3A_1161 = arith.index_cast %scan3A_1121 : i32 to index
        %swap3A_1162 = arith.constant 48 : index
        %swap3A_1163 = tpu.vector_load %arg8[%swap3A_1161, %swap3A_1162] {strides = array<i32>} : memref<512x64xf32, #tpu.memory_space<vmem>>, vector<1x16xf32>,
        %swap3A_1164 = vector.shape_cast %swap3A_1163 : vector<1x16xf32> to vector<16xf32>
        %swap3A_1165 = vector.shape_cast %get3A_1160 : vector<16xf32> to vector<1x16xf32>
        tpu.vector_store %arg8[%swap3A_1161, %swap3A_1162], %swap3A_1165 {add = true, strides = array<i32>} : memref<512x64xf32, #tpu.memory_space<vmem>>, vector<1x16xf32>,
        %scan3A_1166 = arith.constant 0 : i32
        %scan3A_1167 = arith.constant 2 : i32
        %scan3A_1168 = arith.addi %scan3A_1073, %scan3A_1167 : i32
        %get3A_1169 = arith.constant 1 : i32
        %get3A_1170 = arith.index_cast %get3A_1169 : i32 to index
        %get3A_1171 = arith.index_cast %scan3A_1168 : i32 to index
        %get3A_1172 = arith.constant 0 : index
        %get3A_1173 = tpu.vector_load %arg7[%get3A_1170, %get3A_1171, %get3A_1172] {strides = array<i32>} : memref<2x512x64xf32, #tpu.memory_space<vmem>>, vector<1x1x16xf32>,
        %get3A_1174 = vector.shape_cast %get3A_1173 : vector<1x1x16xf32> to vector<16xf32>
        %swap3A_1175 = arith.index_cast %scan3A_1168 : i32 to index
        %swap3A_1176 = arith.constant 0 : index
        %swap3A_1177 = tpu.vector_load %arg8[%swap3A_1175, %swap3A_1176] {strides = array<i32>} : memref<512x64xf32, #tpu.memory_space<vmem>>, vector<1x16xf32>,
        %swap3A_1178 = vector.shape_cast %swap3A_1177 : vector<1x16xf32> to vector<16xf32>
        %swap3A_1179 = vector.shape_cast %get3A_1174 : vector<16xf32> to vector<1x16xf32>
        tpu.vector_store %arg8[%swap3A_1175, %swap3A_1176], %swap3A_1179 {add = true, strides = array<i32>} : memref<512x64xf32, #tpu.memory_space<vmem>>, vector<1x16xf32>,
        %get3A_1180 = arith.constant 1 : i32
        %get3A_1181 = arith.index_cast %get3A_1180 : i32 to index
        %get3A_1182 = arith.index_cast %scan3A_1168 : i32 to index
        %get3A_1183 = arith.constant 16 : index
        %get3A_1184 = tpu.vector_load %arg7[%get3A_1181, %get3A_1182, %get3A_1183] {strides = array<i32>} : memref<2x512x64xf32, #tpu.memory_space<vmem>>, vector<1x1x16xf32>,
        %get3A_1185 = vector.shape_cast %get3A_1184 : vector<1x1x16xf32> to vector<16xf32>
        %swap3A_1186 = arith.index_cast %scan3A_1168 : i32 to index
        %swap3A_1187 = arith.constant 16 : index
        %swap3A_1188 = tpu.vector_load %arg8[%swap3A_1186, %swap3A_1187] {strides = array<i32>} : memref<512x64xf32, #tpu.memory_space<vmem>>, vector<1x16xf32>,
        %swap3A_1189 = vector.shape_cast %swap3A_1188 : vector<1x16xf32> to vector<16xf32>
        %swap3A_1190 = vector.shape_cast %get3A_1185 : vector<16xf32> to vector<1x16xf32>
        tpu.vector_store %arg8[%swap3A_1186, %swap3A_1187], %swap3A_1190 {add = true, strides = array<i32>} : memref<512x64xf32, #tpu.memory_space<vmem>>, vector<1x16xf32>,
        %get3A_1191 = arith.constant 1 : i32
        %get3A_1192 = arith.index_cast %get3A_1191 : i32 to index
        %get3A_1193 = arith.index_cast %scan3A_1168 : i32 to index
        %get3A_1194 = arith.constant 32 : index
        %get3A_1195 = tpu.vector_load %arg7[%get3A_1192, %get3A_1193, %get3A_1194] {strides = array<i32>} : memref<2x512x64xf32, #tpu.memory_space<vmem>>, vector<1x1x16xf32>,
        %get3A_1196 = vector.shape_cast %get3A_1195 : vector<1x1x16xf32> to vector<16xf32>
        %swap3A_1197 = arith.index_cast %scan3A_1168 : i32 to index
        %swap3A_1198 = arith.constant 32 : index
        %swap3A_1199 = tpu.vector_load %arg8[%swap3A_1197, %swap3A_1198] {strides = array<i32>} : memref<512x64xf32, #tpu.memory_space<vmem>>, vector<1x16xf32>,
        %swap3A_1200 = vector.shape_cast %swap3A_1199 : vector<1x16xf32> to vector<16xf32>
        %swap3A_1201 = vector.shape_cast %get3A_1196 : vector<16xf32> to vector<1x16xf32>
        tpu.vector_store %arg8[%swap3A_1197, %swap3A_1198], %swap3A_1201 {add = true, strides = array<i32>} : memref<512x64xf32, #tpu.memory_space<vmem>>, vector<1x16xf32>,
        %get3A_1202 = arith.constant 1 : i32
        %get3A_1203 = arith.index_cast %get3A_1202 : i32 to index
        %get3A_1204 = arith.index_cast %scan3A_1168 : i32 to index
        %get3A_1205 = arith.constant 48 : index
        %get3A_1206 = tpu.vector_load %arg7[%get3A_1203, %get3A_1204, %get3A_1205] {strides = array<i32>} : memref<2x512x64xf32, #tpu.memory_space<vmem>>, vector<1x1x16xf32>,
        %get3A_1207 = vector.shape_cast %get3A_1206 : vector<1x1x16xf32> to vector<16xf32>
        %swap3A_1208 = arith.index_cast %scan3A_1168 : i32 to index
        %swap3A_1209 = arith.constant 48 : index
        %swap3A_1210 = tpu.vector_load %arg8[%swap3A_1208, %swap3A_1209] {strides = array<i32>} : memref<512x64xf32, #tpu.memory_space<vmem>>, vector<1x16xf32>,
        %swap3A_1211 = vector.shape_cast %swap3A_1210 : vector<1x16xf32> to vector<16xf32>
        %swap3A_1212 = vector.shape_cast %get3A_1207 : vector<16xf32> to vector<1x16xf32>
        tpu.vector_store %arg8[%swap3A_1208, %swap3A_1209], %swap3A_1212 {add = true, strides = array<i32>} : memref<512x64xf32, #tpu.memory_space<vmem>>, vector<1x16xf32>,
        %scan3A_1213 = arith.constant 0 : i32
        %scan3A_1214 = arith.constant 3 : i32
        %scan3A_1215 = arith.addi %scan3A_1073, %scan3A_1214 : i32
        %get3A_1216 = arith.constant 1 : i32
        %get3A_1217 = arith.index_cast %get3A_1216 : i32 to index
        %get3A_1218 = arith.index_cast %scan3A_1215 : i32 to index
        %get3A_1219 = arith.constant 0 : index
        %get3A_1220 = tpu.vector_load %arg7[%get3A_1217, %get3A_1218, %get3A_1219] {strides = array<i32>} : memref<2x512x64xf32, #tpu.memory_space<vmem>>, vector<1x1x16xf32>,
        %get3A_1221 = vector.shape_cast %get3A_1220 : vector<1x1x16xf32> to vector<16xf32>
        %swap3A_1222 = arith.index_cast %scan3A_1215 : i32 to index
        %swap3A_1223 = arith.constant 0 : index
        %swap3A_1224 = tpu.vector_load %arg8[%swap3A_1222, %swap3A_1223] {strides = array<i32>} : memref<512x64xf32, #tpu.memory_space<vmem>>, vector<1x16xf32>,
        %swap3A_1225 = vector.shape_cast %swap3A_1224 : vector<1x16xf32> to vector<16xf32>
        %swap3A_1226 = vector.shape_cast %get3A_1221 : vector<16xf32> to vector<1x16xf32>
        tpu.vector_store %arg8[%swap3A_1222, %swap3A_1223], %swap3A_1226 {add = true, strides = array<i32>} : memref<512x64xf32, #tpu.memory_space<vmem>>, vector<1x16xf32>,
        %get3A_1227 = arith.constant 1 : i32
        %get3A_1228 = arith.index_cast %get3A_1227 : i32 to index
        %get3A_1229 = arith.index_cast %scan3A_1215 : i32 to index
        %get3A_1230 = arith.constant 16 : index
        %get3A_1231 = tpu.vector_load %arg7[%get3A_1228, %get3A_1229, %get3A_1230] {strides = array<i32>} : memref<2x512x64xf32, #tpu.memory_space<vmem>>, vector<1x1x16xf32>,
        %get3A_1232 = vector.shape_cast %get3A_1231 : vector<1x1x16xf32> to vector<16xf32>
        %swap3A_1233 = arith.index_cast %scan3A_1215 : i32 to index
        %swap3A_1234 = arith.constant 16 : index
        %swap3A_1235 = tpu.vector_load %arg8[%swap3A_1233, %swap3A_1234] {strides = array<i32>} : memref<512x64xf32, #tpu.memory_space<vmem>>, vector<1x16xf32>,
        %swap3A_1236 = vector.shape_cast %swap3A_1235 : vector<1x16xf32> to vector<16xf32>
        %swap3A_1237 = vector.shape_cast %get3A_1232 : vector<16xf32> to vector<1x16xf32>
        tpu.vector_store %arg8[%swap3A_1233, %swap3A_1234], %swap3A_1237 {add = true, strides = array<i32>} : memref<512x64xf32, #tpu.memory_space<vmem>>, vector<1x16xf32>,
        %get3A_1238 = arith.constant 1 : i32
        %get3A_1239 = arith.index_cast %get3A_1238 : i32 to index
        %get3A_1240 = arith.index_cast %scan3A_1215 : i32 to index
        %get3A_1241 = arith.constant 32 : index
        %get3A_1242 = tpu.vector_load %arg7[%get3A_1239, %get3A_1240, %get3A_1241] {strides = array<i32>} : memref<2x512x64xf32, #tpu.memory_space<vmem>>, vector<1x1x16xf32>,
        %get3A_1243 = vector.shape_cast %get3A_1242 : vector<1x1x16xf32> to vector<16xf32>
        %swap3A_1244 = arith.index_cast %scan3A_1215 : i32 to index
        %swap3A_1245 = arith.constant 32 : index
        %swap3A_1246 = tpu.vector_load %arg8[%swap3A_1244, %swap3A_1245] {strides = array<i32>} : memref<512x64xf32, #tpu.memory_space<vmem>>, vector<1x16xf32>,
        %swap3A_1247 = vector.shape_cast %swap3A_1246 : vector<1x16xf32> to vector<16xf32>
        %swap3A_1248 = vector.shape_cast %get3A_1243 : vector<16xf32> to vector<1x16xf32>
        tpu.vector_store %arg8[%swap3A_1244, %swap3A_1245], %swap3A_1248 {add = true, strides = array<i32>} : memref<512x64xf32, #tpu.memory_space<vmem>>, vector<1x16xf32>,
        %get3A_1249 = arith.constant 1 : i32
        %get3A_1250 = arith.index_cast %get3A_1249 : i32 to index
        %get3A_1251 = arith.index_cast %scan3A_1215 : i32 to index
        %get3A_1252 = arith.constant 48 : index
        %get3A_1253 = tpu.vector_load %arg7[%get3A_1250, %get3A_1251, %get3A_1252] {strides = array<i32>} : memref<2x512x64xf32, #tpu.memory_space<vmem>>, vector<1x1x16xf32>,
        %get3A_1254 = vector.shape_cast %get3A_1253 : vector<1x1x16xf32> to vector<16xf32>
        %swap3A_1255 = arith.index_cast %scan3A_1215 : i32 to index
        %swap3A_1256 = arith.constant 48 : index
        %swap3A_1257 = tpu.vector_load %arg8[%swap3A_1255, %swap3A_1256] {strides = array<i32>} : memref<512x64xf32, #tpu.memory_space<vmem>>, vector<1x16xf32>,
        %swap3A_1258 = vector.shape_cast %swap3A_1257 : vector<1x16xf32> to vector<16xf32>
        %swap3A_1259 = vector.shape_cast %get3A_1254 : vector<16xf32> to vector<1x16xf32>
        tpu.vector_store %arg8[%swap3A_1255, %swap3A_1256], %swap3A_1259 {add = true, strides = array<i32>} : memref<512x64xf32, #tpu.memory_space<vmem>>, vector<1x16xf32>,
        %scan3A_1260 = arith.constant 0 : i32
        %scan3A_1261 = arith.constant 4 : i32
        %scan3A_1262 = arith.addi %scan3A_1073, %scan3A_1261 : i32
        %get3A_1263 = arith.constant 1 : i32
        %get3A_1264 = arith.index_cast %get3A_1263 : i32 to index
        %get3A_1265 = arith.index_cast %scan3A_1262 : i32 to index
        %get3A_1266 = arith.constant 0 : index
        %get3A_1267 = tpu.vector_load %arg7[%get3A_1264, %get3A_1265, %get3A_1266] {strides = array<i32>} : memref<2x512x64xf32, #tpu.memory_space<vmem>>, vector<1x1x16xf32>,
        %get3A_1268 = vector.shape_cast %get3A_1267 : vector<1x1x16xf32> to vector<16xf32>
        %swap3A_1269 = arith.index_cast %scan3A_1262 : i32 to index
        %swap3A_1270 = arith.constant 0 : index
        %swap3A_1271 = tpu.vector_load %arg8[%swap3A_1269, %swap3A_1270] {strides = array<i32>} : memref<512x64xf32, #tpu.memory_space<vmem>>, vector<1x16xf32>,
        %swap3A_1272 = vector.shape_cast %swap3A_1271 : vector<1x16xf32> to vector<16xf32>
        %swap3A_1273 = vector.shape_cast %get3A_1268 : vector<16xf32> to vector<1x16xf32>
        tpu.vector_store %arg8[%swap3A_1269, %swap3A_1270], %swap3A_1273 {add = true, strides = array<i32>} : memref<512x64xf32, #tpu.memory_space<vmem>>, vector<1x16xf32>,
        %get3A_1274 = arith.constant 1 : i32
        %get3A_1275 = arith.index_cast %get3A_1274 : i32 to index
        %get3A_1276 = arith.index_cast %scan3A_1262 : i32 to index
        %get3A_1277 = arith.constant 16 : index
        %get3A_1278 = tpu.vector_load %arg7[%get3A_1275, %get3A_1276, %get3A_1277] {strides = array<i32>} : memref<2x512x64xf32, #tpu.memory_space<vmem>>, vector<1x1x16xf32>,
        %get3A_1279 = vector.shape_cast %get3A_1278 : vector<1x1x16xf32> to vector<16xf32>
        %swap3A_1280 = arith.index_cast %scan3A_1262 : i32 to index
        %swap3A_1281 = arith.constant 16 : index
        %swap3A_1282 = tpu.vector_load %arg8[%swap3A_1280, %swap3A_1281] {strides = array<i32>} : memref<512x64xf32, #tpu.memory_space<vmem>>, vector<1x16xf32>,
        %swap3A_1283 = vector.shape_cast %swap3A_1282 : vector<1x16xf32> to vector<16xf32>
        %swap3A_1284 = vector.shape_cast %get3A_1279 : vector<16xf32> to vector<1x16xf32>
        tpu.vector_store %arg8[%swap3A_1280, %swap3A_1281], %swap3A_1284 {add = true, strides = array<i32>} : memref<512x64xf32, #tpu.memory_space<vmem>>, vector<1x16xf32>,
        %get3A_1285 = arith.constant 1 : i32
        %get3A_1286 = arith.index_cast %get3A_1285 : i32 to index
        %get3A_1287 = arith.index_cast %scan3A_1262 : i32 to index
        %get3A_1288 = arith.constant 32 : index
        %get3A_1289 = tpu.vector_load %arg7[%get3A_1286, %get3A_1287, %get3A_1288] {strides = array<i32>} : memref<2x512x64xf32, #tpu.memory_space<vmem>>, vector<1x1x16xf32>,
        %get3A_1290 = vector.shape_cast %get3A_1289 : vector<1x1x16xf32> to vector<16xf32>
        %swap3A_1291 = arith.index_cast %scan3A_1262 : i32 to index
        %swap3A_1292 = arith.constant 32 : index
        %swap3A_1293 = tpu.vector_load %arg8[%swap3A_1291, %swap3A_1292] {strides = array<i32>} : memref<512x64xf32, #tpu.memory_space<vmem>>, vector<1x16xf32>,
        %swap3A_1294 = vector.shape_cast %swap3A_1293 : vector<1x16xf32> to vector<16xf32>
        %swap3A_1295 = vector.shape_cast %get3A_1290 : vector<16xf32> to vector<1x16xf32>
        tpu.vector_store %arg8[%swap3A_1291, %swap3A_1292], %swap3A_1295 {add = true, strides = array<i32>} : memref<512x64xf32, #tpu.memory_space<vmem>>, vector<1x16xf32>,
        %get3A_1296 = arith.constant 1 : i32
        %get3A_1297 = arith.index_cast %get3A_1296 : i32 to index
        %get3A_1298 = arith.index_cast %scan3A_1262 : i32 to index
        %get3A_1299 = arith.constant 48 : index
        %get3A_1300 = tpu.vector_load %arg7[%get3A_1297, %get3A_1298, %get3A_1299] {strides = array<i32>} : memref<2x512x64xf32, #tpu.memory_space<vmem>>, vector<1x1x16xf32>,
        %get3A_1301 = vector.shape_cast %get3A_1300 : vector<1x1x16xf32> to vector<16xf32>
        %swap3A_1302 = arith.index_cast %scan3A_1262 : i32 to index
        %swap3A_1303 = arith.constant 48 : index
        %swap3A_1304 = tpu.vector_load %arg8[%swap3A_1302, %swap3A_1303] {strides = array<i32>} : memref<512x64xf32, #tpu.memory_space<vmem>>, vector<1x16xf32>,
        %swap3A_1305 = vector.shape_cast %swap3A_1304 : vector<1x16xf32> to vector<16xf32>
        %swap3A_1306 = vector.shape_cast %get3A_1301 : vector<16xf32> to vector<1x16xf32>
        tpu.vector_store %arg8[%swap3A_1302, %swap3A_1303], %swap3A_1306 {add = true, strides = array<i32>} : memref<512x64xf32, #tpu.memory_space<vmem>>, vector<1x16xf32>,
        %scan3A_1307 = arith.constant 0 : i32
        %scan3A_1308 = arith.constant 5 : i32
        %scan3A_1309 = arith.addi %scan3A_1073, %scan3A_1308 : i32
        %get3A_1310 = arith.constant 1 : i32
        %get3A_1311 = arith.index_cast %get3A_1310 : i32 to index
        %get3A_1312 = arith.index_cast %scan3A_1309 : i32 to index
        %get3A_1313 = arith.constant 0 : index
        %get3A_1314 = tpu.vector_load %arg7[%get3A_1311, %get3A_1312, %get3A_1313] {strides = array<i32>} : memref<2x512x64xf32, #tpu.memory_space<vmem>>, vector<1x1x16xf32>,
        %get3A_1315 = vector.shape_cast %get3A_1314 : vector<1x1x16xf32> to vector<16xf32>
        %swap3A_1316 = arith.index_cast %scan3A_1309 : i32 to index
        %swap3A_1317 = arith.constant 0 : index
        %swap3A_1318 = tpu.vector_load %arg8[%swap3A_1316, %swap3A_1317] {strides = array<i32>} : memref<512x64xf32, #tpu.memory_space<vmem>>, vector<1x16xf32>,
        %swap3A_1319 = vector.shape_cast %swap3A_1318 : vector<1x16xf32> to vector<16xf32>
        %swap3A_1320 = vector.shape_cast %get3A_1315 : vector<16xf32> to vector<1x16xf32>
        tpu.vector_store %arg8[%swap3A_1316, %swap3A_1317], %swap3A_1320 {add = true, strides = array<i32>} : memref<512x64xf32, #tpu.memory_space<vmem>>, vector<1x16xf32>,
        %get3A_1321 = arith.constant 1 : i32
        %get3A_1322 = arith.index_cast %get3A_1321 : i32 to index
        %get3A_1323 = arith.index_cast %scan3A_1309 : i32 to index
        %get3A_1324 = arith.constant 16 : index
        %get3A_1325 = tpu.vector_load %arg7[%get3A_1322, %get3A_1323, %get3A_1324] {strides = array<i32>} : memref<2x512x64xf32, #tpu.memory_space<vmem>>, vector<1x1x16xf32>,
        %get3A_1326 = vector.shape_cast %get3A_1325 : vector<1x1x16xf32> to vector<16xf32>
        %swap3A_1327 = arith.index_cast %scan3A_1309 : i32 to index
        %swap3A_1328 = arith.constant 16 : index
        %swap3A_1329 = tpu.vector_load %arg8[%swap3A_1327, %swap3A_1328] {strides = array<i32>} : memref<512x64xf32, #tpu.memory_space<vmem>>, vector<1x16xf32>,
        %swap3A_1330 = vector.shape_cast %swap3A_1329 : vector<1x16xf32> to vector<16xf32>
        %swap3A_1331 = vector.shape_cast %get3A_1326 : vector<16xf32> to vector<1x16xf32>
        tpu.vector_store %arg8[%swap3A_1327, %swap3A_1328], %swap3A_1331 {add = true, strides = array<i32>} : memref<512x64xf32, #tpu.memory_space<vmem>>, vector<1x16xf32>,
        %get3A_1332 = arith.constant 1 : i32
        %get3A_1333 = arith.index_cast %get3A_1332 : i32 to index
        %get3A_1334 = arith.index_cast %scan3A_1309 : i32 to index
        %get3A_1335 = arith.constant 32 : index
        %get3A_1336 = tpu.vector_load %arg7[%get3A_1333, %get3A_1334, %get3A_1335] {strides = array<i32>} : memref<2x512x64xf32, #tpu.memory_space<vmem>>, vector<1x1x16xf32>,
        %get3A_1337 = vector.shape_cast %get3A_1336 : vector<1x1x16xf32> to vector<16xf32>
        %swap3A_1338 = arith.index_cast %scan3A_1309 : i32 to index
        %swap3A_1339 = arith.constant 32 : index
        %swap3A_1340 = tpu.vector_load %arg8[%swap3A_1338, %swap3A_1339] {strides = array<i32>} : memref<512x64xf32, #tpu.memory_space<vmem>>, vector<1x16xf32>,
        %swap3A_1341 = vector.shape_cast %swap3A_1340 : vector<1x16xf32> to vector<16xf32>
        %swap3A_1342 = vector.shape_cast %get3A_1337 : vector<16xf32> to vector<1x16xf32>
        tpu.vector_store %arg8[%swap3A_1338, %swap3A_1339], %swap3A_1342 {add = true, strides = array<i32>} : memref<512x64xf32, #tpu.memory_space<vmem>>, vector<1x16xf32>,
        %get3A_1343 = arith.constant 1 : i32
        %get3A_1344 = arith.index_cast %get3A_1343 : i32 to index
        %get3A_1345 = arith.index_cast %scan3A_1309 : i32 to index
        %get3A_1346 = arith.constant 48 : index
        %get3A_1347 = tpu.vector_load %arg7[%get3A_1344, %get3A_1345, %get3A_1346] {strides = array<i32>} : memref<2x512x64xf32, #tpu.memory_space<vmem>>, vector<1x1x16xf32>,
        %get3A_1348 = vector.shape_cast %get3A_1347 : vector<1x1x16xf32> to vector<16xf32>
        %swap3A_1349 = arith.index_cast %scan3A_1309 : i32 to index
        %swap3A_1350 = arith.constant 48 : index
        %swap3A_1351 = tpu.vector_load %arg8[%swap3A_1349, %swap3A_1350] {strides = array<i32>} : memref<512x64xf32, #tpu.memory_space<vmem>>, vector<1x16xf32>,
        %swap3A_1352 = vector.shape_cast %swap3A_1351 : vector<1x16xf32> to vector<16xf32>
        %swap3A_1353 = vector.shape_cast %get3A_1348 : vector<16xf32> to vector<1x16xf32>
        tpu.vector_store %arg8[%swap3A_1349, %swap3A_1350], %swap3A_1353 {add = true, strides = array<i32>} : memref<512x64xf32, #tpu.memory_space<vmem>>, vector<1x16xf32>,
        %scan3A_1354 = arith.constant 0 : i32
        %scan3A_1355 = arith.constant 6 : i32
        %scan3A_1356 = arith.addi %scan3A_1073, %scan3A_1355 : i32
        %get3A_1357 = arith.constant 1 : i32
        %get3A_1358 = arith.index_cast %get3A_1357 : i32 to index
        %get3A_1359 = arith.index_cast %scan3A_1356 : i32 to index
        %get3A_1360 = arith.constant 0 : index
        %get3A_1361 = tpu.vector_load %arg7[%get3A_1358, %get3A_1359, %get3A_1360] {strides = array<i32>} : memref<2x512x64xf32, #tpu.memory_space<vmem>>, vector<1x1x16xf32>,
        %get3A_1362 = vector.shape_cast %get3A_1361 : vector<1x1x16xf32> to vector<16xf32>
        %swap3A_1363 = arith.index_cast %scan3A_1356 : i32 to index
        %swap3A_1364 = arith.constant 0 : index
        %swap3A_1365 = tpu.vector_load %arg8[%swap3A_1363, %swap3A_1364] {strides = array<i32>} : memref<512x64xf32, #tpu.memory_space<vmem>>, vector<1x16xf32>,
        %swap3A_1366 = vector.shape_cast %swap3A_1365 : vector<1x16xf32> to vector<16xf32>
        %swap3A_1367 = vector.shape_cast %get3A_1362 : vector<16xf32> to vector<1x16xf32>
        tpu.vector_store %arg8[%swap3A_1363, %swap3A_1364], %swap3A_1367 {add = true, strides = array<i32>} : memref<512x64xf32, #tpu.memory_space<vmem>>, vector<1x16xf32>,
        %get3A_1368 = arith.constant 1 : i32
        %get3A_1369 = arith.index_cast %get3A_1368 : i32 to index
        %get3A_1370 = arith.index_cast %scan3A_1356 : i32 to index
        %get3A_1371 = arith.constant 16 : index
        %get3A_1372 = tpu.vector_load %arg7[%get3A_1369, %get3A_1370, %get3A_1371] {strides = array<i32>} : memref<2x512x64xf32, #tpu.memory_space<vmem>>, vector<1x1x16xf32>,
        %get3A_1373 = vector.shape_cast %get3A_1372 : vector<1x1x16xf32> to vector<16xf32>
        %swap3A_1374 = arith.index_cast %scan3A_1356 : i32 to index
        %swap3A_1375 = arith.constant 16 : index
        %swap3A_1376 = tpu.vector_load %arg8[%swap3A_1374, %swap3A_1375] {strides = array<i32>} : memref<512x64xf32, #tpu.memory_space<vmem>>, vector<1x16xf32>,
        %swap3A_1377 = vector.shape_cast %swap3A_1376 : vector<1x16xf32> to vector<16xf32>
        %swap3A_1378 = vector.shape_cast %get3A_1373 : vector<16xf32> to vector<1x16xf32>
        tpu.vector_store %arg8[%swap3A_1374, %swap3A_1375], %swap3A_1378 {add = true, strides = array<i32>} : memref<512x64xf32, #tpu.memory_space<vmem>>, vector<1x16xf32>,
        %get3A_1379 = arith.constant 1 : i32
        %get3A_1380 = arith.index_cast %get3A_1379 : i32 to index
        %get3A_1381 = arith.index_cast %scan3A_1356 : i32 to index
        %get3A_1382 = arith.constant 32 : index
        %get3A_1383 = tpu.vector_load %arg7[%get3A_1380, %get3A_1381, %get3A_1382] {strides = array<i32>} : memref<2x512x64xf32, #tpu.memory_space<vmem>>, vector<1x1x16xf32>,
        %get3A_1384 = vector.shape_cast %get3A_1383 : vector<1x1x16xf32> to vector<16xf32>
        %swap3A_1385 = arith.index_cast %scan3A_1356 : i32 to index
        %swap3A_1386 = arith.constant 32 : index
        %swap3A_1387 = tpu.vector_load %arg8[%swap3A_1385, %swap3A_1386] {strides = array<i32>} : memref<512x64xf32, #tpu.memory_space<vmem>>, vector<1x16xf32>,
        %swap3A_1388 = vector.shape_cast %swap3A_1387 : vector<1x16xf32> to vector<16xf32>
        %swap3A_1389 = vector.shape_cast %get3A_1384 : vector<16xf32> to vector<1x16xf32>
        tpu.vector_store %arg8[%swap3A_1385, %swap3A_1386], %swap3A_1389 {add = true, strides = array<i32>} : memref<512x64xf32, #tpu.memory_space<vmem>>, vector<1x16xf32>,
        %get3A_1390 = arith.constant 1 : i32
        %get3A_1391 = arith.index_cast %get3A_1390 : i32 to index
        %get3A_1392 = arith.index_cast %scan3A_1356 : i32 to index
        %get3A_1393 = arith.constant 48 : index
        %get3A_1394 = tpu.vector_load %arg7[%get3A_1391, %get3A_1392, %get3A_1393] {strides = array<i32>} : memref<2x512x64xf32, #tpu.memory_space<vmem>>, vector<1x1x16xf32>,
        %get3A_1395 = vector.shape_cast %get3A_1394 : vector<1x1x16xf32> to vector<16xf32>
        %swap3A_1396 = arith.index_cast %scan3A_1356 : i32 to index
        %swap3A_1397 = arith.constant 48 : index
        %swap3A_1398 = tpu.vector_load %arg8[%swap3A_1396, %swap3A_1397] {strides = array<i32>} : memref<512x64xf32, #tpu.memory_space<vmem>>, vector<1x16xf32>,
        %swap3A_1399 = vector.shape_cast %swap3A_1398 : vector<1x16xf32> to vector<16xf32>
        %swap3A_1400 = vector.shape_cast %get3A_1395 : vector<16xf32> to vector<1x16xf32>
        tpu.vector_store %arg8[%swap3A_1396, %swap3A_1397], %swap3A_1400 {add = true, strides = array<i32>} : memref<512x64xf32, #tpu.memory_space<vmem>>, vector<1x16xf32>,
        %scan3A_1401 = arith.constant 0 : i32
        %scan3A_1402 = arith.constant 7 : i32
        %scan3A_1403 = arith.addi %scan3A_1073, %scan3A_1402 : i32
        %get3A_1404 = arith.constant 1 : i32
        %get3A_1405 = arith.index_cast %get3A_1404 : i32 to index
        %get3A_1406 = arith.index_cast %scan3A_1403 : i32 to index
        %get3A_1407 = arith.constant 0 : index
        %get3A_1408 = tpu.vector_load %arg7[%get3A_1405, %get3A_1406, %get3A_1407] {strides = array<i32>} : memref<2x512x64xf32, #tpu.memory_space<vmem>>, vector<1x1x16xf32>,
        %get3A_1409 = vector.shape_cast %get3A_1408 : vector<1x1x16xf32> to vector<16xf32>
        %swap3A_1410 = arith.index_cast %scan3A_1403 : i32 to index
        %swap3A_1411 = arith.constant 0 : index
        %swap3A_1412 = tpu.vector_load %arg8[%swap3A_1410, %swap3A_1411] {strides = array<i32>} : memref<512x64xf32, #tpu.memory_space<vmem>>, vector<1x16xf32>,
        %swap3A_1413 = vector.shape_cast %swap3A_1412 : vector<1x16xf32> to vector<16xf32>
        %swap3A_1414 = vector.shape_cast %get3A_1409 : vector<16xf32> to vector<1x16xf32>
        tpu.vector_store %arg8[%swap3A_1410, %swap3A_1411], %swap3A_1414 {add = true, strides = array<i32>} : memref<512x64xf32, #tpu.memory_space<vmem>>, vector<1x16xf32>,
        %get3A_1415 = arith.constant 1 : i32
        %get3A_1416 = arith.index_cast %get3A_1415 : i32 to index
        %get3A_1417 = arith.index_cast %scan3A_1403 : i32 to index
        %get3A_1418 = arith.constant 16 : index
        %get3A_1419 = tpu.vector_load %arg7[%get3A_1416, %get3A_1417, %get3A_1418] {strides = array<i32>} : memref<2x512x64xf32, #tpu.memory_space<vmem>>, vector<1x1x16xf32>,
        %get3A_1420 = vector.shape_cast %get3A_1419 : vector<1x1x16xf32> to vector<16xf32>
        %swap3A_1421 = arith.index_cast %scan3A_1403 : i32 to index
        %swap3A_1422 = arith.constant 16 : index
        %swap3A_1423 = tpu.vector_load %arg8[%swap3A_1421, %swap3A_1422] {strides = array<i32>} : memref<512x64xf32, #tpu.memory_space<vmem>>, vector<1x16xf32>,
        %swap3A_1424 = vector.shape_cast %swap3A_1423 : vector<1x16xf32> to vector<16xf32>
        %swap3A_1425 = vector.shape_cast %get3A_1420 : vector<16xf32> to vector<1x16xf32>
        tpu.vector_store %arg8[%swap3A_1421, %swap3A_1422], %swap3A_1425 {add = true, strides = array<i32>} : memref<512x64xf32, #tpu.memory_space<vmem>>, vector<1x16xf32>,
        %get3A_1426 = arith.constant 1 : i32
        %get3A_1427 = arith.index_cast %get3A_1426 : i32 to index
        %get3A_1428 = arith.index_cast %scan3A_1403 : i32 to index
        %get3A_1429 = arith.constant 32 : index
        %get3A_1430 = tpu.vector_load %arg7[%get3A_1427, %get3A_1428, %get3A_1429] {strides = array<i32>} : memref<2x512x64xf32, #tpu.memory_space<vmem>>, vector<1x1x16xf32>,
        %get3A_1431 = vector.shape_cast %get3A_1430 : vector<1x1x16xf32> to vector<16xf32>
        %swap3A_1432 = arith.index_cast %scan3A_1403 : i32 to index
        %swap3A_1433 = arith.constant 32 : index
        %swap3A_1434 = tpu.vector_load %arg8[%swap3A_1432, %swap3A_1433] {strides = array<i32>} : memref<512x64xf32, #tpu.memory_space<vmem>>, vector<1x16xf32>,
        %swap3A_1435 = vector.shape_cast %swap3A_1434 : vector<1x16xf32> to vector<16xf32>
        %swap3A_1436 = vector.shape_cast %get3A_1431 : vector<16xf32> to vector<1x16xf32>
        tpu.vector_store %arg8[%swap3A_1432, %swap3A_1433], %swap3A_1436 {add = true, strides = array<i32>} : memref<512x64xf32, #tpu.memory_space<vmem>>, vector<1x16xf32>,
        %get3A_1437 = arith.constant 1 : i32
        %get3A_1438 = arith.index_cast %get3A_1437 : i32 to index
        %get3A_1439 = arith.index_cast %scan3A_1403 : i32 to index
        %get3A_1440 = arith.constant 48 : index
        %get3A_1441 = tpu.vector_load %arg7[%get3A_1438, %get3A_1439, %get3A_1440] {strides = array<i32>} : memref<2x512x64xf32, #tpu.memory_space<vmem>>, vector<1x1x16xf32>,
        %get3A_1442 = vector.shape_cast %get3A_1441 : vector<1x1x16xf32> to vector<16xf32>
        %swap3A_1443 = arith.index_cast %scan3A_1403 : i32 to index
        %swap3A_1444 = arith.constant 48 : index
        %swap3A_1445 = tpu.vector_load %arg8[%swap3A_1443, %swap3A_1444] {strides = array<i32>} : memref<512x64xf32, #tpu.memory_space<vmem>>, vector<1x16xf32>,
        %swap3A_1446 = vector.shape_cast %swap3A_1445 : vector<1x16xf32> to vector<16xf32>
        %swap3A_1447 = vector.shape_cast %get3A_1442 : vector<16xf32> to vector<1x16xf32>
        tpu.vector_store %arg8[%swap3A_1443, %swap3A_1444], %swap3A_1447 {add = true, strides = array<i32>} : memref<512x64xf32, #tpu.memory_space<vmem>>, vector<1x16xf32>,
        %scan3A_1448 = arith.constant 0 : i32
        scf.yield %scan3A_1448 : i32
      }
      %scan3A_1071 = arith.constant 512 : i32
      %scan3A_1072 = arith.constant 0 : i32
      scf.yield %scan3A_1072 : i32
    }
    %scan3A_482 = arith.constant 50 : i32
    %dma_start3A_483 = arith.constant 0 : i32
    %dma_start3A_484 = tpu.memref_slice %arg4[%mul3A_2, %dma_start3A_483] : memref<16384x64xf32, #tpu.memory_space<hbm>> -> memref<512x64xf32, #tpu.memory_space<hbm>>
    %dma_start3A_485 = arith.constant 0 : i32
    %dma_start3A_486 = tpu.memref_slice %arg4[%mul3A_2, %dma_start3A_485] : memref<16384x64xf32, #tpu.memory_space<hbm>> -> memref<512x64xf32, #tpu.memory_space<hbm>>
    tpu.enqueue_dma source(%arg8 : memref<512x64xf32, #tpu.memory_space<vmem>>) target(%dma_start3A_486 : memref<512x64xf32, #tpu.memory_space<hbm>>) target_semaphore(%arg13 : memref<!tpu.dma_semaphore, #tpu.memory_space<semaphore_mem>>)
    %dma_wait3A_487 = arith.constant 0 : i32
    %dma_wait3A_488 = tpu.memref_slice %arg4[%mul3A_2, %dma_wait3A_487] : memref<16384x64xf32, #tpu.memory_space<hbm>> -> memref<512x64xf32, #tpu.memory_space<hbm>>
    %dma_wait3A_489 = arith.constant 0 : i32
    %dma_wait3A_490 = tpu.memref_slice %arg4[%mul3A_2, %dma_wait3A_489] : memref<16384x64xf32, #tpu.memory_space<hbm>> -> memref<512x64xf32, #tpu.memory_space<hbm>>
    tpu.wait_dma2 semaphore(%arg13 : memref<!tpu.dma_semaphore, #tpu.memory_space<semaphore_mem>>) src(%arg8 : memref<512x64xf32, #tpu.memory_space<vmem>>) dst(%dma_wait3A_490 : memref<512x64xf32, #tpu.memory_space<hbm>>)
    return
  }
}

module attributes {stable_mosaic.version = 14 : i64} {
  func.func @_project_body(%arg0: memref<100x256x16xf32, #tpu.memory_space<vmem>>, %arg1: memref<100x64x16xf32, #tpu.memory_space<vmem>>, %arg2: memref<100x256x64xf32, #tpu.memory_space<vmem>>) attributes {dimension_semantics = [], scalar_prefetch = 0 : i64, scratch_operands = 0 : i64, tpu.core_type = #tpu.core_type<tc>} {
    %scan3A = arith.constant 0 : i32
    %scan3A_0 = arith.constant 100 : i32
    %scan3A_1 = arith.addi %scan3A, %scan3A_0 : i32
    %scan3A_2 = arith.constant 1 : i32
    scf.for %scan3A_4 = %scan3A to %scan3A_1 step %scan3A_2  : i32 {
      %get3A = arith.index_cast %scan3A_4 : i32 to index
      %get3A_5 = arith.constant 0 : index
      %get3A_6 = arith.constant 0 : index
      %get3A_7 = vector.load %arg0[%get3A, %get3A_5, %get3A_6] : memref<100x256x16xf32, #tpu.memory_space<vmem>>, vector<1x256x16xf32>
      %get3A_8 = vector.shape_cast %get3A_7 : vector<1x256x16xf32> to vector<256x16xf32>
      %get3A_9 = arith.index_cast %scan3A_4 : i32 to index
      %get3A_10 = arith.constant 0 : index
      %get3A_11 = arith.constant 0 : index
      %get3A_12 = vector.load %arg1[%get3A_9, %get3A_10, %get3A_11] : memref<100x64x16xf32, #tpu.memory_space<vmem>>, vector<1x64x16xf32>
      %get3A_13 = vector.shape_cast %get3A_12 : vector<1x64x16xf32> to vector<64x16xf32>
      %dot_general3A = arith.constant dense<0.000000e+00> : vector<256x64xf32>
      %dot_general3A_14 = tpu.matmul %get3A_8, %get3A_13, %dot_general3A {dimension_numbers = #tpu.dot_dimension_numbers<[1], [1], [0], [0], [0, 0, 1, 0], [], []>, transpose_lhs_hint = false} : vector<256x16xf32>, vector<64x16xf32>, vector<256x64xf32> -> vector<256x64xf32>
      %swap3A = arith.index_cast %scan3A_4 : i32 to index
      %swap3A_15 = arith.constant 0 : index
      %swap3A_16 = arith.constant 0 : index
      %swap3A_17 = vector.load %arg2[%swap3A, %swap3A_15, %swap3A_16] : memref<100x256x64xf32, #tpu.memory_space<vmem>>, vector<1x256x64xf32>
      %swap3A_18 = vector.shape_cast %swap3A_17 : vector<1x256x64xf32> to vector<256x64xf32>
      %swap3A_19 = vector.shape_cast %dot_general3A_14 : vector<256x64xf32> to vector<1x256x64xf32>
      tpu.vector_store %arg2[%swap3A, %swap3A_15, %swap3A_16], %swap3A_19 {strides = array<i32>} : memref<100x256x64xf32, #tpu.memory_space<vmem>>, vector<1x256x64xf32>,
    }
    %scan3A_3 = arith.constant 100 : i32
    return
  }
}

module attributes {stable_mosaic.version = 14 : i64} {
  func.func @_mlp_body(%arg0: i32, %arg1: memref<2048x13xf32, #tpu.memory_space<vmem>>, %arg2: memref<2048x64xf32, #tpu.memory_space<vmem>>, %arg3: memref<13x64xf32, #tpu.memory_space<vmem>>, %arg4: memref<1x64xf32, #tpu.memory_space<vmem>>, %arg5: memref<64x2xf32, #tpu.memory_space<vmem>>, %arg6: memref<1x2xf32, #tpu.memory_space<vmem>>, %arg7: memref<2048x2xf32, #tpu.memory_space<vmem>>) attributes {dimension_semantics = [#tpu.dimension_semantics<arbitrary>], iteration_bounds = array<i64: 8>, scalar_prefetch = 0 : i64, scratch_operands = 0 : i64, tpu.core_type = #tpu.core_type<tc>, window_params = [{transform_indices = @transform_0, window_bounds = array<i64: 2048, 13>}, {transform_indices = @transform_1, window_bounds = array<i64: 2048, 64>}, {pipeline_mode = #tpu.pipeline_mode<synchronous>, transform_indices = @transform_2, window_bounds = array<i64: 13, 64>}, {pipeline_mode = #tpu.pipeline_mode<synchronous>, transform_indices = @transform_3, window_bounds = array<i64: 1, 64>}, {pipeline_mode = #tpu.pipeline_mode<synchronous>, transform_indices = @transform_4, window_bounds = array<i64: 64, 2>}, {pipeline_mode = #tpu.pipeline_mode<synchronous>, transform_indices = @transform_5, window_bounds = array<i64: 1, 2>}, {transform_indices = @transform_6, window_bounds = array<i64: 2048, 2>}]} {
    %get3A = arith.constant 0 : index
    %get3A_0 = arith.constant 0 : index
    %get3A_1 = vector.load %arg1[%get3A, %get3A_0] : memref<2048x13xf32, #tpu.memory_space<vmem>>, vector<2048x13xf32>
    %get3A_2 = arith.constant 0 : index
    %get3A_3 = arith.constant 0 : index
    %get3A_4 = vector.load %arg3[%get3A_2, %get3A_3] : memref<13x64xf32, #tpu.memory_space<vmem>>, vector<13x64xf32>
    %dot_general3A = arith.constant dense<0.000000e+00> : vector<2048x64xf32>
    %dot_general3A_5 = tpu.matmul %get3A_1, %get3A_4, %dot_general3A {dimension_numbers = #tpu.dot_dimension_numbers<[1], [0], [0], [1], [0, 0, 1, 1], [], []>, transpose_lhs_hint = false} : vector<2048x13xf32>, vector<13x64xf32>, vector<2048x64xf32> -> vector<2048x64xf32>
    %get3A_6 = arith.constant 0 : index
    %get3A_7 = arith.constant 0 : index
    %get3A_8 = vector.load %arg2[%get3A_6, %get3A_7] : memref<2048x64xf32, #tpu.memory_space<vmem>>, vector<2048x64xf32>
    %add3A = arith.addf %dot_general3A_5, %get3A_8 : vector<2048x64xf32>
    %get3A_9 = arith.constant 0 : index
    %get3A_10 = arith.constant 0 : index
    %get3A_11 = vector.load %arg4[%get3A_9, %get3A_10] : memref<1x64xf32, #tpu.memory_space<vmem>>, vector<1x64xf32>
    %add3A_12 = vector.broadcast %get3A_11 : vector<1x64xf32> to vector<2048x64xf32>
    %add3A_13 = arith.addf %add3A, %add3A_12 : vector<2048x64xf32>
    %max3A = arith.constant 0.000000e+00 : f32
    %max3A_14 = vector.broadcast %max3A : f32 to vector<2048x64xf32>
    %max3A_15 = arith.maximumf %add3A_13, %max3A_14 : vector<2048x64xf32>
    %get3A_16 = arith.constant 0 : index
    %get3A_17 = arith.constant 0 : index
    %get3A_18 = vector.load %arg5[%get3A_16, %get3A_17] : memref<64x2xf32, #tpu.memory_space<vmem>>, vector<64x2xf32>
    %dot_general3A_19 = arith.constant dense<0.000000e+00> : vector<2048x2xf32>
    %dot_general3A_20 = tpu.matmul %max3A_15, %get3A_18, %dot_general3A_19 {dimension_numbers = #tpu.dot_dimension_numbers<[1], [0], [0], [1], [0, 0, 1, 1], [], []>, transpose_lhs_hint = false} : vector<2048x64xf32>, vector<64x2xf32>, vector<2048x2xf32> -> vector<2048x2xf32>
    %get3A_21 = arith.constant 0 : index
    %get3A_22 = arith.constant 0 : index
    %get3A_23 = vector.load %arg6[%get3A_21, %get3A_22] : memref<1x2xf32, #tpu.memory_space<vmem>>, vector<1x2xf32>
    %add3A_24 = vector.broadcast %get3A_23 : vector<1x2xf32> to vector<2048x2xf32>
    %add3A_25 = arith.addf %dot_general3A_20, %add3A_24 : vector<2048x2xf32>
    %swap3A = arith.constant 0 : index
    %swap3A_26 = arith.constant 0 : index
    %swap3A_27 = vector.load %arg7[%swap3A, %swap3A_26] : memref<2048x2xf32, #tpu.memory_space<vmem>>, vector<2048x2xf32>
    tpu.vector_store %arg7[%swap3A, %swap3A_26], %add3A_25 {strides = array<i32>} : memref<2048x2xf32, #tpu.memory_space<vmem>>, vector<2048x2xf32>,
    return
  }
  func.func @transform_0(%arg0: i32) -> (i32, i32) {
    %c0_i32 = arith.constant 0 : i32
    %c0_i32_0 = arith.constant 0 : i32
    return %arg0, %c0_i32 : i32, i32
  }
  func.func @transform_1(%arg0: i32) -> (i32, i32) {
    %c0_i32 = arith.constant 0 : i32
    %c0_i32_0 = arith.constant 0 : i32
    return %arg0, %c0_i32 : i32, i32
  }
  func.func @transform_2(%arg0: i32) -> (i32, i32) {
    %c0_i32 = arith.constant 0 : i32
    %c0_i32_0 = arith.constant 0 : i32
    %c0_i32_1 = arith.constant 0 : i32
    return %c0_i32, %c0_i32_0 : i32, i32
  }
  func.func @transform_3(%arg0: i32) -> (i32, i32) {
    %c0_i32 = arith.constant 0 : i32
    %c0_i32_0 = arith.constant 0 : i32
    %c0_i32_1 = arith.constant 0 : i32
    return %c0_i32, %c0_i32_0 : i32, i32
  }
  func.func @transform_4(%arg0: i32) -> (i32, i32) {
    %c0_i32 = arith.constant 0 : i32
    %c0_i32_0 = arith.constant 0 : i32
    %c0_i32_1 = arith.constant 0 : i32
    return %c0_i32, %c0_i32_0 : i32, i32
  }
  func.func @transform_5(%arg0: i32) -> (i32, i32) {
    %c0_i32 = arith.constant 0 : i32
    %c0_i32_0 = arith.constant 0 : i32
    %c0_i32_1 = arith.constant 0 : i32
    return %c0_i32, %c0_i32_0 : i32, i32
  }
  func.func @transform_6(%arg0: i32) -> (i32, i32) {
    %c0_i32 = arith.constant 0 : i32
    %c0_i32_0 = arith.constant 0 : i32
    return %arg0, %c0_i32 : i32, i32
  }
}

</mosaic_0001>

<sc_bundles>
// kernel: kernel.5.cloned.1.call-start
scs
__scs_entry_jumppad:
0x0: {  	(pc) =	sbr.rel $0x88, $3  }
0x1: {  	(tag) =	ssettag $0x0;
	lr =	simm.s32 $0x1  }
0x2: {  	[smem:$0x3F9A] =	sst lr;
	_ =	strace $0xD0000000  }
0x3: {  	_ = 	snop  }
0x4: {  	_ = 	snop  }
0x5: {  	_ = 	snop  }
0x6: {  	_ = 	snop  }
0x7: {  	_ = 	snop  }
__scs_overlays_trampoline_lowered:
0x8: {  	[smem:$0x3FA9] =	sst s0  }
0x9: {  	[smem:$0x3FAA] =	sst s1  }
0xa: {  	[smem:$0x3FAB] =	sst s2  }
0xb: {  	[smem:$0x3FAC] =	sst s3  }
0xc: {  	[smem:$0x3FAD] =	sst s4  }
0xd: {  	[smem:$0x3FAE] =	sst s5  }
0xe: {  	[smem:$0x3FAF] =	sst s6  }
0xf: {  	[smem:$0x3FB0] =	sst s7  }
0x10: {  	[smem:$0x3FB1] =	sst s8  }
0x11: {  	[smem:$0x3FB2] =	sst s9;
	s0 =	simm.s32 @!p0 $0x0  }
0x12: {  	s1 =	sld [smem:$0x3F98];
	s0 =	simm.s32 @p0 $0x1  }
0x13: {  	[smem:$0x3FB3] =	sst s0;
	s0 =	simm.s32 @!p1 $0x0  }
0x14: {  	s2 =	sld [smem:$0x3F97];
	s0 =	simm.s32 @p1 $0x1  }
0x15: {  	[smem:$0x3FB4] =	sst s0;
	s0 =	simm.s32 @!p2 $0x0  }
0x16: {  	s3 =	sld [smem:$0x3FDB];
	s0 =	simm.s32 @p2 $0x1  }
0x17: {  	s4 =	simm.s32 $0x1BF5;
	[smem:$0x3FB6] =	sst s0  }
0x18: {  	s0 =	sld [smem:$0x3F99];
	_ =	swait.ge [sflag:s4], $0x0  }
0x19: {  	s7 =	sld [smem:$0x3F9A]  }
0x1a: {  	s8 =	sadd.s32 $0xFFFFE003, lr  }
0x1b: {  	s9 =	sadd.s32 $0xFFFFFEF7, lr;
	s5 =	simm.s32 $0xFFFFFFFF;
	p2 =	slt.u32 s8, $0xFFFFF086  }
0x1c: {  	p1 =	slt.u32 s9, $0xF7A;
	s5 =	simm.s32 @!p2 $0x0  }
0x1d: {  	s5 =	simm.s32 @p1 $0x1;
	p0 =	seq.s32 s7, s2  }
0x1e: {  	s7 =	smul.u32 @!p0 $0xF7A, s2;
	p2 =	seq.s32 @!p0 s5, $0x0  }
0x1f: {  	s9 =	smul.u32 $0xF7A, s1;
	s8 =	simm.s32 @!p0 $0x1BF5;
	p2 =	por !p2, p0  }
0x20: {  	[sflag:s8] =	ssyncset.s32 @!p0 $0xFFFFF086;
	s6 =	sadd.s32 @!p0 s3, s7;
	s7 =	simm.s32 @!p0 $0x108  }
0x21: {  	s3 =	sadd.s32 s3, s9;
	s6 =	sadd.s32 @!p0 $0x88, s6;
	s7 =	simm.s32 @p2 $0x1082  }
0x22: {  	[simem:s7], [sflag:s8] =	dma.local @!p0 [hbm:s6], $0xF7A  }
0x23: {  	s9 =	sor.u32 $0xD0000000, s2;
	s6 =	simm.s32 $0x108;
	_ =	swait.ge @!p0 [sflag:s8], $0x0  }
0x24: {  	s3 =	sadd.s32 $0x88, s3;
	s6 =	simm.s32 @!p1 $0x1082;
	[sflag:s4] =	ssyncset.s32 $0xFFFFF086  }
0x25: {  	[simem:s6], [sflag:s4] =	dma.local [hbm:s3], $0xF7A  }
0x26: {  	[smem:$0x3F9A] =	sst s1;
	(tag) =	ssettag s2;
	_ =	strace s9  }
0x27: {  	s1 =	sld [smem:$0x3FAA]  }
0x28: {  	s2 =	sld [smem:$0x3FAB]  }
0x29: {  	s4 =	sld [smem:$0x3FAD]  }
0x2a: {  	p0 =	seq.s32 s5, $0x0;
	s5 =	sld [smem:$0x3FAE]  }
0x2b: {  	s6 =	sld [smem:$0x3FAF]  }
0x2c: {  	s7 =	sld [smem:$0x3FB0]  }
0x2d: {  	s3 =	simm.s32 $0x108;
	s8 =	sld [smem:$0x3FB1]  }
0x2e: {  	s3 =	simm.s32 @!p0 $0x1082;
	s9 =	sld [smem:$0x3FB2]  }
0x2f: {  	lr =	sadd.s32 s0, s3;
	s0 =	sld [smem:$0x3FA9]  }
0x30: {  	s3 =	sld [smem:$0x3FAC]  }
0x31: {  	[smem:$0x3FB5] =	sst s10  }
0x32: {  	s10 =	sld [smem:$0x3FB3];
	_ =	sdelay $0x3  }
0x33: {  	p0 =	seq.s32 s10, $0x1;
	s10 =	sld [smem:$0x3FB5];
	_ =	sdelay $0x3  }
0x34: {  	[smem:$0x3FB5] =	sst s10  }
0x35: {  	s10 =	sld [smem:$0x3FB4];
	_ =	sdelay $0x3  }
0x36: {  	p1 =	seq.s32 s10, $0x1;
	s10 =	sld [smem:$0x3FB5];
	_ =	sdelay $0x3  }
0x37: {  	[smem:$0x3FB5] =	sst s10  }
0x38: {  	s10 =	sld [smem:$0x3FB6]  }
0x39: {  	_ = 	snop;
	(pc) =	sbr.ind lr, $3  }
0x3a: {  	_ = 	snop  }
0x3b: {  	_ = 	snop  }
0x3c: {  	p2 =	seq.s32 s10, $0x1;
	s10 =	sld [smem:$0x3FB5]  }
0x3d: {  	_ =	shalt  }
0x3e: {  	_ =	shalt  }
0x3f: {  	_ =	shalt  }
0x40: {  	_ =	shalt  }
0x41: {  	_ =	shalt  }
0x42: {  	_ =	shalt  }
0x43: {  	_ =	shalt  }
0x44: {  	_ =	shalt  }
0x45: {  	_ =	shalt  }
0x46: {  	_ =	shalt  }
0x47: {  	_ =	shalt  }
0x48: {  	_ =	shalt  }
0x49: {  	_ =	shalt  }
0x4a: {  	_ =	shalt  }
0x4b: {  	_ =	shalt  }
0x4c: {  	_ =	shalt  }
0x4d: {  	_ =	shalt  }
0x4e: {  	_ =	shalt  }
0x4f: {  	_ =	shalt  }
0x50: {  	_ =	shalt  }
0x51: {  	_ =	shalt  }
0x52: {  	_ =	shalt  }
0x53: {  	_ =	shalt  }
0x54: {  	_ =	shalt  }
0x55: {  	_ =	shalt  }
0x56: {  	_ =	shalt  }
0x57: {  	_ =	shalt  }
0x58: {  	_ =	shalt  }
0x59: {  	_ =	shalt  }
0x5a: {  	_ =	shalt  }
0x5b: {  	_ =	shalt  }
0x5c: {  	_ =	shalt  }
0x5d: {  	_ =	shalt  }
0x5e: {  	_ =	shalt  }
0x5f: {  	_ =	shalt  }
0x60: {  	_ =	shalt  }
0x61: {  	_ =	shalt  }
0x62: {  	_ =	shalt  }
0x63: {  	_ =	shalt  }
0x64: {  	_ =	shalt  }
0x65: {  	_ =	shalt  }
0x66: {  	_ =	shalt  }
0x67: {  	_ =	shalt  }
0x68: {  	_ =	shalt  }
0x69: {  	_ =	shalt  }
0x6a: {  	_ =	shalt  }
0x6b: {  	_ =	shalt  }
0x6c: {  	_ =	shalt  }
0x6d: {  	_ =	shalt  }
0x6e: {  	_ =	shalt  }
0x6f: {  	_ =	shalt  }
0x70: {  	_ =	shalt  }
0x71: {  	_ =	shalt  }
0x72: {  	_ =	shalt  }
0x73: {  	_ =	shalt  }
0x74: {  	_ =	shalt  }
0x75: {  	_ =	shalt  }
0x76: {  	_ =	shalt  }
0x77: {  	_ =	shalt  }
0x78: {  	_ =	shalt  }
0x79: {  	_ =	shalt  }
0x7a: {  	_ =	shalt  }
0x7b: {  	_ =	shalt  }
0x7c: {  	_ =	shalt  }
0x7d: {  	_ =	shalt  }
0x7e: {  	_ =	shalt  }
0x7f: {  	_ =	shalt  }
0x80: {  	_ =	shalt  }
0x81: {  	_ =	shalt  }
0x82: {  	_ =	shalt  }
0x83: {  	_ =	shalt  }
0x84: {  	_ =	shalt  }
0x85: {  	_ =	shalt  }
0x86: {  	_ =	shalt  }
0x87: {  	_ =	shalt  }
.Lfunc_end0:
.L_simem_size_0:
called_computation_lowered:
.L_overlay_start_0:
0x88: {  	s2 =	sld [smem:$0x3FD9]  }
0x89: {  	s3 =	sld [smem:$0x3FFE];
	_ =	sdelay $0x1  }
0x8a: {  	s1 =	srdreg.scid  }
0x8b: {  	s0 =	sand.u32 $0x1, s1  }
0x8c: {  	s16 =	sshll.u32 s0, $0xA;
	s2 =	sadd.s32 s3, s2  }
0x8d: {  	s2 =	sadd.s32 s2, s16  }
0x8e: {  	[smem:$0x3FC1] =	sst s2  }
0x8f: {  	_ = 	snop  }
0x90: {  	(tm) =	ssettm $0x1  }
0x91: {  	s17 =	sld [smem:$0x3FFB];
	_ =	sdelay $0x3  }
0x92: {  	_ =	strace s17  }
0x93: {  	s2 =	sld [smem:$0x3FFC];
	_ =	sdelay $0x3  }
0x94: {  	_ =	strace s2  }
0x95: {  	s2 =	sld [smem:$0x3FFD];
	_ =	sdelay $0x3  }
0x96: {  	_ =	strace s2  }
0x97: {  	_ =	strace $0x8FFFFFFF  }
0x98: {  	s18 =	sld [smem:$0x3FDB];
	_ =	sdelay $0x1  }
0x99: {  	s19 =	simm.s32 $_scs_section_size  }
0x9a: {  	s4 =	simm.s32 $_size__tile_overlayer_lowered;
	s5 =	simm.s32 $_tile_overlayer_lowered  }
0x9b: {  	s22 =	simm.s32 $0x1BFF;
	s21 =	sshll.u32 s5, $0x1;
	s2 =	sadd.s32 s19, s18  }
0x9c: {  	s6 =	simm.s32 $0x0;
	s20 =	sshll.u32 s4, $0x1;
	s4 =	sadd.s32 s21, s2  }
0x9d: {  	[timem:s6], [sflag:s22] =	dma.local [hbm:s4], s20  }
0x9e: {  	_ =	swait.ge [sflag:s22], s20  }
0x9f: {  	s3 =	ssub.s32 $0x0, s20;
	[sflag:s22] =	ssyncset.done $0x0  }
0xa0: {  	[sflag:s22] =	ssyncadd.s32 s3;
	_ =	sdelay $0x1  }
0xa1: {  	s23 =	simm.s32 $0x1B8B  }
0xa2: {  	_ =	swait.ge [sflag:s23], $0x1  }
0xa3: {  	[sflag:s23] =	ssyncset.done $0x0  }
0xa4: {  	s25 =	simm.s32 $0x1B8E;
	s24 =	sld [smem:$0x3FFE];
	[sflag:s23] =	ssyncadd.s32 $0xFFFFFFFF  }
0xa5: {  	s26 =	simm.s32 $execute0_lowered;
	[smem:$0x3FD2] =	sst s25  }
0xa6: {  	s4 =	sshll.u32 s26, $0x1;
	_ =	strace $0x80000046;
	[dreg:$0x1] =	wrdreg $0xFFFFFFFF  }
0xa7: {  	s28 =	simm.s32 $_size_execute0_lowered;
	s2 =	sadd.s32 s2, s4;
	[dreg:$0x0] =	wrdreg $0x0  }
0xa8: {  	s4 =	sshll.u32 s28, $0x1;
	[dreg:$0x2] =	wrdreg s2  }
0xa9: {  	[dreg:$0x3] =	wrdreg s4  }
0xaa: {  	[dreg:$0x4] =	wrdreg $0xC0  }
0xab: {  	_ =	task [dreg:s6], $0x5FFFF  }
0xac: {  	[dreg:$0x1] =	wrdreg $0xFFFFFFFF  }
0xad: {  	[dreg:$0x0] =	wrdreg $0x60  }
0xae: {  	[dreg:$0x2] =	wrdreg s24  }
0xaf: {  	[dreg:$0x3] =	wrdreg $0x9  }
0xb0: {  	_ =	task.clear_ibuf [dreg:s6], $0x4FFFF;
	_ =	strace $0x90000046  }
0xb1: {  	s29 =	simm.s32 $0x9;
	_ =	strace $0x80000048  }
0xb2: {  	_ =	swait.ge [sflag:s29], $0x1  }
0xb3: {  	[sflag:s29] =	ssyncadd.s32 $0xFFFFFFFF  }
0xb4: {  	_ =	strace $0x90000048  }
0xb5: {  	_ =	sfence  }
0xb6: {  	s30 =	sld [smem:$0x0];
	_ =	sdelay $0x2  }
0xb7: {  	s31 =	sshll.u32 s1, $0xD;
	s1 =	sshrl.u32 s1, $0x2  }
0xb8: {  	s3 =	sand.u32 $0x4000, s31;
	s1 =	sadd.s32 s1, s30  }
0xb9: {  	s0 =	sor.u32 s3, s0;
	s1 =	sshll.u32 s1, $0x11  }
0xba: {  	s0 =	sor.u32 s1, s0  }
0xbb: {  	s0 =	sadd.s32 $0x8F2B, s0  }
0xbc: {  	[sflag:s0] =	ssyncadd.remote.s32 $0x1  }
0xbd: {  	_ =	sfence.sel $0xFFFF  }
0xbe: {  	[dreg:$0x0] =	wrdreg $0xFFFFFFFF;
	(pc) =	sbr.abs _section_cstart, $3  }
0xbf: {  	[dreg:$0x1] =	wrdreg $0xFFFFFFFF  }
0xc0: {  	_ =	task.clear_ibuf [dreg:s6], $0x2FFFF;
	_ =	strace $0x9FFFFFFF  }
0xc1: {  	(tm) =	ssettm $0x7FFFFFFF  }
tec
execute0_lowered:
.L_overlay_start_1:
0x0: {  	(tag) =	ssettag $0x1  }
0x1: {  	s0 =	rddreg [dreg:$0x0];
	s2 =	simm.s32 $0x0  }
0x2: {  	s1 =	srdreg.scid;
	s23 =	stileid.u32;
	s11 =	simm.s32 $0x1  }
0x3: {  	s12 =	simm.s32 $0x80;
	s13 =	simm.s32 $0x400;
	s14 =	simm.s32 $0x800  }
0x4: {  	s15 =	simm.s32 $0x480;
	s16 =	simm.s32 $0x2800;
	s17 =	simm.s32 $0x500  }
0x5: {  	s18 =	simm.s32 $0x4800;
	s19 =	simm.s32 $0x580;
	s20 =	simm.s32 $0x6800  }
0x6: {  	s21 =	simm.s32 $0x200;
	s22 =	simm.s32 $0x2;
	s28 =	simm.s32 $0x700  }
0x7: {  	s29 =	simm.s32 $0xC800;
	s30 =	simm.s32 $0x780;
	s31 =	simm.s32 $0xE800  }
0x8: {  	s7 =	simm.s32 $0x0;
	[smem:$0x7FF] =	sst s2;
	s1 =	sand.u32 $0x1, s1  }
0x9: {  	s2 =	sshll.u32 s23, $0xA;
	s3 =	sadd.s32 $0x1A00, s0;
	s4 =	sadd.s32 $0x33A00, s0  }
0xa: {  	s23 =	simm.s32 $0x600;
	s5 =	sshll.u32 s1, $0x9;
	s1 =	ssub.s32 $0x2, s1  }
0xb: {  	_ =	strace $0x80000047;
	s5 =	sor.u32 s5, s2;
	s24 =	sshrl.u32 s1, $0x1  }
0xc: {  	s2 =	sshll.u32 s5, $0x3;
	s6 =	sshrl.u32 s5, $0x3;
	s1 =	ssub.s32 s1, s24  }
0xd: {  	s8 =	sor.u32 $0xC000, s5;
	s24 =	simm.s32 $0x8800;
	s6 =	sadd.s32 s4, s6  }
0xe: {  	s0 =	sadd.s32 s2, s0;
	s26 =	smax.u32 s1, $0x1;
	[dreg:$0x2] =	wrdreg s6  }
0xf: {  	s1 =	simm.s32 $0x4;
	s25 =	sadd.s32 $0x800, s6;
	[dreg:$0x5] =	wrdreg s26  }
0x10: {  	s0 =	sadd.s32 $0x65A00, s0;
	s26 =	simm.s32 $0xA800;
	[dreg:$0x3] =	wrdreg s25  }
0x11: {  	v0 =	vimm.f32 $0.0e+00;
	[dreg:$0x4] =	wrdreg s0;
	s25 =	simm.s32 $0x680;
	s0 =	simm.s32 $0x3  }
.LBB2_1:
0x12: {  	s2 =	simm.s32 $0x10880  }
0x13: {  	[tilespmem:s2+$0xFFFFFF80] =	vst v0  }
0x14: {  	[tilespmem:s2+$0x70] =	vst v0  }
0x15: {  	[tilespmem:s2+$0x60] =	vst v0  }
0x16: {  	[tilespmem:s2+$0x50] =	vst v0  }
0x17: {  	[tilespmem:s2+$0x40] =	vst v0  }
0x18: {  	[tilespmem:s2+$0x30] =	vst v0  }
0x19: {  	[tilespmem:s2+$0x20] =	vst v0  }
0x1a: {  	[tilespmem:s2+$0x10] =	vst v0  }
0x1b: {  	[tilespmem:s2+$0x0] =	vst v0  }
0x1c: {  	[tilespmem:s2+$0xFFFFFFF0] =	vst v0  }
0x1d: {  	[tilespmem:s2+$0xFFFFFFE0] =	vst v0  }
0x1e: {  	[tilespmem:s2+$0xFFFFFFD0] =	vst v0  }
0x1f: {  	[tilespmem:s2+$0xFFFFFFC0] =	vst v0  }
0x20: {  	[tilespmem:s2+$0xFFFFFFB0] =	vst v0  }
0x21: {  	s6 =	simm.s32 $0x0;
	[tilespmem:s2+$0xFFFFFFA0] =	vst v0  }
.LBB2_2:
0x22: {  	s6 =	sadd.s32 $0x4, s6;
	[tilespmem:s2+$0xFFFFFF90] =	vst v0;
	s2 =	sadd.s32 $0x100, s2  }
0x23: {  	[tilespmem:s2+$0xFFFFFF80] =	vst v0;
	p0 =	slt.u32 s6, $0x1FC  }
0x24: {  	[tilespmem:s2+$0x70] =	vst v0  }
0x25: {  	[tilespmem:s2+$0x60] =	vst v0  }
0x26: {  	[tilespmem:s2+$0x50] =	vst v0  }
0x27: {  	[tilespmem:s2+$0x40] =	vst v0  }
0x28: {  	[tilespmem:s2+$0x30] =	vst v0  }
0x29: {  	[tilespmem:s2+$0x20] =	vst v0  }
0x2a: {  	[tilespmem:s2+$0x10] =	vst v0  }
0x2b: {  	[tilespmem:s2+$0x0] =	vst v0  }
0x2c: {  	[tilespmem:s2+$0xFFFFFFF0] =	vst v0  }
.Ltmp0:
0x2d: {  	[tilespmem:s2+$0xFFFFFFE0] =	vst v0;
	(pc) =	sbr.rel @p0 .LBB2_2-.Ltmp0, $4  }
0x2e: {  	[tilespmem:s2+$0xFFFFFFD0] =	vst v0  }
0x2f: {  	[tilespmem:s2+$0xFFFFFFC0] =	vst v0  }
0x30: {  	[tilespmem:s2+$0xFFFFFFB0] =	vst v0  }
0x31: {  	[tilespmem:s2+$0xFFFFFFA0] =	vst v0  }
0x32: {  	[dreg:$0x6] =	wrdreg s7  }
0x33: {  	[tilespmem:s2+$0xFFFFFF90] =	vst v0;
	s10 =	simm.s32 $0x0;
	s7 =	rddreg [dreg:$0x2]  }
0x34: {  	[tilespmem:s10], [sflag:$0x1] =	stream.linear.gather [hbm4b:s7+s10], $0x200, $0x38;
	[tilespmem:$0x18800] =	vst v63  }
0x35: {  	_ =	swait.ge [sflag:s11], $0x200  }
0x36: {  	[sflag:s11] =	ssyncset.done $0x0  }
0x37: {  	[sflag:s11] =	ssyncadd.s32 $0xFFFFFE00  }
0x38: {  	v1 =	vld [tilespmem:$0x0]  }
0x39: {  	v2 =	vld [tilespmem:$0x10]  }
0x3a: {  	v3 =	vld [tilespmem:$0x20]  }
0x3b: {  	v4 =	vld [tilespmem:$0x30]  }
0x3c: {  	v5 =	vld [tilespmem:$0x40]  }
0x3d: {  	[tilespmem:$0x400] =	vst v1;
	v1 =	vld [tilespmem:$0x50]  }
0x3e: {  	[tilespmem:$0x410] =	vst v2;
	v2 =	vld [tilespmem:$0x60]  }
0x3f: {  	v54 =	vld [tilespmem:$0x80];
	[tilespmem:$0x420] =	vst v3  }
0x40: {  	v55 =	vld [tilespmem:$0x90];
	[tilespmem:$0x430] =	vst v4  }
0x41: {  	v3 =	vld [tilespmem:$0x70];
	[tilespmem:$0x440] =	vst v5  }
0x42: {  	[tilespmem:$0x450] =	vst v1;
	v1 =	vld [tilespmem:$0xA0]  }
0x43: {  	[tilespmem:$0x460] =	vst v2;
	v2 =	vld [tilespmem:$0xB0]  }
0x44: {  	v56 =	vld [tilespmem:$0xD0];
	[tilespmem:$0x480] =	vst v54  }
0x45: {  	v57 =	vld [tilespmem:$0xE0];
	[tilespmem:$0x490] =	vst v55  }
0x46: {  	[tilespmem:$0x470] =	vst v3;
	v3 =	vld [tilespmem:$0xC0]  }
0x47: {  	[tilespmem:$0x4A0] =	vst v1;
	v1 =	vld [tilespmem:$0xF0]  }
0x48: {  	[tilespmem:$0x4B0] =	vst v2;
	v2 =	vld [tilespmem:$0x100]  }
0x49: {  	v58 =	vld [tilespmem:$0x120];
	[tilespmem:$0x4D0] =	vst v56  }
0x4a: {  	v59 =	vld [tilespmem:$0x130];
	[tilespmem:$0x4E0] =	vst v57  }
0x4b: {  	[tilespmem:$0x4C0] =	vst v3;
	v3 =	vld [tilespmem:$0x110]  }
0x4c: {  	[tilespmem:$0x4F0] =	vst v1;
	v1 =	vld [tilespmem:$0x140]  }
0x4d: {  	[tilespmem:$0x500] =	vst v2;
	v2 =	vld [tilespmem:$0x150]  }
0x4e: {  	v60 =	vld [tilespmem:$0x170];
	[tilespmem:$0x520] =	vst v58  }
0x4f: {  	v61 =	vld [tilespmem:$0x180];
	[tilespmem:$0x530] =	vst v59  }
0x50: {  	[tilespmem:$0x510] =	vst v3;
	v3 =	vld [tilespmem:$0x160]  }
0x51: {  	[tilespmem:$0x540] =	vst v1;
	v1 =	vld [tilespmem:$0x190]  }
0x52: {  	[tilespmem:$0x550] =	vst v2;
	v2 =	vld [tilespmem:$0x1A0]  }
0x53: {  	v62 =	vld [tilespmem:$0x1C0];
	[tilespmem:$0x570] =	vst v60  }
0x54: {  	v63 =	vld [tilespmem:$0x1D0];
	[tilespmem:$0x580] =	vst v61  }
0x55: {  	[tilespmem:$0x560] =	vst v3;
	v3 =	vld [tilespmem:$0x1B0]  }
0x56: {  	[tilespmem:$0x590] =	vst v1;
	v1 =	vld [tilespmem:$0x1E0]  }
0x57: {  	[tilespmem:$0x5A0] =	vst v2;
	v2 =	vld [tilespmem:$0x1F0]  }
0x58: {  	[tilespmem:$0x5C0] =	vst v62  }
0x59: {  	[tilespmem:$0x5D0] =	vst v63  }
0x5a: {  	[tilespmem:$0x5B0] =	vst v3  }
0x5b: {  	[tilespmem:$0x5E0] =	vst v1  }
0x5c: {  	[tilespmem:$0x5F0] =	vst v2  }
0x5d: {  	[tilespmem:s14], [sflag:$0x3] =	stream.indirect.gather [hbm4b:s3+s12], $0x40, s13, s12, $0xb8;
	[tilespmem:$0x18800] =	vst v63  }
0x5e: {  	_ = 	snop  }
0x5f: {  	[tilespmem:s16], [sflag:$0x3] =	stream.indirect.gather [hbm4b:s3+s12], $0x40, s15, s12, $0xb8;
	[tilespmem:$0x18800] =	vst v63  }
0x60: {  	_ = 	snop  }
0x61: {  	[tilespmem:s18], [sflag:$0x3] =	stream.indirect.gather [hbm4b:s3+s12], $0x40, s17, s12, $0xb8;
	[tilespmem:$0x18800] =	vst v63  }
0x62: {  	_ = 	snop  }
0x63: {  	[tilespmem:s20], [sflag:$0x3] =	stream.indirect.gather [hbm4b:s3+s12], $0x40, s19, s12, $0xb8;
	[tilespmem:$0x18800] =	vst v63  }
0x64: {  	s9 =	rddreg [dreg:$0x3]  }
0x65: {  	[tilespmem:s21], [sflag:$0x2] =	stream.linear.gather [hbm4b:s9+s10], $0x200, $0x38;
	[tilespmem:$0x18800] =	vst v63  }
.LBB2_4:
0x66: {  	_ =	swait.ge [sflag:s22], $0x200  }
0x67: {  	[sflag:s22] =	ssyncset.done $0x0  }
0x68: {  	[sflag:s22] =	ssyncadd.s32 $0xFFFFFE00  }
0x69: {  	v1 =	vld [tilespmem:$0x200]  }
0x6a: {  	v2 =	vld [tilespmem:$0x210]  }
0x6b: {  	v3 =	vld [tilespmem:$0x220]  }
0x6c: {  	s2 =	sshll.u32 s10, $0x9;
	v4 =	vld [tilespmem:$0x230]  }
0x6d: {  	s2 =	sor.u32 $0x100, s2;
	v5 =	vld [tilespmem:$0x240]  }
0x6e: {  	v6 =	vld [tilespmem:$0x250];
	v1 =	vadd.s32 s2, v1  }
0x6f: {  	[tilespmem:$0x600] =	vst v1;
	v1 =	vadd.s32 s2, v2;
	v2 =	vld [tilespmem:$0x260]  }
0x70: {  	[tilespmem:$0x610] =	vst v1;
	v1 =	vadd.s32 s2, v3;
	v3 =	vld [tilespmem:$0x270]  }
0x71: {  	v46 =	vld [tilespmem:$0x280];
	[tilespmem:$0x620] =	vst v1;
	v1 =	vadd.s32 s2, v4  }
0x72: {  	v47 =	vld [tilespmem:$0x290];
	[tilespmem:$0x630] =	vst v1;
	v1 =	vadd.s32 s2, v5  }
0x73: {  	v48 =	vld [tilespmem:$0x2A0];
	[tilespmem:$0x640] =	vst v1;
	v1 =	vadd.s32 s2, v6  }
0x74: {  	[tilespmem:$0x650] =	vst v1;
	v1 =	vadd.s32 s2, v2;
	v2 =	vld [tilespmem:$0x2B0]  }
0x75: {  	[tilespmem:$0x660] =	vst v1;
	v1 =	vadd.s32 s2, v3;
	v3 =	vld [tilespmem:$0x2C0]  }
0x76: {  	v49 =	vld [tilespmem:$0x2D0];
	[tilespmem:$0x670] =	vst v1;
	v1 =	vadd.s32 s2, v46  }
0x77: {  	v50 =	vld [tilespmem:$0x2E0];
	[tilespmem:$0x680] =	vst v1;
	v1 =	vadd.s32 s2, v47  }
0x78: {  	v51 =	vld [tilespmem:$0x2F0];
	[tilespmem:$0x690] =	vst v1;
	v1 =	vadd.s32 s2, v48  }
0x79: {  	[tilespmem:$0x6A0] =	vst v1;
	v1 =	vadd.s32 s2, v2;
	v2 =	vld [tilespmem:$0x300]  }
0x7a: {  	[tilespmem:$0x6B0] =	vst v1;
	v1 =	vadd.s32 s2, v3;
	v3 =	vld [tilespmem:$0x310]  }
0x7b: {  	v52 =	vld [tilespmem:$0x320];
	[tilespmem:$0x6C0] =	vst v1;
	v1 =	vadd.s32 s2, v49  }
0x7c: {  	v53 =	vld [tilespmem:$0x330];
	[tilespmem:$0x6D0] =	vst v1;
	v1 =	vadd.s32 s2, v50  }
0x7d: {  	v54 =	vld [tilespmem:$0x340];
	[tilespmem:$0x6E0] =	vst v1;
	v1 =	vadd.s32 s2, v51  }
0x7e: {  	[tilespmem:$0x6F0] =	vst v1;
	v1 =	vadd.s32 s2, v2;
	v2 =	vld [tilespmem:$0x350]  }
0x7f: {  	[tilespmem:$0x700] =	vst v1;
	v1 =	vadd.s32 s2, v3;
	v3 =	vld [tilespmem:$0x360]  }
0x80: {  	v55 =	vld [tilespmem:$0x370];
	[tilespmem:$0x710] =	vst v1;
	v1 =	vadd.s32 s2, v52  }
0x81: {  	v56 =	vld [tilespmem:$0x380];
	[tilespmem:$0x720] =	vst v1;
	v1 =	vadd.s32 s2, v53  }
0x82: {  	v57 =	vld [tilespmem:$0x390];
	[tilespmem:$0x730] =	vst v1;
	v1 =	vadd.s32 s2, v54  }
0x83: {  	[tilespmem:$0x740] =	vst v1;
	v1 =	vadd.s32 s2, v2;
	v2 =	vld [tilespmem:$0x3A0]  }
0x84: {  	[tilespmem:$0x750] =	vst v1;
	v1 =	vadd.s32 s2, v3;
	v3 =	vld [tilespmem:$0x3B0]  }
0x85: {  	v58 =	vld [tilespmem:$0x3C0];
	[tilespmem:$0x760] =	vst v1;
	v1 =	vadd.s32 s2, v55  }
0x86: {  	v59 =	vld [tilespmem:$0x3D0];
	[tilespmem:$0x770] =	vst v1;
	v1 =	vadd.s32 s2, v56  }
0x87: {  	v60 =	vld [tilespmem:$0x3E0];
	[tilespmem:$0x780] =	vst v1;
	v1 =	vadd.s32 s2, v57  }
0x88: {  	[tilespmem:$0x790] =	vst v1;
	v1 =	vadd.s32 s2, v2;
	v2 =	vld [tilespmem:$0x3F0]  }
0x89: {  	[tilespmem:$0x7A0] =	vst v1;
	v1 =	vadd.s32 s2, v3  }
0x8a: {  	[tilespmem:$0x7B0] =	vst v1;
	v1 =	vadd.s32 s2, v58  }
0x8b: {  	[tilespmem:$0x7C0] =	vst v1;
	v1 =	vadd.s32 s2, v59  }
0x8c: {  	[tilespmem:$0x7D0] =	vst v1;
	v1 =	vadd.s32 s2, v60  }
0x8d: {  	s9 =	sshll.u32 s10, $0x1;
	[tilespmem:$0x7E0] =	vst v1;
	v1 =	vadd.s32 s2, v2  }
0x8e: {  	p0 =	seq.s32 s10, $0x31;
	s6 =	sadd.s32 $0x2, s9;
	[tilespmem:$0x7F0] =	vst v1  }
0x8f: {  	[tilespmem:s24], [sflag:$0x4] =	stream.indirect.gather [hbm4b:s3+s12], $0x40, s23, s12, $0xb8;
	[tilespmem:$0x18800] =	vst v63  }
0x90: {  	s2 =	sshll.u32 @!p0 s6, $0xE  }
0x91: {  	[tilespmem:s26], [sflag:$0x4] =	stream.indirect.gather [hbm4b:s3+s12], $0x40, s25, s12, $0xb8;
	[tilespmem:$0x18800] =	vst v63  }
0x92: {  	s2 =	sor.u32 @!p0 s5, s2  }
0x93: {  	[tilespmem:s29], [sflag:$0x4] =	stream.indirect.gather [hbm4b:s3+s12], $0x40, s28, s12, $0xb8;
	[tilespmem:$0x18800] =	vst v63  }
0x94: {  	s2 =	sshrl.u32 @!p0 s2, $0x3  }
0x95: {  	[tilespmem:s31], [sflag:$0x4] =	stream.indirect.gather [hbm4b:s3+s12], $0x40, s30, s12, $0xb8;
	[tilespmem:$0x18800] =	vst v63  }
0x96: {  	s7 =	simm.s32 @!p0 $0x0;
	s2 =	sadd.s32 @!p0 s4, s2  }
0x97: {  	[tilespmem:s7], [sflag:$0x1] =	stream.linear.gather @!p0 [hbm4b:s2+s7], $0x200, $0x38;
	[tilespmem:$0x18800] =	vst v63  }
0x98: {  	_ =	swait.ge [sflag:s0], $0x2000  }
0x99: {  	[sflag:s0] =	ssyncset.done $0x0  }
0x9a: {  	[sflag:s0] =	ssyncadd.s32 $0xFFFFE000  }
0x9b: {  	_ =	swait.ge [sflag:s0], $0x2000  }
0x9c: {  	[sflag:s0] =	ssyncset.done $0x0  }
0x9d: {  	[sflag:s0] =	ssyncadd.s32 $0xFFFFE000  }
0x9e: {  	_ =	swait.ge [sflag:s0], $0x2000  }
0x9f: {  	[sflag:s0] =	ssyncset.done $0x0  }
0xa0: {  	[sflag:s0] =	ssyncadd.s32 $0xFFFFE000  }
0xa1: {  	_ =	swait.ge [sflag:s0], $0x2000  }
0xa2: {  	[sflag:s0] =	ssyncset.done $0x0  }
0xa3: {  	s7 =	simm.s32 $0x0;
	[sflag:s0] =	ssyncadd.s32 $0xFFFFE000  }
0xa4: {  	v1 =	vld [tilespmem:s7+$0x9F0]  }
0xa5: {  	v2 =	vld [tilespmem:s7+$0x800]  }
0xa6: {  	v3 =	vld [tilespmem:s7+$0x810]  }
0xa7: {  	v61 =	vld [tilespmem:s7+$0x820]  }
0xa8: {  	v62 =	vld [tilespmem:s7+$0x830]  }
0xa9: {  	v63 =	vld [tilespmem:s7+$0x840]  }
0xaa: {  	v7 =	vld [tilespmem:s7+$0x850]  }
0xab: {  	v8 =	vld [tilespmem:s7+$0x860]  }
0xac: {  	v9 =	vld [tilespmem:s7+$0x870]  }
0xad: {  	v10 =	vld [tilespmem:s7+$0x880]  }
0xae: {  	v11 =	vld [tilespmem:s7+$0x890]  }
0xaf: {  	v12 =	vld [tilespmem:s7+$0x8A0]  }
0xb0: {  	v13 =	vld [tilespmem:s7+$0x8B0]  }
0xb1: {  	v14 =	vld [tilespmem:s7+$0x8C0]  }
0xb2: {  	v15 =	vld [tilespmem:s7+$0x8D0]  }
0xb3: {  	v16 =	vld [tilespmem:s7+$0x8E0]  }
0xb4: {  	v17 =	vld [tilespmem:s7+$0x8F0]  }
0xb5: {  	v18 =	vld [tilespmem:s7+$0x900]  }
0xb6: {  	v19 =	vld [tilespmem:s7+$0x910]  }
0xb7: {  	v20 =	vld [tilespmem:s7+$0x920]  }
0xb8: {  	v21 =	vld [tilespmem:s7+$0x930]  }
0xb9: {  	v22 =	vld [tilespmem:s7+$0x940]  }
0xba: {  	v23 =	vld [tilespmem:s7+$0x950]  }
0xbb: {  	v24 =	vld [tilespmem:s7+$0x960]  }
0xbc: {  	v25 =	vld [tilespmem:s7+$0x970]  }
0xbd: {  	v26 =	vld [tilespmem:s7+$0x980]  }
0xbe: {  	v27 =	vld [tilespmem:s7+$0x990]  }
0xbf: {  	v28 =	vld [tilespmem:s7+$0x9A0]  }
0xc0: {  	v29 =	vld [tilespmem:s7+$0x9B0]  }
0xc1: {  	v30 =	vld [tilespmem:s7+$0x9C0]  }
0xc2: {  	v31 =	vld [tilespmem:s7+$0x9D0]  }
0xc3: {  	[tilespmem:s7+$0x109F0] =	vst.add.f32.msk $0xffff, v1  }
0xc4: {  	v1 =	vld [tilespmem:s7+$0x9E0]  }
0xc5: {  	[tilespmem:s7+$0x10800] =	vst.add.f32.msk $0xffff, v2  }
0xc6: {  	[tilespmem:s7+$0x10810] =	vst.add.f32.msk $0xffff, v3  }
0xc7: {  	[tilespmem:s7+$0x10820] =	vst.add.f32.msk $0xffff, v61  }
0xc8: {  	[tilespmem:s7+$0x10830] =	vst.add.f32.msk $0xffff, v62  }
0xc9: {  	[tilespmem:s7+$0x10840] =	vst.add.f32.msk $0xffff, v63  }
0xca: {  	[tilespmem:s7+$0x10850] =	vst.add.f32.msk $0xffff, v7  }
0xcb: {  	[tilespmem:s7+$0x10860] =	vst.add.f32.msk $0xffff, v8  }
0xcc: {  	[tilespmem:s7+$0x10870] =	vst.add.f32.msk $0xffff, v9  }
0xcd: {  	[tilespmem:s7+$0x10880] =	vst.add.f32.msk $0xffff, v10  }
0xce: {  	[tilespmem:s7+$0x10890] =	vst.add.f32.msk $0xffff, v11  }
0xcf: {  	[tilespmem:s7+$0x108A0] =	vst.add.f32.msk $0xffff, v12  }
0xd0: {  	[tilespmem:s7+$0x108B0] =	vst.add.f32.msk $0xffff, v13  }
0xd1: {  	[tilespmem:s7+$0x108C0] =	vst.add.f32.msk $0xffff, v14  }
0xd2: {  	[tilespmem:s7+$0x108D0] =	vst.add.f32.msk $0xffff, v15  }
0xd3: {  	[tilespmem:s7+$0x108E0] =	vst.add.f32.msk $0xffff, v16  }
0xd4: {  	[tilespmem:s7+$0x108F0] =	vst.add.f32.msk $0xffff, v17  }
0xd5: {  	[tilespmem:s7+$0x10900] =	vst.add.f32.msk $0xffff, v18  }
0xd6: {  	[tilespmem:s7+$0x10910] =	vst.add.f32.msk $0xffff, v19  }
0xd7: {  	[tilespmem:s7+$0x10920] =	vst.add.f32.msk $0xffff, v20  }
0xd8: {  	[tilespmem:s7+$0x10930] =	vst.add.f32.msk $0xffff, v21  }
0xd9: {  	[tilespmem:s7+$0x10940] =	vst.add.f32.msk $0xffff, v22  }
0xda: {  	[tilespmem:s7+$0x10950] =	vst.add.f32.msk $0xffff, v23  }
0xdb: {  	[tilespmem:s7+$0x10960] =	vst.add.f32.msk $0xffff, v24  }
0xdc: {  	[tilespmem:s7+$0x10970] =	vst.add.f32.msk $0xffff, v25  }
0xdd: {  	[tilespmem:s7+$0x10980] =	vst.add.f32.msk $0xffff, v26  }
0xde: {  	[tilespmem:s7+$0x10990] =	vst.add.f32.msk $0xffff, v27  }
0xdf: {  	[tilespmem:s7+$0x109A0] =	vst.add.f32.msk $0xffff, v28  }
0xe0: {  	[tilespmem:s7+$0x109B0] =	vst.add.f32.msk $0xffff, v29  }
0xe1: {  	[tilespmem:s7+$0x109C0] =	vst.add.f32.msk $0xffff, v30  }
0xe2: {  	s9 =	simm.s32 $0x0;
	s2 =	simm.s32 $0x800;
	[tilespmem:s7+$0x109D0] =	vst.add.f32.msk $0xffff, v31  }
.LBB2_5:
0xe3: {  	s9 =	sadd.s32 $0x8, s9;
	[tilespmem:s7+$0x109E0] =	vst.add.f32.msk $0xffff, v1;
	s7 =	sshra.s32 s2, $0x2  }
0xe4: {  	v1 =	vld [tilespmem:s7+$0x9F0];
	p1 =	slt.u32 s9, $0x1F8  }
0xe5: {  	v2 =	vld [tilespmem:s7+$0x800]  }
0xe6: {  	v3 =	vld [tilespmem:s7+$0x810]  }
0xe7: {  	v4 =	vld [tilespmem:s7+$0x820]  }
0xe8: {  	v5 =	vld [tilespmem:s7+$0x830]  }
0xe9: {  	[tilespmem:s7+$0x109F0] =	vst.add.f32.msk $0xffff, v1  }
0xea: {  	v6 =	vld [tilespmem:s7+$0x840]  }
0xeb: {  	v7 =	vld [tilespmem:s7+$0x850]  }
0xec: {  	v8 =	vld [tilespmem:s7+$0x860]  }
0xed: {  	v9 =	vld [tilespmem:s7+$0x870]  }
0xee: {  	v10 =	vld [tilespmem:s7+$0x880]  }
0xef: {  	v11 =	vld [tilespmem:s7+$0x890]  }
0xf0: {  	v12 =	vld [tilespmem:s7+$0x8A0]  }
0xf1: {  	v13 =	vld [tilespmem:s7+$0x8B0]  }
0xf2: {  	v14 =	vld [tilespmem:s7+$0x8C0]  }
0xf3: {  	v15 =	vld [tilespmem:s7+$0x8D0]  }
0xf4: {  	v16 =	vld [tilespmem:s7+$0x8E0]  }
0xf5: {  	v17 =	vld [tilespmem:s7+$0x8F0]  }
0xf6: {  	v18 =	vld [tilespmem:s7+$0x900]  }
0xf7: {  	v19 =	vld [tilespmem:s7+$0x910]  }
0xf8: {  	v20 =	vld [tilespmem:s7+$0x920]  }
0xf9: {  	v21 =	vld [tilespmem:s7+$0x930]  }
0xfa: {  	v22 =	vld [tilespmem:s7+$0x940]  }
0xfb: {  	v23 =	vld [tilespmem:s7+$0x950]  }
0xfc: {  	v24 =	vld [tilespmem:s7+$0x960]  }
0xfd: {  	v25 =	vld [tilespmem:s7+$0x970]  }
0xfe: {  	v26 =	vld [tilespmem:s7+$0x980]  }
0xff: {  	v27 =	vld [tilespmem:s7+$0x990]  }
0x100: {  	v28 =	vld [tilespmem:s7+$0x9A0]  }
0x101: {  	v29 =	vld [tilespmem:s7+$0x9B0]  }
0x102: {  	v30 =	vld [tilespmem:s7+$0x9C0]  }
0x103: {  	v31 =	vld [tilespmem:s7+$0x9D0]  }
0x104: {  	v1 =	vld [tilespmem:s7+$0x9E0]  }
0x105: {  	[tilespmem:s7+$0x10800] =	vst.add.f32.msk $0xffff, v2  }
0x106: {  	[tilespmem:s7+$0x10810] =	vst.add.f32.msk $0xffff, v3  }
0x107: {  	[tilespmem:s7+$0x10820] =	vst.add.f32.msk $0xffff, v4  }
0x108: {  	[tilespmem:s7+$0x10830] =	vst.add.f32.msk $0xffff, v5  }
0x109: {  	[tilespmem:s7+$0x10840] =	vst.add.f32.msk $0xffff, v6  }
0x10a: {  	[tilespmem:s7+$0x10850] =	vst.add.f32.msk $0xffff, v7  }
0x10b: {  	[tilespmem:s7+$0x10860] =	vst.add.f32.msk $0xffff, v8  }
0x10c: {  	[tilespmem:s7+$0x10870] =	vst.add.f32.msk $0xffff, v9  }
0x10d: {  	[tilespmem:s7+$0x10880] =	vst.add.f32.msk $0xffff, v10  }
0x10e: {  	[tilespmem:s7+$0x10890] =	vst.add.f32.msk $0xffff, v11  }
0x10f: {  	[tilespmem:s7+$0x108A0] =	vst.add.f32.msk $0xffff, v12  }
0x110: {  	[tilespmem:s7+$0x108B0] =	vst.add.f32.msk $0xffff, v13  }
0x111: {  	[tilespmem:s7+$0x108C0] =	vst.add.f32.msk $0xffff, v14  }
0x112: {  	[tilespmem:s7+$0x108D0] =	vst.add.f32.msk $0xffff, v15  }
0x113: {  	[tilespmem:s7+$0x108E0] =	vst.add.f32.msk $0xffff, v16  }
0x114: {  	[tilespmem:s7+$0x108F0] =	vst.add.f32.msk $0xffff, v17  }
0x115: {  	[tilespmem:s7+$0x10900] =	vst.add.f32.msk $0xffff, v18  }
0x116: {  	[tilespmem:s7+$0x10910] =	vst.add.f32.msk $0xffff, v19  }
0x117: {  	[tilespmem:s7+$0x10920] =	vst.add.f32.msk $0xffff, v20  }
0x118: {  	[tilespmem:s7+$0x10930] =	vst.add.f32.msk $0xffff, v21  }
0x119: {  	[tilespmem:s7+$0x10940] =	vst.add.f32.msk $0xffff, v22  }
0x11a: {  	[tilespmem:s7+$0x10950] =	vst.add.f32.msk $0xffff, v23  }
0x11b: {  	[tilespmem:s7+$0x10960] =	vst.add.f32.msk $0xffff, v24  }
0x11c: {  	[tilespmem:s7+$0x10970] =	vst.add.f32.msk $0xffff, v25  }
0x11d: {  	[tilespmem:s7+$0x10980] =	vst.add.f32.msk $0xffff, v26  }
.Ltmp1:
0x11e: {  	[tilespmem:s7+$0x10990] =	vst.add.f32.msk $0xffff, v27;
	(pc) =	sbr.rel @p1 .LBB2_5-.Ltmp1, $4  }
0x11f: {  	[tilespmem:s7+$0x109A0] =	vst.add.f32.msk $0xffff, v28  }
0x120: {  	[tilespmem:s7+$0x109B0] =	vst.add.f32.msk $0xffff, v29  }
0x121: {  	[tilespmem:s7+$0x109C0] =	vst.add.f32.msk $0xffff, v30  }
0x122: {  	s2 =	sadd.s32 $0x800, s2;
	[tilespmem:s7+$0x109D0] =	vst.add.f32.msk $0xffff, v31  }
.Ltmp2:
0x123: {  	(pc) =	sbr.rel @p0 .LBB2_8-.Ltmp2, $2  }
0x124: {  	_ =	sdelay $0x2  }
0x125: {  	[tilespmem:s7+$0x109E0] =	vst.add.f32.msk $0xffff, v1  }
0x126: {  	_ =	swait.ge [sflag:s11], $0x200  }
0x127: {  	[sflag:s11] =	ssyncset.done $0x0  }
0x128: {  	[sflag:s11] =	ssyncadd.s32 $0xFFFFFE00  }
0x129: {  	v1 =	vld [tilespmem:$0x0]  }
0x12a: {  	v2 =	vld [tilespmem:$0x10]  }
0x12b: {  	v3 =	vld [tilespmem:$0x20]  }
0x12c: {  	v4 =	vld [tilespmem:$0x30]  }
0x12d: {  	s2 =	sshll.u32 s6, $0x8;
	v5 =	vld [tilespmem:$0x40]  }
0x12e: {  	v6 =	vld [tilespmem:$0x50];
	v1 =	vadd.s32 s2, v1  }
0x12f: {  	[tilespmem:$0x400] =	vst v1;
	v1 =	vadd.s32 s2, v2;
	v2 =	vld [tilespmem:$0x60]  }
0x130: {  	[tilespmem:$0x410] =	vst v1;
	v1 =	vadd.s32 s2, v3;
	v3 =	vld [tilespmem:$0x70]  }
0x131: {  	v49 =	vld [tilespmem:$0x80];
	[tilespmem:$0x420] =	vst v1;
	v1 =	vadd.s32 s2, v4  }
0x132: {  	v50 =	vld [tilespmem:$0x90];
	[tilespmem:$0x430] =	vst v1;
	v1 =	vadd.s32 s2, v5  }
0x133: {  	v51 =	vld [tilespmem:$0xA0];
	[tilespmem:$0x440] =	vst v1;
	v1 =	vadd.s32 s2, v6  }
0x134: {  	[tilespmem:$0x450] =	vst v1;
	v1 =	vadd.s32 s2, v2;
	v2 =	vld [tilespmem:$0xB0]  }
0x135: {  	[tilespmem:$0x460] =	vst v1;
	v1 =	vadd.s32 s2, v3;
	v3 =	vld [tilespmem:$0xC0]  }
0x136: {  	v52 =	vld [tilespmem:$0xD0];
	[tilespmem:$0x470] =	vst v1;
	v1 =	vadd.s32 s2, v49  }
0x137: {  	v53 =	vld [tilespmem:$0xE0];
	[tilespmem:$0x480] =	vst v1;
	v1 =	vadd.s32 s2, v50  }
0x138: {  	v54 =	vld [tilespmem:$0xF0];
	[tilespmem:$0x490] =	vst v1;
	v1 =	vadd.s32 s2, v51  }
0x139: {  	[tilespmem:$0x4A0] =	vst v1;
	v1 =	vadd.s32 s2, v2;
	v2 =	vld [tilespmem:$0x100]  }
0x13a: {  	[tilespmem:$0x4B0] =	vst v1;
	v1 =	vadd.s32 s2, v3;
	v3 =	vld [tilespmem:$0x110]  }
0x13b: {  	v55 =	vld [tilespmem:$0x120];
	[tilespmem:$0x4C0] =	vst v1;
	v1 =	vadd.s32 s2, v52  }
0x13c: {  	v56 =	vld [tilespmem:$0x130];
	[tilespmem:$0x4D0] =	vst v1;
	v1 =	vadd.s32 s2, v53  }
0x13d: {  	v57 =	vld [tilespmem:$0x140];
	[tilespmem:$0x4E0] =	vst v1;
	v1 =	vadd.s32 s2, v54  }
0x13e: {  	[tilespmem:$0x4F0] =	vst v1;
	v1 =	vadd.s32 s2, v2;
	v2 =	vld [tilespmem:$0x150]  }
0x13f: {  	[tilespmem:$0x500] =	vst v1;
	v1 =	vadd.s32 s2, v3;
	v3 =	vld [tilespmem:$0x160]  }
0x140: {  	v58 =	vld [tilespmem:$0x170];
	[tilespmem:$0x510] =	vst v1;
	v1 =	vadd.s32 s2, v55  }
0x141: {  	v59 =	vld [tilespmem:$0x180];
	[tilespmem:$0x520] =	vst v1;
	v1 =	vadd.s32 s2, v56  }
0x142: {  	v60 =	vld [tilespmem:$0x190];
	[tilespmem:$0x530] =	vst v1;
	v1 =	vadd.s32 s2, v57  }
0x143: {  	[tilespmem:$0x540] =	vst v1;
	v1 =	vadd.s32 s2, v2;
	v2 =	vld [tilespmem:$0x1A0]  }
0x144: {  	[tilespmem:$0x550] =	vst v1;
	v1 =	vadd.s32 s2, v3;
	v3 =	vld [tilespmem:$0x1B0]  }
0x145: {  	v61 =	vld [tilespmem:$0x1C0];
	[tilespmem:$0x560] =	vst v1;
	v1 =	vadd.s32 s2, v58  }
0x146: {  	v62 =	vld [tilespmem:$0x1D0];
	[tilespmem:$0x570] =	vst v1;
	v1 =	vadd.s32 s2, v59  }
0x147: {  	v63 =	vld [tilespmem:$0x1E0];
	[tilespmem:$0x580] =	vst v1;
	v1 =	vadd.s32 s2, v60  }
0x148: {  	[tilespmem:$0x590] =	vst v1;
	v1 =	vadd.s32 s2, v2;
	v2 =	vld [tilespmem:$0x1F0]  }
0x149: {  	[tilespmem:$0x5A0] =	vst v1;
	v1 =	vadd.s32 s2, v3  }
0x14a: {  	[tilespmem:$0x5B0] =	vst v1;
	v1 =	vadd.s32 s2, v61  }
0x14b: {  	[tilespmem:$0x5C0] =	vst v1;
	v1 =	vadd.s32 s2, v62  }
0x14c: {  	[tilespmem:$0x5D0] =	vst v1;
	v1 =	vadd.s32 s2, v63  }
0x14d: {  	[tilespmem:$0x5E0] =	vst v1;
	v1 =	vadd.s32 s2, v2  }
0x14e: {  	[tilespmem:$0x5F0] =	vst v1  }
0x14f: {  	[tilespmem:s14], [sflag:$0x3] =	stream.indirect.gather [hbm4b:s3+s12], $0x40, s13, s12, $0xb8;
	[tilespmem:$0x18800] =	vst v63  }
0x150: {  	s7 =	sshll.u32 s10, $0xF  }
0x151: {  	[tilespmem:s16], [sflag:$0x3] =	stream.indirect.gather [hbm4b:s3+s12], $0x40, s15, s12, $0xb8;
	[tilespmem:$0x18800] =	vst v63  }
0x152: {  	s2 =	sadd.s32 s8, s7  }
0x153: {  	[tilespmem:s18], [sflag:$0x3] =	stream.indirect.gather [hbm4b:s3+s12], $0x40, s17, s12, $0xb8;
	[tilespmem:$0x18800] =	vst v63  }
0x154: {  	s2 =	sshrl.u32 s2, $0x3  }
0x155: {  	[tilespmem:s20], [sflag:$0x3] =	stream.indirect.gather [hbm4b:s3+s12], $0x40, s19, s12, $0xb8;
	[tilespmem:$0x18800] =	vst v63  }
0x156: {  	s9 =	simm.s32 $0x0;
	s2 =	sadd.s32 s4, s2  }
0x157: {  	[tilespmem:s21], [sflag:$0x2] =	stream.linear.gather [hbm4b:s2+s9], $0x200, $0x38;
	[tilespmem:$0x18800] =	vst v63  }
.LBB2_8:
0x158: {  	_ =	swait.ge [sflag:s1], $0x2000  }
0x159: {  	[sflag:s1] =	ssyncset.done $0x0  }
0x15a: {  	[sflag:s1] =	ssyncadd.s32 $0xFFFFE000  }
0x15b: {  	_ =	swait.ge [sflag:s1], $0x2000  }
0x15c: {  	[sflag:s1] =	ssyncset.done $0x0  }
0x15d: {  	[sflag:s1] =	ssyncadd.s32 $0xFFFFE000  }
0x15e: {  	_ =	swait.ge [sflag:s1], $0x2000  }
0x15f: {  	[sflag:s1] =	ssyncset.done $0x0  }
0x160: {  	[sflag:s1] =	ssyncadd.s32 $0xFFFFE000  }
0x161: {  	_ =	swait.ge [sflag:s1], $0x2000  }
0x162: {  	[sflag:s1] =	ssyncset.done $0x0  }
0x163: {  	s6 =	simm.s32 $0x0;
	[sflag:s1] =	ssyncadd.s32 $0xFFFFE000  }
0x164: {  	v1 =	vld [tilespmem:s6+$0x89F0]  }
0x165: {  	v2 =	vld [tilespmem:s6+$0x8800]  }
0x166: {  	v3 =	vld [tilespmem:s6+$0x8810]  }
0x167: {  	v4 =	vld [tilespmem:s6+$0x8820]  }
0x168: {  	v5 =	vld [tilespmem:s6+$0x8830]  }
0x169: {  	v6 =	vld [tilespmem:s6+$0x8840]  }
0x16a: {  	v7 =	vld [tilespmem:s6+$0x8850]  }
0x16b: {  	v8 =	vld [tilespmem:s6+$0x8860]  }
0x16c: {  	v9 =	vld [tilespmem:s6+$0x8870]  }
0x16d: {  	v10 =	vld [tilespmem:s6+$0x8880]  }
0x16e: {  	v11 =	vld [tilespmem:s6+$0x8890]  }
0x16f: {  	v12 =	vld [tilespmem:s6+$0x88A0]  }
0x170: {  	v13 =	vld [tilespmem:s6+$0x88B0]  }
0x171: {  	v14 =	vld [tilespmem:s6+$0x88C0]  }
0x172: {  	v15 =	vld [tilespmem:s6+$0x88D0]  }
0x173: {  	v16 =	vld [tilespmem:s6+$0x88E0]  }
0x174: {  	v17 =	vld [tilespmem:s6+$0x88F0]  }
0x175: {  	v18 =	vld [tilespmem:s6+$0x8900]  }
0x176: {  	v19 =	vld [tilespmem:s6+$0x8910]  }
0x177: {  	v20 =	vld [tilespmem:s6+$0x8920]  }
0x178: {  	v21 =	vld [tilespmem:s6+$0x8930]  }
0x179: {  	v22 =	vld [tilespmem:s6+$0x8940]  }
0x17a: {  	v23 =	vld [tilespmem:s6+$0x8950]  }
0x17b: {  	v24 =	vld [tilespmem:s6+$0x8960]  }
0x17c: {  	v25 =	vld [tilespmem:s6+$0x8970]  }
0x17d: {  	v26 =	vld [tilespmem:s6+$0x8980]  }
0x17e: {  	v27 =	vld [tilespmem:s6+$0x8990]  }
0x17f: {  	v28 =	vld [tilespmem:s6+$0x89A0]  }
0x180: {  	v29 =	vld [tilespmem:s6+$0x89B0]  }
0x181: {  	v30 =	vld [tilespmem:s6+$0x89C0]  }
0x182: {  	v31 =	vld [tilespmem:s6+$0x89D0]  }
0x183: {  	[tilespmem:s6+$0x109F0] =	vst.add.f32.msk $0xffff, v1  }
0x184: {  	v1 =	vld [tilespmem:s6+$0x89E0]  }
0x185: {  	[tilespmem:s6+$0x10800] =	vst.add.f32.msk $0xffff, v2  }
0x186: {  	[tilespmem:s6+$0x10810] =	vst.add.f32.msk $0xffff, v3  }
0x187: {  	[tilespmem:s6+$0x10820] =	vst.add.f32.msk $0xffff, v4  }
0x188: {  	[tilespmem:s6+$0x10830] =	vst.add.f32.msk $0xffff, v5  }
0x189: {  	[tilespmem:s6+$0x10840] =	vst.add.f32.msk $0xffff, v6  }
0x18a: {  	[tilespmem:s6+$0x10850] =	vst.add.f32.msk $0xffff, v7  }
0x18b: {  	[tilespmem:s6+$0x10860] =	vst.add.f32.msk $0xffff, v8  }
0x18c: {  	[tilespmem:s6+$0x10870] =	vst.add.f32.msk $0xffff, v9  }
0x18d: {  	[tilespmem:s6+$0x10880] =	vst.add.f32.msk $0xffff, v10  }
0x18e: {  	[tilespmem:s6+$0x10890] =	vst.add.f32.msk $0xffff, v11  }
0x18f: {  	[tilespmem:s6+$0x108A0] =	vst.add.f32.msk $0xffff, v12  }
0x190: {  	[tilespmem:s6+$0x108B0] =	vst.add.f32.msk $0xffff, v13  }
0x191: {  	[tilespmem:s6+$0x108C0] =	vst.add.f32.msk $0xffff, v14  }
0x192: {  	[tilespmem:s6+$0x108D0] =	vst.add.f32.msk $0xffff, v15  }
0x193: {  	[tilespmem:s6+$0x108E0] =	vst.add.f32.msk $0xffff, v16  }
0x194: {  	[tilespmem:s6+$0x108F0] =	vst.add.f32.msk $0xffff, v17  }
0x195: {  	[tilespmem:s6+$0x10900] =	vst.add.f32.msk $0xffff, v18  }
0x196: {  	[tilespmem:s6+$0x10910] =	vst.add.f32.msk $0xffff, v19  }
0x197: {  	[tilespmem:s6+$0x10920] =	vst.add.f32.msk $0xffff, v20  }
0x198: {  	[tilespmem:s6+$0x10930] =	vst.add.f32.msk $0xffff, v21  }
0x199: {  	[tilespmem:s6+$0x10940] =	vst.add.f32.msk $0xffff, v22  }
0x19a: {  	[tilespmem:s6+$0x10950] =	vst.add.f32.msk $0xffff, v23  }
0x19b: {  	[tilespmem:s6+$0x10960] =	vst.add.f32.msk $0xffff, v24  }
0x19c: {  	[tilespmem:s6+$0x10970] =	vst.add.f32.msk $0xffff, v25  }
0x19d: {  	[tilespmem:s6+$0x10980] =	vst.add.f32.msk $0xffff, v26  }
0x19e: {  	[tilespmem:s6+$0x10990] =	vst.add.f32.msk $0xffff, v27  }
0x19f: {  	[tilespmem:s6+$0x109A0] =	vst.add.f32.msk $0xffff, v28  }
0x1a0: {  	[tilespmem:s6+$0x109B0] =	vst.add.f32.msk $0xffff, v29  }
0x1a1: {  	[tilespmem:s6+$0x109C0] =	vst.add.f32.msk $0xffff, v30  }
0x1a2: {  	s7 =	simm.s32 $0x0;
	s2 =	simm.s32 $0x800;
	[tilespmem:s6+$0x109D0] =	vst.add.f32.msk $0xffff, v31  }
.LBB2_9:
0x1a3: {  	s7 =	sadd.s32 $0x8, s7;
	[tilespmem:s6+$0x109E0] =	vst.add.f32.msk $0xffff, v1;
	s6 =	sshra.s32 s2, $0x2  }
0x1a4: {  	v1 =	vld [tilespmem:s6+$0x89F0];
	p0 =	slt.u32 s7, $0x1F8  }
0x1a5: {  	v2 =	vld [tilespmem:s6+$0x8800]  }
0x1a6: {  	v3 =	vld [tilespmem:s6+$0x8810]  }
0x1a7: {  	v4 =	vld [tilespmem:s6+$0x8820]  }
0x1a8: {  	v5 =	vld [tilespmem:s6+$0x8830]  }
0x1a9: {  	[tilespmem:s6+$0x109F0] =	vst.add.f32.msk $0xffff, v1  }
0x1aa: {  	v6 =	vld [tilespmem:s6+$0x8840]  }
0x1ab: {  	v7 =	vld [tilespmem:s6+$0x8850]  }
0x1ac: {  	v8 =	vld [tilespmem:s6+$0x8860]  }
0x1ad: {  	v9 =	vld [tilespmem:s6+$0x8870]  }
0x1ae: {  	v10 =	vld [tilespmem:s6+$0x8880]  }
0x1af: {  	v11 =	vld [tilespmem:s6+$0x8890]  }
0x1b0: {  	v12 =	vld [tilespmem:s6+$0x88A0]  }
0x1b1: {  	v13 =	vld [tilespmem:s6+$0x88B0]  }
0x1b2: {  	v14 =	vld [tilespmem:s6+$0x88C0]  }
0x1b3: {  	v15 =	vld [tilespmem:s6+$0x88D0]  }
0x1b4: {  	v16 =	vld [tilespmem:s6+$0x88E0]  }
0x1b5: {  	v17 =	vld [tilespmem:s6+$0x88F0]  }
0x1b6: {  	v18 =	vld [tilespmem:s6+$0x8900]  }
0x1b7: {  	v19 =	vld [tilespmem:s6+$0x8910]  }
0x1b8: {  	v20 =	vld [tilespmem:s6+$0x8920]  }
0x1b9: {  	v21 =	vld [tilespmem:s6+$0x8930]  }
0x1ba: {  	v22 =	vld [tilespmem:s6+$0x8940]  }
0x1bb: {  	v23 =	vld [tilespmem:s6+$0x8950]  }
0x1bc: {  	v24 =	vld [tilespmem:s6+$0x8960]  }
0x1bd: {  	v25 =	vld [tilespmem:s6+$0x8970]  }
0x1be: {  	v26 =	vld [tilespmem:s6+$0x8980]  }
0x1bf: {  	v27 =	vld [tilespmem:s6+$0x8990]  }
0x1c0: {  	v28 =	vld [tilespmem:s6+$0x89A0]  }
0x1c1: {  	v29 =	vld [tilespmem:s6+$0x89B0]  }
0x1c2: {  	v30 =	vld [tilespmem:s6+$0x89C0]  }
0x1c3: {  	v31 =	vld [tilespmem:s6+$0x89D0]  }
0x1c4: {  	v1 =	vld [tilespmem:s6+$0x89E0]  }
0x1c5: {  	[tilespmem:s6+$0x10800] =	vst.add.f32.msk $0xffff, v2  }
0x1c6: {  	[tilespmem:s6+$0x10810] =	vst.add.f32.msk $0xffff, v3  }
0x1c7: {  	[tilespmem:s6+$0x10820] =	vst.add.f32.msk $0xffff, v4  }
0x1c8: {  	[tilespmem:s6+$0x10830] =	vst.add.f32.msk $0xffff, v5  }
0x1c9: {  	[tilespmem:s6+$0x10840] =	vst.add.f32.msk $0xffff, v6  }
0x1ca: {  	[tilespmem:s6+$0x10850] =	vst.add.f32.msk $0xffff, v7  }
0x1cb: {  	[tilespmem:s6+$0x10860] =	vst.add.f32.msk $0xffff, v8  }
0x1cc: {  	[tilespmem:s6+$0x10870] =	vst.add.f32.msk $0xffff, v9  }
0x1cd: {  	[tilespmem:s6+$0x10880] =	vst.add.f32.msk $0xffff, v10  }
0x1ce: {  	[tilespmem:s6+$0x10890] =	vst.add.f32.msk $0xffff, v11  }
0x1cf: {  	[tilespmem:s6+$0x108A0] =	vst.add.f32.msk $0xffff, v12  }
0x1d0: {  	[tilespmem:s6+$0x108B0] =	vst.add.f32.msk $0xffff, v13  }
0x1d1: {  	[tilespmem:s6+$0x108C0] =	vst.add.f32.msk $0xffff, v14  }
0x1d2: {  	[tilespmem:s6+$0x108D0] =	vst.add.f32.msk $0xffff, v15  }
0x1d3: {  	[tilespmem:s6+$0x108E0] =	vst.add.f32.msk $0xffff, v16  }
0x1d4: {  	[tilespmem:s6+$0x108F0] =	vst.add.f32.msk $0xffff, v17  }
0x1d5: {  	[tilespmem:s6+$0x10900] =	vst.add.f32.msk $0xffff, v18  }
0x1d6: {  	[tilespmem:s6+$0x10910] =	vst.add.f32.msk $0xffff, v19  }
0x1d7: {  	[tilespmem:s6+$0x10920] =	vst.add.f32.msk $0xffff, v20  }
0x1d8: {  	[tilespmem:s6+$0x10930] =	vst.add.f32.msk $0xffff, v21  }
0x1d9: {  	[tilespmem:s6+$0x10940] =	vst.add.f32.msk $0xffff, v22  }
0x1da: {  	[tilespmem:s6+$0x10950] =	vst.add.f32.msk $0xffff, v23  }
0x1db: {  	[tilespmem:s6+$0x10960] =	vst.add.f32.msk $0xffff, v24  }
0x1dc: {  	[tilespmem:s6+$0x10970] =	vst.add.f32.msk $0xffff, v25  }
0x1dd: {  	[tilespmem:s6+$0x10980] =	vst.add.f32.msk $0xffff, v26  }
.Ltmp3:
0x1de: {  	[tilespmem:s6+$0x10990] =	vst.add.f32.msk $0xffff, v27;
	(pc) =	sbr.rel @p0 .LBB2_9-.Ltmp3, $4  }
0x1df: {  	[tilespmem:s6+$0x109A0] =	vst.add.f32.msk $0xffff, v28  }
0x1e0: {  	[tilespmem:s6+$0x109B0] =	vst.add.f32.msk $0xffff, v29  }
0x1e1: {  	[tilespmem:s6+$0x109C0] =	vst.add.f32.msk $0xffff, v30  }
0x1e2: {  	s2 =	sadd.s32 $0x800, s2;
	[tilespmem:s6+$0x109D0] =	vst.add.f32.msk $0xffff, v31  }
0x1e3: {  	s10 =	sadd.s32 $0x1, s10  }
0x1e4: {  	p0 =	sne.s32 s10, $0x32  }
.Ltmp4:
0x1e5: {  	_ = 	snop;
	(pc) =	sbr.rel @p0 .LBB2_4-.Ltmp4, $2  }
0x1e6: {  	_ =	sdelay $0x2  }
0x1e7: {  	[tilespmem:s6+$0x109E0] =	vst.add.f32.msk $0xffff, v1  }
0x1e8: {  	s2 =	simm.s32 $0x0;
	s6 =	rddreg [dreg:$0x4];
	s7 =	simm.s32 $0x10800  }
0x1e9: {  	[hbm4b:s6+s2] =	stream.linear.scatter [tilespmem:s7], [sflag:$0x5], $0x8000, $0x38;
	[tilespmem:$0x18800] =	vst v63  }
0x1ea: {  	s6 =	simm.s32 $0x5  }
0x1eb: {  	_ =	swait.ge [sflag:s6], $0x8000  }
0x1ec: {  	s9 =	rddreg [dreg:$0x6]  }
0x1ed: {  	s10 =	rddreg [dreg:$0x5];
	s7 =	sadd.s32 $0x1, s9  }
0x1ee: {  	p0 =	sne.s32 s7, s10  }
.Ltmp5:
0x1ef: {  	_ = 	snop;
	(pc) =	sbr.rel @p0 .LBB2_1-.Ltmp5, $3  }
0x1f0: {  	_ =	sdelay $0x1  }
0x1f1: {  	[sflag:s6] =	ssyncset.done $0x0  }
0x1f2: {  	[sflag:s6] =	ssyncadd.s32 $0xFFFF8000  }
0x1f3: {  	_ =	sfence.sel $0x180000  }
0x1f4: {  	[bflag:$0x0] =	sbarrier.arrive $0xFFFF  }
0x1f5: {  	_ =	strace $0x90000047  }
0x1f6: {  	s0 =	stileid.u32;
	[bflag:$0x2] =	sbarrier.arrive $0xFFFF  }
0x1f7: {  	p0 =	sne.s32 s0, $0x0;
	s0 =	rddreg [dreg:$0x1]  }
0x1f8: {  	s0 =	sadd.s32 @!p0 $0x100000, s0  }
0x1f9: {  	[sflag:s0] =	ssyncadd.tile.s32 @!p0 $0x1;
	_ =	shalt  }
.Lfunc_end2:
_tile_overlayer_lowered:
.L_overlay_start_2:
0x1fa: {  	(tag) =	ssettag $0x2  }
0x1fb: {  	s0 =	rddreg [dreg:$0x0];
	s2 =	stileid.u32  }
0x1fc: {  	s1 =	rddreg [dreg:$0x1];
	p0 =	sne.s32 s2, $0x0  }
0x1fd: {  	s3 =	rddreg [dreg:$0x2];
	[bflag:$0x3] =	sbarrier.arrive $0xFFFF;
	s2 =	simm.s32 @!p0 $0x1C06  }
0x1fe: {  	[timem:s3], [sflag:s2] =	dma.local @!p0 [hbm:s0], s1  }
0x1ff: {  	s0 =	simm.s32 @!p0 $0x6  }
0x200: {  	_ =	swait.ge @!p0 [sflag:s0], s1  }
0x201: {  	s1 =	ssub.s32 @!p0 $0x0, s1;
	[sflag:s0] =	ssyncset.done @!p0 $0x0  }
0x202: {  	[sflag:s0] =	ssyncadd.s32 @!p0 s1  }
0x203: {  	[bflag:$0x3] =	sbarrier.arrive $0xFFFF  }
0x204: {  	_ =	shalt  }

</sc_bundles>
